<compile_context>
chip_gen: v7x
topology: tpu7x:2x2x1
jax: 0.10.2.dev20260603
libtpu: 0.0.44.dev20260713+nightly
codegen_flags: <defaults>
</compile_context>

<pallas_src>
import functools

import jax
import jax.numpy as jnp
import numpy as np
from jax import lax
from jax.experimental import pallas as pl
from jax.experimental.pallas import tpu as pltpu
from jax.experimental.pallas import tpu_sc as plsc

K = 32
EPS = 1e-5
NB = 200
QB = 400
CW = 1024


def _proj_body(p_ref, x_ref, w1a_ref, w1b_ref, b1_ref, a_ref, p3_ref):
    p = p_ref[...]
    p3 = (p[:, 0:1] * w1a_ref[0:1, :]
          + p[:, 1:2] * w1a_ref[1:2, :]
          + p[:, 2:3] * w1a_ref[2:3, :])
    a = p3 + jnp.dot(x_ref[...], w1b_ref[...],
                     preferred_element_type=jnp.float32) + b1_ref[...]
    a_ref[...] = a
    p3_ref[...] = p3


def _stats1_body(acol_ref, p3_ref, acc_ref):
    t = acol_ref[...].reshape(NB, K, 128) - p3_ref[...][:, None, :]
    s = jnp.sum(t, axis=(0, 1))
    ss = jnp.sum(t * t, axis=(0, 1))
    upd = jnp.concatenate([s[None, :], ss[None, :],
                           jnp.zeros((6, 128), jnp.float32)], axis=0)

    @pl.when(pl.program_id(0) == 0)
    def _():
        acc_ref[...] = jnp.zeros_like(acc_ref)

    acc_ref[...] += upd


def _pass2_body(acol_ref, p3_ref, st1_ref, w2_ref, b2_ref, g1_ref, be1_ref,
                m_ref, acc_ref, inv_e):
    mu1 = st1_ref[0:1, :] * inv_e
    var1 = st1_ref[1:2, :] * inv_e - mu1 * mu1
    inv1 = g1_ref[...] * jax.lax.rsqrt(var1 + EPS)
    sh1 = be1_ref[...] - mu1 * inv1
    t = acol_ref[...].reshape(NB, K, 128) - p3_ref[...][:, None, :]
    u = jnp.maximum(t * inv1[None, :, :] + sh1[None, :, :], 0.0)
    h2 = jnp.dot(u.reshape(NB * K, 128), w2_ref[...],
                 preferred_element_type=jnp.float32) + b2_ref[...]
    s = jnp.sum(h2, axis=0)
    ss = jnp.sum(h2 * h2, axis=0)
    upd = jnp.concatenate([s[None, :], ss[None, :],
                           jnp.zeros((6, 128), jnp.float32)], axis=0)
    m_ref[...] = jnp.max(h2.reshape(NB, K, 128), axis=1)

    @pl.when(pl.program_id(0) == 0)
    def _():
        acc_ref[...] = jnp.zeros_like(acc_ref)

    acc_ref[...] += upd


def _final_body(m_ref, st2_ref, g2_ref, be2_ref, o_ref, inv_e):
    mu2 = st2_ref[0:1, :] * inv_e
    var2 = st2_ref[1:2, :] * inv_e - mu2 * mu2
    inv2 = g2_ref[...] * jax.lax.rsqrt(var2 + EPS)
    sh2 = be2_ref[...] - mu2 * inv2
    o_ref[...] = jnp.maximum(m_ref[...] * inv2 + sh2, 0.0)


def _knn_body(c0_ref, nc_ref, q_ref, bq_ref, ps_ref, bs_ref, col_ref, d2s):
    g = pl.program_id(0)
    c0 = c0_ref[g]
    nc = nc_ref[g]
    qx = q_ref[:, 0:1]
    qy = q_ref[:, 1:2]
    qz = q_ref[:, 2:3]
    bq = bq_ref[...]
    inf = jnp.float32(jnp.inf)
    bigi = jnp.int32(2 ** 30)
    liota = jax.lax.broadcasted_iota(jnp.int32, (1, CW), 1)

    def fill_chunk(j, _):
        cs = pl.multiple_of((c0 + j) * CW, CW)
        sx = ps_ref[0:1, pl.ds(cs, CW)]
        sy = ps_ref[1:2, pl.ds(cs, CW)]
        sz = ps_ref[2:3, pl.ds(cs, CW)]
        bs = bs_ref[0:1, pl.ds(cs, CW)]
        d2 = (qx - sx) ** 2 + (qy - sy) ** 2 + (qz - sz) ** 2
        d2s[:, pl.ds(j * CW, CW)] = jnp.where(bq != bs, inf, d2)
        return 0

    jax.lax.fori_loop(0, nc, fill_chunk, 0)

    prev = jnp.full((QB, 1), -1.0, jnp.float32)
    for it in range(K):
        def scan_chunk(j, carry, prev=prev):
            mv, mi = carry
            off = pl.multiple_of(j * CW, CW)
            lcol = liota + j * CW
            dd = d2s[:, pl.ds(off, CW)]
            t = jnp.where(dd > prev, dd, inf)
            cm = jnp.min(t, axis=1, keepdims=True)
            lfirst = jnp.min(jnp.where(t == cm, lcol, bigi), axis=1,
                             keepdims=True)
            upd = cm < mv
            return (jnp.where(upd, cm, mv), jnp.where(upd, lfirst, mi))

        mv0 = jnp.full((QB, 1), inf)
        mi0 = jnp.zeros((QB, 1), jnp.int32)
        prev, mi = jax.lax.fori_loop(0, nc, scan_chunk, (mv0, mi0))
        col_ref[:, it:it + 1] = mi + c0 * CW


def _knn_cols(p, b, k):
    n = p.shape[0]
    npad = ((n + CW - 1) // CW) * CW
    b32 = b.astype(jnp.int32)
    ps = jnp.zeros((8, npad), jnp.float32).at[:3, :n].set(p.T)
    bs = jnp.full((8, npad), -9, jnp.int32).at[0, :n].set(b32)
    bq = b32.reshape(n, 1)
    nblk = n // QB
    qlo = jnp.arange(nblk, dtype=jnp.int32) * QB
    starts = jnp.searchsorted(b32, jnp.arange(4, dtype=jnp.int32),
                              side='left').astype(jnp.int32)
    ends = jnp.searchsorted(b32, jnp.arange(4, dtype=jnp.int32),
                            side='right').astype(jnp.int32)
    sup_lo = starts[b32[qlo]]
    sup_hi = ends[b32[qlo + QB - 1]]
    chunk_lo = sup_lo // CW
    n_chunks = (sup_hi + CW - 1) // CW - chunk_lo
    col = pl.pallas_call(
        _knn_body,
        grid_spec=pltpu.PrefetchScalarGridSpec(
            num_scalar_prefetch=2,
            grid=(nblk,),
            in_specs=[
                pl.BlockSpec((QB, 3), lambda g, c0, nc: (g, 0)),
                pl.BlockSpec((QB, 1), lambda g, c0, nc: (g, 0)),
                pl.BlockSpec((8, npad), lambda g, c0, nc: (0, 0)),
                pl.BlockSpec((8, npad), lambda g, c0, nc: (0, 0)),
            ],
            out_specs=pl.BlockSpec((QB, k), lambda g, c0, nc: (g, 0)),
            scratch_shapes=[pltpu.VMEM((QB, npad), jnp.float32)],
        ),
        out_shape=jax.ShapeDtypeStruct((n, k), jnp.int32),
    )(chunk_lo, n_chunks, p, bq, ps, bs)
    return col.reshape(-1)


_SC_NW = 32
_SC_CB = 128


def _sc_gather(table, col):
    n, c = table.shape
    e = col.shape[0]
    nchunks = -(-e // (_SC_NW * _SC_CB))
    nchunks += nchunks % 2
    per_w = nchunks * _SC_CB
    epad = per_w * _SC_NW
    colp = jnp.zeros((epad,), jnp.int32).at[:e].set(col)
    mesh = plsc.VectorSubcoreMesh(core_axis_name="c", subcore_axis_name="s")

    @functools.partial(
        pl.kernel, mesh=mesh,
        out_type=jax.ShapeDtypeStruct((epad, c), jnp.float32),
        scratch_types=[
            pltpu.VMEM((_SC_CB,), jnp.int32),
            pltpu.VMEM((_SC_CB,), jnp.int32),
            pltpu.VMEM((_SC_CB, c), jnp.float32),
            pltpu.VMEM((_SC_CB, c), jnp.float32),
            pltpu.SemaphoreType.DMA,
            pltpu.SemaphoreType.DMA,
            pltpu.SemaphoreType.DMA,
            pltpu.SemaphoreType.DMA,
        ],
    )
    def gk(table_hbm, idx_hbm, out_hbm, idx_a, idx_b, rows_a, rows_b,
           sem_a, sem_b, sem_sa, sem_sb):
        wid = lax.axis_index("s") * 2 + lax.axis_index("c")
        wbase = wid * per_w
        w0 = pl.multiple_of(wbase, _SC_CB)
        w1 = pl.multiple_of(wbase + _SC_CB, _SC_CB)
        pltpu.async_copy(rows_a, out_hbm.at[pl.ds(w0, _SC_CB)], sem_sa)
        pltpu.async_copy(rows_b, out_hbm.at[pl.ds(w1, _SC_CB)], sem_sb)

        def pair(jj, _):
            base_a = pl.multiple_of(wbase + jj * (2 * _SC_CB), _SC_CB)
            base_b = pl.multiple_of(base_a + _SC_CB, _SC_CB)
            pltpu.make_async_copy(
                rows_a, out_hbm.at[pl.ds(base_a, _SC_CB)], sem_sa).wait()
            pltpu.sync_copy(idx_hbm.at[pl.ds(base_a, _SC_CB)], idx_a)
            ha = pltpu.async_copy(table_hbm.at[idx_a], rows_a, sem_a)
            pltpu.make_async_copy(
                rows_b, out_hbm.at[pl.ds(base_b, _SC_CB)], sem_sb).wait()
            pltpu.sync_copy(idx_hbm.at[pl.ds(base_b, _SC_CB)], idx_b)
            hb = pltpu.async_copy(table_hbm.at[idx_b], rows_b, sem_b)
            ha.wait()
            pltpu.async_copy(rows_a, out_hbm.at[pl.ds(base_a, _SC_CB)], sem_sa)
            hb.wait()
            pltpu.async_copy(rows_b, out_hbm.at[pl.ds(base_b, _SC_CB)], sem_sb)
            return 0

        lax.fori_loop(0, nchunks // 2, pair, 0)
        pltpu.make_async_copy(
            rows_a, out_hbm.at[pl.ds(w0, _SC_CB)], sem_sa).wait()
        pltpu.make_async_copy(
            rows_b, out_hbm.at[pl.ds(w1, _SC_CB)], sem_sb).wait()

    return gk(table, colp)


def kernel(p, x, b, W1, bias1, g1, be1, W2, bias2, g2, be2):
    n, c = x.shape
    e_total = n * K
    inv_e = np.float32(1.0 / e_total)
    w1a = W1[:3]
    w1b = W1[3:]
    b1r = bias1.reshape(1, c)
    g1r = g1.reshape(1, c)
    be1r = be1.reshape(1, c)
    b2r = bias2.reshape(1, c)
    g2r = g2.reshape(1, c)
    be2r = be2.reshape(1, c)

    a, p3 = pl.pallas_call(
        _proj_body,
        out_shape=[jax.ShapeDtypeStruct((n, c), jnp.float32),
                   jax.ShapeDtypeStruct((n, c), jnp.float32)],
    )(p, x, w1a, w1b, b1r)

    col = _knn_cols(p, b, K)
    acol = _sc_gather(a, col)

    grid = n // NB
    st1 = pl.pallas_call(
        _stats1_body,
        grid=(grid,),
        in_specs=[pl.BlockSpec((NB * K, c), lambda i: (i, 0)),
                  pl.BlockSpec((NB, c), lambda i: (i, 0))],
        out_specs=pl.BlockSpec((8, c), lambda i: (0, 0)),
        out_shape=jax.ShapeDtypeStruct((8, c), jnp.float32),
    )(acol, p3)

    m, st2 = pl.pallas_call(
        functools.partial(_pass2_body, inv_e=inv_e),
        grid=(grid,),
        in_specs=[pl.BlockSpec((NB * K, c), lambda i: (i, 0)),
                  pl.BlockSpec((NB, c), lambda i: (i, 0)),
                  pl.BlockSpec((8, c), lambda i: (0, 0)),
                  pl.BlockSpec((c, c), lambda i: (0, 0)),
                  pl.BlockSpec((1, c), lambda i: (0, 0)),
                  pl.BlockSpec((1, c), lambda i: (0, 0)),
                  pl.BlockSpec((1, c), lambda i: (0, 0))],
        out_specs=[pl.BlockSpec((NB, c), lambda i: (i, 0)),
                   pl.BlockSpec((8, c), lambda i: (0, 0))],
        out_shape=[jax.ShapeDtypeStruct((n, c), jnp.float32),
                   jax.ShapeDtypeStruct((8, c), jnp.float32)],
    )(acol, p3, st1, W2, b2r, g1r, be1r)

    x_agg = pl.pallas_call(
        functools.partial(_final_body, inv_e=inv_e),
        out_shape=jax.ShapeDtypeStruct((n, c), jnp.float32),
    )(m, st2, g2r, be2r)

    return (p, x_agg, b)

# --- scband reference (transcript-rebuilt; emitter-appended) ---
"""Pipeline reference for scband-set-abstraction-py-g-13237089206886 (READ-ONLY COPY).

The authoritative reference and input builder live on the scoring server;
editing this copy changes nothing except your own understanding.
"""

import jax, jax.numpy as jnp
import numpy as np

K = 32
EPS = 1e-5


def knn_edges(p, b, k):
    # PyG-style knn(x=p_support, y=p_query, k, b, b): for each query point,
    # find k nearest support points within the same batch (self included).
    N = p.shape[0]
    rows = []
    cols = []
    chunk = 2000
    for s in range(0, N, chunk):
        pq = p[s:s + chunk]
        bq = b[s:s + chunk]
        d2 = jnp.sum((pq[:, None, :] - p[None, :, :]) ** 2, axis=-1)
        mask = bq[:, None] != b[None, :]
        d2 = jnp.where(mask, jnp.inf, d2)
        _, idx = jax.lax.top_k(-d2, k)
        rows.append(jnp.repeat(jnp.arange(s, s + pq.shape[0]), k))
        cols.append(idx.reshape(-1))
    row = jnp.concatenate(rows)
    col = jnp.concatenate(cols)
    return row, col


def bn1d(h, gamma, beta):
    # BatchNorm1d in training mode: biased batch statistics over dim 0
    mu = jnp.mean(h, axis=0)
    var = jnp.var(h, axis=0)
    return (h - mu) / jnp.sqrt(var + EPS) * gamma + beta


def setup_inputs(seed: int = 0) -> dict:
    key = jax.random.key(seed)
    ks = jax.random.split(key, 12)
    N, C = 10000, 128
    p = jax.random.normal(ks[0], (N, 3), dtype=jnp.float32)
    x = jax.random.normal(ks[1], (N, C), dtype=jnp.float32)
    b = jnp.sort(jax.random.randint(ks[2], (N,), 0, 4, dtype=jnp.int64))
    c_in = C + 3  # 131
    W1 = jax.random.normal(ks[3], (c_in, 128), dtype=jnp.float32) / np.sqrt(c_in)
    bias1 = jnp.zeros((128,), dtype=jnp.float32)
    g1 = jnp.ones((128,), dtype=jnp.float32)
    be1 = jnp.zeros((128,), dtype=jnp.float32)
    W2 = jax.random.normal(ks[4], (128, 128), dtype=jnp.float32) / np.sqrt(128.0)
    bias2 = jnp.zeros((128,), dtype=jnp.float32)
    g2 = jnp.ones((128,), dtype=jnp.float32)
    be2 = jnp.zeros((128,), dtype=jnp.float32)
    return {"p": p, "x": x, "b": b, "W1": W1, "bias1": bias1, "g1": g1,
            "be1": be1, "W2": W2, "bias2": bias2, "g2": g2, "be2": be2}


def reference(p, x, b, W1, bias1, g1, be1, W2, bias2, g2, be2):
    # stride == 1 -> no downsampling: new_p = p, new_b = b
    N = p.shape[0]
    row, col = knn_edges(p, b, K)  # edge_index[0]=query, edge_index[1]=support
    dp = p[col] - p[row]
    xj = x[col]
    h = jnp.concatenate([dp, xj], axis=1)
    # conv1: Linear -> BN -> ReLU
    h = h @ W1 + bias1
    h = bn1d(h, g1, be1)
    h = jax.nn.relu(h)
    # conv2: Linear -> BN -> ReLU (use_res=False so last layer keeps act)
    h = h @ W2 + bias2
    h = bn1d(h, g2, be2)
    h = jax.nn.relu(h)
    # scatter-max aggregation onto query nodes
    x_agg = jax.ops.segment_max(h, row, num_segments=N)
    return (p, x_agg, b)

if __name__ == "__main__":
    import jax
    _d = setup_inputs()
    print(jax.jit(kernel)(*tuple(_d.values())))

</pallas_src>

<mosaic_0001>
#map = affine_map<(d0, d1) -> (0, 0)>
#map1 = affine_map<(d0, d1) -> (0)>
module attributes {stable_mosaic.version = 14 : i64} {
  func.func @gk(%arg0: i32, %arg1: i32, %arg2: memref<10000x128xf32, #tpu.memory_space<hbm>>, %arg3: memref<327680xi32, #tpu.memory_space<hbm>>, %arg4: memref<327680x128xf32, #tpu.memory_space<hbm>>, %arg5: memref<128xi32, #tpu.memory_space<vmem>>, %arg6: memref<128xi32, #tpu.memory_space<vmem>>, %arg7: memref<128x128xf32, #tpu.memory_space<vmem>>, %arg8: memref<128x128xf32, #tpu.memory_space<vmem>>, %arg9: memref<!tpu.dma_semaphore, #tpu.memory_space<semaphore_mem>>, %arg10: memref<!tpu.dma_semaphore, #tpu.memory_space<semaphore_mem>>, %arg11: memref<!tpu.dma_semaphore, #tpu.memory_space<semaphore_mem>>, %arg12: memref<!tpu.dma_semaphore, #tpu.memory_space<semaphore_mem>>) attributes {dimension_semantics = [#tpu.dimension_semantics<core_parallel>, #tpu.dimension_semantics<subcore_parallel>], iteration_bounds = array<i64: 2, 16>, scalar_prefetch = 0 : i64, scratch_operands = 8 : i64, tpu.core_type = #tpu.core_type<sc_vector_subcore>, window_params = [{transform_indices = #map}, {transform_indices = #map1}, {transform_indices = #map}]} {
    %mul3A = arith.constant 2 : i32
    %mul3A_0 = arith.muli %arg1, %mul3A : i32
    %add3A = arith.addi %mul3A_0, %arg0 : i32
    %mul3A_1 = arith.constant 10240 : i32
    %mul3A_2 = arith.muli %add3A, %mul3A_1 : i32
    %multiple_of3A = tpu.assume_multiple %mul3A_2, 128 : i32
    %add3A_3 = arith.constant 128 : i32
    %add3A_4 = arith.addi %mul3A_2, %add3A_3 : i32
    %multiple_of3A_5 = tpu.assume_multiple %add3A_4, 128 : i32
    %dma_start3A = arith.constant 0 : i32
    %dma_start3A_6 = tpu.memref_slice %arg4[%multiple_of3A, %dma_start3A] : memref<327680x128xf32, #tpu.memory_space<hbm>> -> memref<128x128xf32, #tpu.memory_space<hbm>>
    %dma_start3A_7 = arith.constant 0 : i32
    %dma_start3A_8 = tpu.memref_slice %arg4[%multiple_of3A, %dma_start3A_7] : memref<327680x128xf32, #tpu.memory_space<hbm>> -> memref<128x128xf32, #tpu.memory_space<hbm>>
    tpu.enqueue_dma source(%arg7 : memref<128x128xf32, #tpu.memory_space<vmem>>) target(%dma_start3A_8 : memref<128x128xf32, #tpu.memory_space<hbm>>) target_semaphore(%arg11 : memref<!tpu.dma_semaphore, #tpu.memory_space<semaphore_mem>>)
    %dma_start3A_9 = arith.constant 0 : i32
    %dma_start3A_10 = tpu.memref_slice %arg4[%multiple_of3A_5, %dma_start3A_9] : memref<327680x128xf32, #tpu.memory_space<hbm>> -> memref<128x128xf32, #tpu.memory_space<hbm>>
    %dma_start3A_11 = arith.constant 0 : i32
    %dma_start3A_12 = tpu.memref_slice %arg4[%multiple_of3A_5, %dma_start3A_11] : memref<327680x128xf32, #tpu.memory_space<hbm>> -> memref<128x128xf32, #tpu.memory_space<hbm>>
    tpu.enqueue_dma source(%arg8 : memref<128x128xf32, #tpu.memory_space<vmem>>) target(%dma_start3A_12 : memref<128x128xf32, #tpu.memory_space<hbm>>) target_semaphore(%arg12 : memref<!tpu.dma_semaphore, #tpu.memory_space<semaphore_mem>>)
    %scan3A = arith.constant 0 : i32
    %scan3A_13 = arith.constant 0 : i32
    %scan3A_14 = arith.constant 40 : i32
    %scan3A_15 = arith.addi %scan3A_13, %scan3A_14 : i32
    %scan3A_16 = arith.constant 1 : i32
    %scan3A_17 = scf.for %scan3A_26 = %scan3A_13 to %scan3A_15 step %scan3A_16 iter_args(%scan3A_27 = %scan3A) -> (i32)  : i32 {
      %mul3A_28 = arith.constant 256 : i32
      %mul3A_29 = arith.muli %scan3A_26, %mul3A_28 : i32
      %add3A_30 = arith.addi %mul3A_2, %mul3A_29 : i32
      %multiple_of3A_31 = tpu.assume_multiple %add3A_30, 128 : i32
      %add3A_32 = arith.constant 128 : i32
      %add3A_33 = arith.addi %multiple_of3A_31, %add3A_32 : i32
      %multiple_of3A_34 = tpu.assume_multiple %add3A_33, 128 : i32
      %dma_wait3A_35 = arith.constant 0 : i32
      %dma_wait3A_36 = tpu.memref_slice %arg4[%multiple_of3A_31, %dma_wait3A_35] : memref<327680x128xf32, #tpu.memory_space<hbm>> -> memref<128x128xf32, #tpu.memory_space<hbm>>
      %dma_wait3A_37 = arith.constant 0 : i32
      %dma_wait3A_38 = tpu.memref_slice %arg4[%multiple_of3A_31, %dma_wait3A_37] : memref<327680x128xf32, #tpu.memory_space<hbm>> -> memref<128x128xf32, #tpu.memory_space<hbm>>
      tpu.wait_dma2 semaphore(%arg11 : memref<!tpu.dma_semaphore, #tpu.memory_space<semaphore_mem>>) src(%arg7 : memref<128x128xf32, #tpu.memory_space<vmem>>) dst(%dma_wait3A_38 : memref<128x128xf32, #tpu.memory_space<hbm>>)
      "tpu.region"() ({
        %run_scoped3A = tpu.sem_alloc : memref<!tpu.dma_semaphore, #tpu.memory_space<semaphore_mem>>
        %dma_start3A_64 = tpu.memref_slice %arg3[%multiple_of3A_31] : memref<327680xi32, #tpu.memory_space<hbm>> -> memref<128xi32, #tpu.memory_space<hbm>>
        %dma_start3A_65 = tpu.memref_slice %arg3[%multiple_of3A_31] : memref<327680xi32, #tpu.memory_space<hbm>> -> memref<128xi32, #tpu.memory_space<hbm>>
        tpu.enqueue_dma source(%dma_start3A_65 : memref<128xi32, #tpu.memory_space<hbm>>) target(%arg5 : memref<128xi32, #tpu.memory_space<vmem>>) target_semaphore(%run_scoped3A : memref<!tpu.dma_semaphore, #tpu.memory_space<semaphore_mem>>)
        %dma_wait3A_66 = tpu.memref_slice %arg3[%multiple_of3A_31] : memref<327680xi32, #tpu.memory_space<hbm>> -> memref<128xi32, #tpu.memory_space<hbm>>
        %dma_wait3A_67 = tpu.memref_slice %arg3[%multiple_of3A_31] : memref<327680xi32, #tpu.memory_space<hbm>> -> memref<128xi32, #tpu.memory_space<hbm>>
        tpu.wait_dma2 semaphore(%run_scoped3A : memref<!tpu.dma_semaphore, #tpu.memory_space<semaphore_mem>>) src(%dma_wait3A_67 : memref<128xi32, #tpu.memory_space<hbm>>) dst(%arg5 : memref<128xi32, #tpu.memory_space<vmem>>)
        tpu.yield
      }) : () -> ()
      %dma_start3A_39 = arith.constant 0 : i32
      %dma_start3A_40 = arith.constant 0 : i32
      %dma_start3A_41 = tpu.memref_slice %arg2[%dma_start3A_39, %dma_start3A_40] : memref<10000x128xf32, #tpu.memory_space<hbm>> -> memref<10000x128xf32, #tpu.memory_space<hbm>>
      tpu.enqueue_indirect_dma source(%dma_start3A_41 : memref<10000x128xf32, #tpu.memory_space<hbm>>) target(%arg7 : memref<128x128xf32, #tpu.memory_space<vmem>>) offsets(%arg5 : memref<128xi32, #tpu.memory_space<vmem>>) semaphore(%arg9 : memref<!tpu.dma_semaphore, #tpu.memory_space<semaphore_mem>>)
      %dma_wait3A_42 = arith.constant 0 : i32
      %dma_wait3A_43 = tpu.memref_slice %arg4[%multiple_of3A_34, %dma_wait3A_42] : memref<327680x128xf32, #tpu.memory_space<hbm>> -> memref<128x128xf32, #tpu.memory_space<hbm>>
      %dma_wait3A_44 = arith.constant 0 : i32
      %dma_wait3A_45 = tpu.memref_slice %arg4[%multiple_of3A_34, %dma_wait3A_44] : memref<327680x128xf32, #tpu.memory_space<hbm>> -> memref<128x128xf32, #tpu.memory_space<hbm>>
      tpu.wait_dma2 semaphore(%arg12 : memref<!tpu.dma_semaphore, #tpu.memory_space<semaphore_mem>>) src(%arg8 : memref<128x128xf32, #tpu.memory_space<vmem>>) dst(%dma_wait3A_45 : memref<128x128xf32, #tpu.memory_space<hbm>>)
      "tpu.region"() ({
        %run_scoped3A = tpu.sem_alloc : memref<!tpu.dma_semaphore, #tpu.memory_space<semaphore_mem>>
        %dma_start3A_64 = tpu.memref_slice %arg3[%multiple_of3A_34] : memref<327680xi32, #tpu.memory_space<hbm>> -> memref<128xi32, #tpu.memory_space<hbm>>
        %dma_start3A_65 = tpu.memref_slice %arg3[%multiple_of3A_34] : memref<327680xi32, #tpu.memory_space<hbm>> -> memref<128xi32, #tpu.memory_space<hbm>>
        tpu.enqueue_dma source(%dma_start3A_65 : memref<128xi32, #tpu.memory_space<hbm>>) target(%arg6 : memref<128xi32, #tpu.memory_space<vmem>>) target_semaphore(%run_scoped3A : memref<!tpu.dma_semaphore, #tpu.memory_space<semaphore_mem>>)
        %dma_wait3A_66 = tpu.memref_slice %arg3[%multiple_of3A_34] : memref<327680xi32, #tpu.memory_space<hbm>> -> memref<128xi32, #tpu.memory_space<hbm>>
        %dma_wait3A_67 = tpu.memref_slice %arg3[%multiple_of3A_34] : memref<327680xi32, #tpu.memory_space<hbm>> -> memref<128xi32, #tpu.memory_space<hbm>>
        tpu.wait_dma2 semaphore(%run_scoped3A : memref<!tpu.dma_semaphore, #tpu.memory_space<semaphore_mem>>) src(%dma_wait3A_67 : memref<128xi32, #tpu.memory_space<hbm>>) dst(%arg6 : memref<128xi32, #tpu.memory_space<vmem>>)
        tpu.yield
      }) : () -> ()
      %dma_start3A_46 = arith.constant 0 : i32
      %dma_start3A_47 = arith.constant 0 : i32
      %dma_start3A_48 = tpu.memref_slice %arg2[%dma_start3A_46, %dma_start3A_47] : memref<10000x128xf32, #tpu.memory_space<hbm>> -> memref<10000x128xf32, #tpu.memory_space<hbm>>
      tpu.enqueue_indirect_dma source(%dma_start3A_48 : memref<10000x128xf32, #tpu.memory_space<hbm>>) target(%arg8 : memref<128x128xf32, #tpu.memory_space<vmem>>) offsets(%arg6 : memref<128xi32, #tpu.memory_space<vmem>>) semaphore(%arg10 : memref<!tpu.dma_semaphore, #tpu.memory_space<semaphore_mem>>)
      %dma_wait3A_49 = arith.constant 0 : i32
      %dma_wait3A_50 = arith.constant 0 : i32
      %dma_wait3A_51 = tpu.memref_slice %arg2[%dma_wait3A_49, %dma_wait3A_50] : memref<10000x128xf32, #tpu.memory_space<hbm>> -> memref<10000x128xf32, #tpu.memory_space<hbm>>
      tpu.wait_indirect_dma semaphore(%arg9 : memref<!tpu.dma_semaphore, #tpu.memory_space<semaphore_mem>>) src(%dma_wait3A_51 : memref<10000x128xf32, #tpu.memory_space<hbm>>) dst(%arg7 : memref<128x128xf32, #tpu.memory_space<vmem>>)
      %dma_start3A_52 = arith.constant 0 : i32
      %dma_start3A_53 = tpu.memref_slice %arg4[%multiple_of3A_31, %dma_start3A_52] : memref<327680x128xf32, #tpu.memory_space<hbm>> -> memref<128x128xf32, #tpu.memory_space<hbm>>
      %dma_start3A_54 = arith.constant 0 : i32
      %dma_start3A_55 = tpu.memref_slice %arg4[%multiple_of3A_31, %dma_start3A_54] : memref<327680x128xf32, #tpu.memory_space<hbm>> -> memref<128x128xf32, #tpu.memory_space<hbm>>
      tpu.enqueue_dma source(%arg7 : memref<128x128xf32, #tpu.memory_space<vmem>>) target(%dma_start3A_55 : memref<128x128xf32, #tpu.memory_space<hbm>>) target_semaphore(%arg11 : memref<!tpu.dma_semaphore, #tpu.memory_space<semaphore_mem>>)
      %dma_wait3A_56 = arith.constant 0 : i32
      %dma_wait3A_57 = arith.constant 0 : i32
      %dma_wait3A_58 = tpu.memref_slice %arg2[%dma_wait3A_56, %dma_wait3A_57] : memref<10000x128xf32, #tpu.memory_space<hbm>> -> memref<10000x128xf32, #tpu.memory_space<hbm>>
      tpu.wait_indirect_dma semaphore(%arg10 : memref<!tpu.dma_semaphore, #tpu.memory_space<semaphore_mem>>) src(%dma_wait3A_58 : memref<10000x128xf32, #tpu.memory_space<hbm>>) dst(%arg8 : memref<128x128xf32, #tpu.memory_space<vmem>>)
      %dma_start3A_59 = arith.constant 0 : i32
      %dma_start3A_60 = tpu.memref_slice %arg4[%multiple_of3A_34, %dma_start3A_59] : memref<327680x128xf32, #tpu.memory_space<hbm>> -> memref<128x128xf32, #tpu.memory_space<hbm>>
      %dma_start3A_61 = arith.constant 0 : i32
      %dma_start3A_62 = tpu.memref_slice %arg4[%multiple_of3A_34, %dma_start3A_61] : memref<327680x128xf32, #tpu.memory_space<hbm>> -> memref<128x128xf32, #tpu.memory_space<hbm>>
      tpu.enqueue_dma source(%arg8 : memref<128x128xf32, #tpu.memory_space<vmem>>) target(%dma_start3A_62 : memref<128x128xf32, #tpu.memory_space<hbm>>) target_semaphore(%arg12 : memref<!tpu.dma_semaphore, #tpu.memory_space<semaphore_mem>>)
      %scan3A_63 = arith.constant 0 : i32
      scf.yield %scan3A_63 : i32
    }
    %scan3A_18 = arith.constant 40 : i32
    %dma_wait3A = arith.constant 0 : i32
    %dma_wait3A_19 = tpu.memref_slice %arg4[%multiple_of3A, %dma_wait3A] : memref<327680x128xf32, #tpu.memory_space<hbm>> -> memref<128x128xf32, #tpu.memory_space<hbm>>
    %dma_wait3A_20 = arith.constant 0 : i32
    %dma_wait3A_21 = tpu.memref_slice %arg4[%multiple_of3A, %dma_wait3A_20] : memref<327680x128xf32, #tpu.memory_space<hbm>> -> memref<128x128xf32, #tpu.memory_space<hbm>>
    tpu.wait_dma2 semaphore(%arg11 : memref<!tpu.dma_semaphore, #tpu.memory_space<semaphore_mem>>) src(%arg7 : memref<128x128xf32, #tpu.memory_space<vmem>>) dst(%dma_wait3A_21 : memref<128x128xf32, #tpu.memory_space<hbm>>)
    %dma_wait3A_22 = arith.constant 0 : i32
    %dma_wait3A_23 = tpu.memref_slice %arg4[%multiple_of3A_5, %dma_wait3A_22] : memref<327680x128xf32, #tpu.memory_space<hbm>> -> memref<128x128xf32, #tpu.memory_space<hbm>>
    %dma_wait3A_24 = arith.constant 0 : i32
    %dma_wait3A_25 = tpu.memref_slice %arg4[%multiple_of3A_5, %dma_wait3A_24] : memref<327680x128xf32, #tpu.memory_space<hbm>> -> memref<128x128xf32, #tpu.memory_space<hbm>>
    tpu.wait_dma2 semaphore(%arg12 : memref<!tpu.dma_semaphore, #tpu.memory_space<semaphore_mem>>) src(%arg8 : memref<128x128xf32, #tpu.memory_space<vmem>>) dst(%dma_wait3A_25 : memref<128x128xf32, #tpu.memory_space<hbm>>)
    return
  }
}

module attributes {stable_mosaic.version = 14 : i64} {
  func.func @_knn_body(%arg0: i32, %arg1: memref<25xi32, #tpu.memory_space<smem>>, %arg2: memref<25xi32, #tpu.memory_space<smem>>, %arg3: memref<400x3xf32, #tpu.memory_space<vmem>>, %arg4: memref<400x1xi32, #tpu.memory_space<vmem>>, %arg5: memref<8x10240xf32, #tpu.memory_space<vmem>>, %arg6: memref<8x10240xi32, #tpu.memory_space<vmem>>, %arg7: memref<400x32xi32, #tpu.memory_space<vmem>>, %arg8: memref<400x10240xf32, #tpu.memory_space<vmem>>) attributes {dimension_semantics = [#tpu.dimension_semantics<arbitrary>], iteration_bounds = array<i64: 25>, scalar_prefetch = 2 : i64, scratch_operands = 1 : i64, tpu.core_type = #tpu.core_type<tc>, window_params = [{transform_indices = @transform_0, window_bounds = array<i64: 400, 3>}, {transform_indices = @transform_1, window_bounds = array<i64: 400, 1>}, {pipeline_mode = #tpu.pipeline_mode<synchronous>, transform_indices = @transform_2, window_bounds = array<i64: 8, 10240>}, {pipeline_mode = #tpu.pipeline_mode<synchronous>, transform_indices = @transform_3, window_bounds = array<i64: 8, 10240>}, {transform_indices = @transform_4, window_bounds = array<i64: 400, 32>}]} {
    %get3A = arith.index_cast %arg0 : i32 to index
    %get3A_0 = memref.load %arg1[%get3A] : memref<25xi32, #tpu.memory_space<smem>>
    %get3A_1 = arith.index_cast %arg0 : i32 to index
    %get3A_2 = memref.load %arg2[%get3A_1] : memref<25xi32, #tpu.memory_space<smem>>
    %get3A_3 = arith.constant 0 : index
    %get3A_4 = arith.constant 0 : index
    %get3A_5 = vector.load %arg3[%get3A_3, %get3A_4] : memref<400x3xf32, #tpu.memory_space<vmem>>, vector<400x1xf32>
    %get3A_6 = arith.constant 0 : index
    %get3A_7 = arith.constant 1 : index
    %get3A_8 = vector.load %arg3[%get3A_6, %get3A_7] : memref<400x3xf32, #tpu.memory_space<vmem>>, vector<400x1xf32>
    %get3A_9 = arith.constant 0 : index
    %get3A_10 = arith.constant 2 : index
    %get3A_11 = vector.load %arg3[%get3A_9, %get3A_10] : memref<400x3xf32, #tpu.memory_space<vmem>>, vector<400x1xf32>
    %get3A_12 = arith.constant 0 : index
    %get3A_13 = arith.constant 0 : index
    %get3A_14 = vector.load %arg4[%get3A_12, %get3A_13] : memref<400x1xi32, #tpu.memory_space<vmem>>, vector<400x1xi32>
    %iota3A = tpu.iota {dimensions = array<i32: 1>} : vector<1x1024xi32>
    %while3A = arith.constant 0x7F800000 : f32
    %while3A_15 = arith.constant 0 : i32
    %while3A_16 = arith.constant 0 : i32
    %while3A_17 = arith.subi %get3A_2, %while3A_15 : i32
    %while3A_18 = arith.addi %while3A_15, %while3A_17 : i32
    %while3A_19 = arith.constant 1 : i32
    %while3A_20 = arith.divsi %while3A_17, %while3A_19 : i32
    %while3A_21 = arith.muli %while3A_20, %while3A_19 : i32
    %while3A_22 = arith.addi %while3A_15, %while3A_21 : i32
    %while3A_23 = arith.constant 1 : i32
    %while3A_24 = scf.for %while3A_793 = %while3A_15 to %while3A_22 step %while3A_23 iter_args(%while3A_794 = %while3A_16) -> (i32)  : i32 {
      %add3A_795 = arith.addi %get3A_0, %while3A_793 : i32
      %mul3A_796 = arith.constant 1024 : i32
      %mul3A_797 = arith.muli %add3A_795, %mul3A_796 : i32
      %multiple_of3A = tpu.assume_multiple %mul3A_797, 1024 : i32
      %get3A_798 = arith.constant 0 : index
      %get3A_799 = arith.index_cast %multiple_of3A : i32 to index
      %get3A_800 = vector.load %arg5[%get3A_798, %get3A_799] : memref<8x10240xf32, #tpu.memory_space<vmem>>, vector<1x1024xf32>
      %get3A_801 = arith.constant 1 : index
      %get3A_802 = arith.index_cast %multiple_of3A : i32 to index
      %get3A_803 = vector.load %arg5[%get3A_801, %get3A_802] : memref<8x10240xf32, #tpu.memory_space<vmem>>, vector<1x1024xf32>
      %get3A_804 = arith.constant 2 : index
      %get3A_805 = arith.index_cast %multiple_of3A : i32 to index
      %get3A_806 = vector.load %arg5[%get3A_804, %get3A_805] : memref<8x10240xf32, #tpu.memory_space<vmem>>, vector<1x1024xf32>
      %get3A_807 = arith.constant 0 : index
      %get3A_808 = arith.index_cast %multiple_of3A : i32 to index
      %get3A_809 = vector.load %arg6[%get3A_807, %get3A_808] : memref<8x10240xi32, #tpu.memory_space<vmem>>, vector<1x1024xi32>
      %sub3A = vector.broadcast %get3A_5 : vector<400x1xf32> to vector<400x1024xf32>
      %sub3A_810 = vector.broadcast %get3A_800 : vector<1x1024xf32> to vector<400x1024xf32>
      %sub3A_811 = arith.subf %sub3A, %sub3A_810 : vector<400x1024xf32>
      %integer_pow3A = arith.mulf %sub3A_811, %sub3A_811 : vector<400x1024xf32>
      %sub3A_812 = vector.broadcast %get3A_8 : vector<400x1xf32> to vector<400x1024xf32>
      %sub3A_813 = vector.broadcast %get3A_803 : vector<1x1024xf32> to vector<400x1024xf32>
      %sub3A_814 = arith.subf %sub3A_812, %sub3A_813 : vector<400x1024xf32>
      %integer_pow3A_815 = arith.mulf %sub3A_814, %sub3A_814 : vector<400x1024xf32>
      %add3A_816 = arith.addf %integer_pow3A, %integer_pow3A_815 : vector<400x1024xf32>
      %sub3A_817 = vector.broadcast %get3A_11 : vector<400x1xf32> to vector<400x1024xf32>
      %sub3A_818 = vector.broadcast %get3A_806 : vector<1x1024xf32> to vector<400x1024xf32>
      %sub3A_819 = arith.subf %sub3A_817, %sub3A_818 : vector<400x1024xf32>
      %integer_pow3A_820 = arith.mulf %sub3A_819, %sub3A_819 : vector<400x1024xf32>
      %add3A_821 = arith.addf %add3A_816, %integer_pow3A_820 : vector<400x1024xf32>
      %ne3A = vector.broadcast %get3A_14 : vector<400x1xi32> to vector<400x1024xi32>
      %ne3A_822 = vector.broadcast %get3A_809 : vector<1x1024xi32> to vector<400x1024xi32>
      %ne3A_823 = arith.cmpi ne, %ne3A, %ne3A_822 : vector<400x1024xi32>
      %broadcast_in_dim3A_824 = vector.broadcast %while3A : f32 to vector<400x1024xf32>
      %select_n3A = arith.select %ne3A_823, %broadcast_in_dim3A_824, %add3A_821 : vector<400x1024xi1>, vector<400x1024xf32>
      %mul3A_825 = arith.constant 1024 : i32
      %mul3A_826 = arith.muli %while3A_793, %mul3A_825 : i32
      %swap3A_827 = arith.constant 0 : index
      %swap3A_828 = arith.index_cast %mul3A_826 : i32 to index
      %swap3A_829 = vector.load %arg8[%swap3A_827, %swap3A_828] : memref<400x10240xf32, #tpu.memory_space<vmem>>, vector<400x1024xf32>
      tpu.vector_store %arg8[%swap3A_827, %swap3A_828], %select_n3A {strides = array<i32>} : memref<400x10240xf32, #tpu.memory_space<vmem>>, vector<400x1024xf32>,
      %while3A_830 = arith.constant 0 : i32
      scf.yield %while3A_830 : i32
    }
    %while3A_25 = arith.constant 1 : i32
    %while3A_26 = scf.for %while3A_793 = %while3A_22 to %while3A_18 step %while3A_25 iter_args(%while3A_794 = %while3A_24) -> (i32)  : i32 {
      %add3A_795 = arith.addi %get3A_0, %while3A_793 : i32
      %mul3A_796 = arith.constant 1024 : i32
      %mul3A_797 = arith.muli %add3A_795, %mul3A_796 : i32
      %multiple_of3A = tpu.assume_multiple %mul3A_797, 1024 : i32
      %get3A_798 = arith.constant 0 : index
      %get3A_799 = arith.index_cast %multiple_of3A : i32 to index
      %get3A_800 = vector.load %arg5[%get3A_798, %get3A_799] : memref<8x10240xf32, #tpu.memory_space<vmem>>, vector<1x1024xf32>
      %get3A_801 = arith.constant 1 : index
      %get3A_802 = arith.index_cast %multiple_of3A : i32 to index
      %get3A_803 = vector.load %arg5[%get3A_801, %get3A_802] : memref<8x10240xf32, #tpu.memory_space<vmem>>, vector<1x1024xf32>
      %get3A_804 = arith.constant 2 : index
      %get3A_805 = arith.index_cast %multiple_of3A : i32 to index
      %get3A_806 = vector.load %arg5[%get3A_804, %get3A_805] : memref<8x10240xf32, #tpu.memory_space<vmem>>, vector<1x1024xf32>
      %get3A_807 = arith.constant 0 : index
      %get3A_808 = arith.index_cast %multiple_of3A : i32 to index
      %get3A_809 = vector.load %arg6[%get3A_807, %get3A_808] : memref<8x10240xi32, #tpu.memory_space<vmem>>, vector<1x1024xi32>
      %sub3A = vector.broadcast %get3A_5 : vector<400x1xf32> to vector<400x1024xf32>
      %sub3A_810 = vector.broadcast %get3A_800 : vector<1x1024xf32> to vector<400x1024xf32>
      %sub3A_811 = arith.subf %sub3A, %sub3A_810 : vector<400x1024xf32>
      %integer_pow3A = arith.mulf %sub3A_811, %sub3A_811 : vector<400x1024xf32>
      %sub3A_812 = vector.broadcast %get3A_8 : vector<400x1xf32> to vector<400x1024xf32>
      %sub3A_813 = vector.broadcast %get3A_803 : vector<1x1024xf32> to vector<400x1024xf32>
      %sub3A_814 = arith.subf %sub3A_812, %sub3A_813 : vector<400x1024xf32>
      %integer_pow3A_815 = arith.mulf %sub3A_814, %sub3A_814 : vector<400x1024xf32>
      %add3A_816 = arith.addf %integer_pow3A, %integer_pow3A_815 : vector<400x1024xf32>
      %sub3A_817 = vector.broadcast %get3A_11 : vector<400x1xf32> to vector<400x1024xf32>
      %sub3A_818 = vector.broadcast %get3A_806 : vector<1x1024xf32> to vector<400x1024xf32>
      %sub3A_819 = arith.subf %sub3A_817, %sub3A_818 : vector<400x1024xf32>
      %integer_pow3A_820 = arith.mulf %sub3A_819, %sub3A_819 : vector<400x1024xf32>
      %add3A_821 = arith.addf %add3A_816, %integer_pow3A_820 : vector<400x1024xf32>
      %ne3A = vector.broadcast %get3A_14 : vector<400x1xi32> to vector<400x1024xi32>
      %ne3A_822 = vector.broadcast %get3A_809 : vector<1x1024xi32> to vector<400x1024xi32>
      %ne3A_823 = arith.cmpi ne, %ne3A, %ne3A_822 : vector<400x1024xi32>
      %broadcast_in_dim3A_824 = vector.broadcast %while3A : f32 to vector<400x1024xf32>
      %select_n3A = arith.select %ne3A_823, %broadcast_in_dim3A_824, %add3A_821 : vector<400x1024xi1>, vector<400x1024xf32>
      %mul3A_825 = arith.constant 1024 : i32
      %mul3A_826 = arith.muli %while3A_793, %mul3A_825 : i32
      %swap3A_827 = arith.constant 0 : index
      %swap3A_828 = arith.index_cast %mul3A_826 : i32 to index
      %swap3A_829 = vector.load %arg8[%swap3A_827, %swap3A_828] : memref<400x10240xf32, #tpu.memory_space<vmem>>, vector<400x1024xf32>
      tpu.vector_store %arg8[%swap3A_827, %swap3A_828], %select_n3A {strides = array<i32>} : memref<400x10240xf32, #tpu.memory_space<vmem>>, vector<400x1024xf32>,
      %while3A_830 = arith.constant 0 : i32
      scf.yield %while3A_830 : i32
    }
    %broadcast_in_dim3A = arith.constant -1.000000e+00 : f32
    %broadcast_in_dim3A_27 = vector.broadcast %broadcast_in_dim3A : f32 to vector<400x1xf32>
    %broadcast_in_dim3A_28 = arith.constant 0x7F800000 : f32
    %broadcast_in_dim3A_29 = vector.broadcast %broadcast_in_dim3A_28 : f32 to vector<400x1xf32>
    %broadcast_in_dim3A_30 = arith.constant 0 : i32
    %broadcast_in_dim3A_31 = vector.broadcast %broadcast_in_dim3A_30 : i32 to vector<400x1xi32>
    %while3A_32 = arith.constant 0x7F800000 : f32
    %while3A_33 = arith.constant 1073741824 : i32
    %while3A_34 = arith.constant 0 : i32
    %while3A_35 = arith.subi %get3A_2, %while3A_34 : i32
    %while3A_36 = arith.addi %while3A_34, %while3A_35 : i32
    %while3A_37 = arith.constant 1 : i32
    %while3A_38 = arith.divsi %while3A_35, %while3A_37 : i32
    %while3A_39 = arith.muli %while3A_38, %while3A_37 : i32
    %while3A_40 = arith.addi %while3A_34, %while3A_39 : i32
    %while3A_41 = arith.constant 1 : i32
    %while3A_42:2 = scf.for %while3A_793 = %while3A_34 to %while3A_40 step %while3A_41 iter_args(%while3A_794 = %broadcast_in_dim3A_29, %while3A_795 = %broadcast_in_dim3A_31) -> (vector<400x1xf32>, vector<400x1xi32>)  : i32 {
      %mul3A_796 = arith.constant 1024 : i32
      %mul3A_797 = arith.muli %while3A_793, %mul3A_796 : i32
      %multiple_of3A = tpu.assume_multiple %mul3A_797, 1024 : i32
      %mul3A_798 = arith.constant 1024 : i32
      %mul3A_799 = arith.muli %while3A_793, %mul3A_798 : i32
      %add3A_800 = vector.broadcast %mul3A_799 : i32 to vector<1x1024xi32>
      %add3A_801 = arith.addi %iota3A, %add3A_800 : vector<1x1024xi32>
      %get3A_802 = arith.constant 0 : index
      %get3A_803 = arith.index_cast %multiple_of3A : i32 to index
      %get3A_804 = vector.load %arg8[%get3A_802, %get3A_803] : memref<400x10240xf32, #tpu.memory_space<vmem>>, vector<400x1024xf32>
      %gt3A = vector.broadcast %broadcast_in_dim3A_27 : vector<400x1xf32> to vector<400x1024xf32>
      %gt3A_805 = arith.cmpf ogt, %get3A_804, %gt3A : vector<400x1024xf32>
      %broadcast_in_dim3A_806 = vector.broadcast %while3A_32 : f32 to vector<400x1024xf32>
      %select_n3A = arith.select %gt3A_805, %get3A_804, %broadcast_in_dim3A_806 : vector<400x1024xi1>, vector<400x1024xf32>
      %reduce_min3A = arith.constant dense<0x7F800000> : vector<400xf32>
      %reduce_min3A_807 = vector.multi_reduction <minimumf>, %select_n3A, %reduce_min3A [1] : vector<400x1024xf32> to vector<400xf32>
      %broadcast_in_dim3A_808 = vector.shape_cast %reduce_min3A_807 : vector<400xf32> to vector<400x1xf32>
      %eq3A = vector.broadcast %broadcast_in_dim3A_808 : vector<400x1xf32> to vector<400x1024xf32>
      %eq3A_809 = arith.cmpf oeq, %select_n3A, %eq3A : vector<400x1024xf32>
      %broadcast_in_dim3A_810 = vector.shape_cast %add3A_801 : vector<1x1024xi32> to vector<1x1024xi32>
      %broadcast_in_dim3A_811 = vector.broadcast %broadcast_in_dim3A_810 : vector<1x1024xi32> to vector<400x1024xi32>
      %broadcast_in_dim3A_812 = vector.broadcast %while3A_33 : i32 to vector<400x1024xi32>
      %select_n3A_813 = arith.select %eq3A_809, %broadcast_in_dim3A_811, %broadcast_in_dim3A_812 : vector<400x1024xi1>, vector<400x1024xi32>
      %reduce_min3A_814 = arith.constant dense<2147483647> : vector<400xi32>
      %reduce_min3A_815 = vector.multi_reduction <minsi>, %select_n3A_813, %reduce_min3A_814 [1] : vector<400x1024xi32> to vector<400xi32>
      %broadcast_in_dim3A_816 = vector.shape_cast %reduce_min3A_815 : vector<400xi32> to vector<400x1xi32>
      %lt3A = arith.cmpf olt, %broadcast_in_dim3A_808, %while3A_794 : vector<400x1xf32>
      %select_n3A_817 = arith.select %lt3A, %broadcast_in_dim3A_808, %while3A_794 : vector<400x1xi1>, vector<400x1xf32>
      %select_n3A_818 = arith.select %lt3A, %broadcast_in_dim3A_816, %while3A_795 : vector<400x1xi1>, vector<400x1xi32>
      scf.yield %select_n3A_817, %select_n3A_818 : vector<400x1xf32>, vector<400x1xi32>
    }
    %while3A_43 = arith.constant 1 : i32
    %while3A_44:2 = scf.for %while3A_793 = %while3A_40 to %while3A_36 step %while3A_43 iter_args(%while3A_794 = %while3A_42#0, %while3A_795 = %while3A_42#1) -> (vector<400x1xf32>, vector<400x1xi32>)  : i32 {
      %mul3A_796 = arith.constant 1024 : i32
      %mul3A_797 = arith.muli %while3A_793, %mul3A_796 : i32
      %multiple_of3A = tpu.assume_multiple %mul3A_797, 1024 : i32
      %mul3A_798 = arith.constant 1024 : i32
      %mul3A_799 = arith.muli %while3A_793, %mul3A_798 : i32
      %add3A_800 = vector.broadcast %mul3A_799 : i32 to vector<1x1024xi32>
      %add3A_801 = arith.addi %iota3A, %add3A_800 : vector<1x1024xi32>
      %get3A_802 = arith.constant 0 : index
      %get3A_803 = arith.index_cast %multiple_of3A : i32 to index
      %get3A_804 = vector.load %arg8[%get3A_802, %get3A_803] : memref<400x10240xf32, #tpu.memory_space<vmem>>, vector<400x1024xf32>
      %gt3A = vector.broadcast %broadcast_in_dim3A_27 : vector<400x1xf32> to vector<400x1024xf32>
      %gt3A_805 = arith.cmpf ogt, %get3A_804, %gt3A : vector<400x1024xf32>
      %broadcast_in_dim3A_806 = vector.broadcast %while3A_32 : f32 to vector<400x1024xf32>
      %select_n3A = arith.select %gt3A_805, %get3A_804, %broadcast_in_dim3A_806 : vector<400x1024xi1>, vector<400x1024xf32>
      %reduce_min3A = arith.constant dense<0x7F800000> : vector<400xf32>
      %reduce_min3A_807 = vector.multi_reduction <minimumf>, %select_n3A, %reduce_min3A [1] : vector<400x1024xf32> to vector<400xf32>
      %broadcast_in_dim3A_808 = vector.shape_cast %reduce_min3A_807 : vector<400xf32> to vector<400x1xf32>
      %eq3A = vector.broadcast %broadcast_in_dim3A_808 : vector<400x1xf32> to vector<400x1024xf32>
      %eq3A_809 = arith.cmpf oeq, %select_n3A, %eq3A : vector<400x1024xf32>
      %broadcast_in_dim3A_810 = vector.shape_cast %add3A_801 : vector<1x1024xi32> to vector<1x1024xi32>
      %broadcast_in_dim3A_811 = vector.broadcast %broadcast_in_dim3A_810 : vector<1x1024xi32> to vector<400x1024xi32>
      %broadcast_in_dim3A_812 = vector.broadcast %while3A_33 : i32 to vector<400x1024xi32>
      %select_n3A_813 = arith.select %eq3A_809, %broadcast_in_dim3A_811, %broadcast_in_dim3A_812 : vector<400x1024xi1>, vector<400x1024xi32>
      %reduce_min3A_814 = arith.constant dense<2147483647> : vector<400xi32>
      %reduce_min3A_815 = vector.multi_reduction <minsi>, %select_n3A_813, %reduce_min3A_814 [1] : vector<400x1024xi32> to vector<400xi32>
      %broadcast_in_dim3A_816 = vector.shape_cast %reduce_min3A_815 : vector<400xi32> to vector<400x1xi32>
      %lt3A = arith.cmpf olt, %broadcast_in_dim3A_808, %while3A_794 : vector<400x1xf32>
      %select_n3A_817 = arith.select %lt3A, %broadcast_in_dim3A_808, %while3A_794 : vector<400x1xi1>, vector<400x1xf32>
      %select_n3A_818 = arith.select %lt3A, %broadcast_in_dim3A_816, %while3A_795 : vector<400x1xi1>, vector<400x1xi32>
      scf.yield %select_n3A_817, %select_n3A_818 : vector<400x1xf32>, vector<400x1xi32>
    }
    %mul3A = arith.constant 1024 : i32
    %mul3A_45 = arith.muli %get3A_0, %mul3A : i32
    %add3A = vector.broadcast %mul3A_45 : i32 to vector<400x1xi32>
    %add3A_46 = arith.addi %while3A_44#1, %add3A : vector<400x1xi32>
    %swap3A = arith.constant 0 : index
    %swap3A_47 = arith.constant 0 : index
    %swap3A_48 = vector.load %arg7[%swap3A, %swap3A_47] : memref<400x32xi32, #tpu.memory_space<vmem>>, vector<400x1xi32>
    tpu.vector_store %arg7[%swap3A, %swap3A_47], %add3A_46 {strides = array<i32>} : memref<400x32xi32, #tpu.memory_space<vmem>>, vector<400x1xi32>,
    %broadcast_in_dim3A_49 = arith.constant 0x7F800000 : f32
    %broadcast_in_dim3A_50 = vector.broadcast %broadcast_in_dim3A_49 : f32 to vector<400x1xf32>
    %broadcast_in_dim3A_51 = arith.constant 0 : i32
    %broadcast_in_dim3A_52 = vector.broadcast %broadcast_in_dim3A_51 : i32 to vector<400x1xi32>
    %while3A_53 = arith.constant 0x7F800000 : f32
    %while3A_54 = arith.constant 1073741824 : i32
    %while3A_55 = arith.constant 0 : i32
    %while3A_56 = arith.subi %get3A_2, %while3A_55 : i32
    %while3A_57 = arith.addi %while3A_55, %while3A_56 : i32
    %while3A_58 = arith.constant 1 : i32
    %while3A_59 = arith.divsi %while3A_56, %while3A_58 : i32
    %while3A_60 = arith.muli %while3A_59, %while3A_58 : i32
    %while3A_61 = arith.addi %while3A_55, %while3A_60 : i32
    %while3A_62 = arith.constant 1 : i32
    %while3A_63:2 = scf.for %while3A_793 = %while3A_55 to %while3A_61 step %while3A_62 iter_args(%while3A_794 = %broadcast_in_dim3A_50, %while3A_795 = %broadcast_in_dim3A_52) -> (vector<400x1xf32>, vector<400x1xi32>)  : i32 {
      %mul3A_796 = arith.constant 1024 : i32
      %mul3A_797 = arith.muli %while3A_793, %mul3A_796 : i32
      %multiple_of3A = tpu.assume_multiple %mul3A_797, 1024 : i32
      %mul3A_798 = arith.constant 1024 : i32
      %mul3A_799 = arith.muli %while3A_793, %mul3A_798 : i32
      %add3A_800 = vector.broadcast %mul3A_799 : i32 to vector<1x1024xi32>
      %add3A_801 = arith.addi %iota3A, %add3A_800 : vector<1x1024xi32>
      %get3A_802 = arith.constant 0 : index
      %get3A_803 = arith.index_cast %multiple_of3A : i32 to index
      %get3A_804 = vector.load %arg8[%get3A_802, %get3A_803] : memref<400x10240xf32, #tpu.memory_space<vmem>>, vector<400x1024xf32>
      %gt3A = vector.broadcast %while3A_44#0 : vector<400x1xf32> to vector<400x1024xf32>
      %gt3A_805 = arith.cmpf ogt, %get3A_804, %gt3A : vector<400x1024xf32>
      %broadcast_in_dim3A_806 = vector.broadcast %while3A_53 : f32 to vector<400x1024xf32>
      %select_n3A = arith.select %gt3A_805, %get3A_804, %broadcast_in_dim3A_806 : vector<400x1024xi1>, vector<400x1024xf32>
      %reduce_min3A = arith.constant dense<0x7F800000> : vector<400xf32>
      %reduce_min3A_807 = vector.multi_reduction <minimumf>, %select_n3A, %reduce_min3A [1] : vector<400x1024xf32> to vector<400xf32>
      %broadcast_in_dim3A_808 = vector.shape_cast %reduce_min3A_807 : vector<400xf32> to vector<400x1xf32>
      %eq3A = vector.broadcast %broadcast_in_dim3A_808 : vector<400x1xf32> to vector<400x1024xf32>
      %eq3A_809 = arith.cmpf oeq, %select_n3A, %eq3A : vector<400x1024xf32>
      %broadcast_in_dim3A_810 = vector.shape_cast %add3A_801 : vector<1x1024xi32> to vector<1x1024xi32>
      %broadcast_in_dim3A_811 = vector.broadcast %broadcast_in_dim3A_810 : vector<1x1024xi32> to vector<400x1024xi32>
      %broadcast_in_dim3A_812 = vector.broadcast %while3A_54 : i32 to vector<400x1024xi32>
      %select_n3A_813 = arith.select %eq3A_809, %broadcast_in_dim3A_811, %broadcast_in_dim3A_812 : vector<400x1024xi1>, vector<400x1024xi32>
      %reduce_min3A_814 = arith.constant dense<2147483647> : vector<400xi32>
      %reduce_min3A_815 = vector.multi_reduction <minsi>, %select_n3A_813, %reduce_min3A_814 [1] : vector<400x1024xi32> to vector<400xi32>
      %broadcast_in_dim3A_816 = vector.shape_cast %reduce_min3A_815 : vector<400xi32> to vector<400x1xi32>
      %lt3A = arith.cmpf olt, %broadcast_in_dim3A_808, %while3A_794 : vector<400x1xf32>
      %select_n3A_817 = arith.select %lt3A, %broadcast_in_dim3A_808, %while3A_794 : vector<400x1xi1>, vector<400x1xf32>
      %select_n3A_818 = arith.select %lt3A, %broadcast_in_dim3A_816, %while3A_795 : vector<400x1xi1>, vector<400x1xi32>
      scf.yield %select_n3A_817, %select_n3A_818 : vector<400x1xf32>, vector<400x1xi32>
    }
    %while3A_64 = arith.constant 1 : i32
    %while3A_65:2 = scf.for %while3A_793 = %while3A_61 to %while3A_57 step %while3A_64 iter_args(%while3A_794 = %while3A_63#0, %while3A_795 = %while3A_63#1) -> (vector<400x1xf32>, vector<400x1xi32>)  : i32 {
      %mul3A_796 = arith.constant 1024 : i32
      %mul3A_797 = arith.muli %while3A_793, %mul3A_796 : i32
      %multiple_of3A = tpu.assume_multiple %mul3A_797, 1024 : i32
      %mul3A_798 = arith.constant 1024 : i32
      %mul3A_799 = arith.muli %while3A_793, %mul3A_798 : i32
      %add3A_800 = vector.broadcast %mul3A_799 : i32 to vector<1x1024xi32>
      %add3A_801 = arith.addi %iota3A, %add3A_800 : vector<1x1024xi32>
      %get3A_802 = arith.constant 0 : index
      %get3A_803 = arith.index_cast %multiple_of3A : i32 to index
      %get3A_804 = vector.load %arg8[%get3A_802, %get3A_803] : memref<400x10240xf32, #tpu.memory_space<vmem>>, vector<400x1024xf32>
      %gt3A = vector.broadcast %while3A_44#0 : vector<400x1xf32> to vector<400x1024xf32>
      %gt3A_805 = arith.cmpf ogt, %get3A_804, %gt3A : vector<400x1024xf32>
      %broadcast_in_dim3A_806 = vector.broadcast %while3A_53 : f32 to vector<400x1024xf32>
      %select_n3A = arith.select %gt3A_805, %get3A_804, %broadcast_in_dim3A_806 : vector<400x1024xi1>, vector<400x1024xf32>
      %reduce_min3A = arith.constant dense<0x7F800000> : vector<400xf32>
      %reduce_min3A_807 = vector.multi_reduction <minimumf>, %select_n3A, %reduce_min3A [1] : vector<400x1024xf32> to vector<400xf32>
      %broadcast_in_dim3A_808 = vector.shape_cast %reduce_min3A_807 : vector<400xf32> to vector<400x1xf32>
      %eq3A = vector.broadcast %broadcast_in_dim3A_808 : vector<400x1xf32> to vector<400x1024xf32>
      %eq3A_809 = arith.cmpf oeq, %select_n3A, %eq3A : vector<400x1024xf32>
      %broadcast_in_dim3A_810 = vector.shape_cast %add3A_801 : vector<1x1024xi32> to vector<1x1024xi32>
      %broadcast_in_dim3A_811 = vector.broadcast %broadcast_in_dim3A_810 : vector<1x1024xi32> to vector<400x1024xi32>
      %broadcast_in_dim3A_812 = vector.broadcast %while3A_54 : i32 to vector<400x1024xi32>
      %select_n3A_813 = arith.select %eq3A_809, %broadcast_in_dim3A_811, %broadcast_in_dim3A_812 : vector<400x1024xi1>, vector<400x1024xi32>
      %reduce_min3A_814 = arith.constant dense<2147483647> : vector<400xi32>
      %reduce_min3A_815 = vector.multi_reduction <minsi>, %select_n3A_813, %reduce_min3A_814 [1] : vector<400x1024xi32> to vector<400xi32>
      %broadcast_in_dim3A_816 = vector.shape_cast %reduce_min3A_815 : vector<400xi32> to vector<400x1xi32>
      %lt3A = arith.cmpf olt, %broadcast_in_dim3A_808, %while3A_794 : vector<400x1xf32>
      %select_n3A_817 = arith.select %lt3A, %broadcast_in_dim3A_808, %while3A_794 : vector<400x1xi1>, vector<400x1xf32>
      %select_n3A_818 = arith.select %lt3A, %broadcast_in_dim3A_816, %while3A_795 : vector<400x1xi1>, vector<400x1xi32>
      scf.yield %select_n3A_817, %select_n3A_818 : vector<400x1xf32>, vector<400x1xi32>
    }
    %mul3A_66 = arith.constant 1024 : i32
    %mul3A_67 = arith.muli %get3A_0, %mul3A_66 : i32
    %add3A_68 = vector.broadcast %mul3A_67 : i32 to vector<400x1xi32>
    %add3A_69 = arith.addi %while3A_65#1, %add3A_68 : vector<400x1xi32>
    %swap3A_70 = arith.constant 0 : index
    %swap3A_71 = arith.constant 1 : index
    %swap3A_72 = vector.load %arg7[%swap3A_70, %swap3A_71] : memref<400x32xi32, #tpu.memory_space<vmem>>, vector<400x1xi32>
    tpu.vector_store %arg7[%swap3A_70, %swap3A_71], %add3A_69 {strides = array<i32>} : memref<400x32xi32, #tpu.memory_space<vmem>>, vector<400x1xi32>,
    %broadcast_in_dim3A_73 = arith.constant 0x7F800000 : f32
    %broadcast_in_dim3A_74 = vector.broadcast %broadcast_in_dim3A_73 : f32 to vector<400x1xf32>
    %broadcast_in_dim3A_75 = arith.constant 0 : i32
    %broadcast_in_dim3A_76 = vector.broadcast %broadcast_in_dim3A_75 : i32 to vector<400x1xi32>
    %while3A_77 = arith.constant 0x7F800000 : f32
    %while3A_78 = arith.constant 1073741824 : i32
    %while3A_79 = arith.constant 0 : i32
    %while3A_80 = arith.subi %get3A_2, %while3A_79 : i32
    %while3A_81 = arith.addi %while3A_79, %while3A_80 : i32
    %while3A_82 = arith.constant 1 : i32
    %while3A_83 = arith.divsi %while3A_80, %while3A_82 : i32
    %while3A_84 = arith.muli %while3A_83, %while3A_82 : i32
    %while3A_85 = arith.addi %while3A_79, %while3A_84 : i32
    %while3A_86 = arith.constant 1 : i32
    %while3A_87:2 = scf.for %while3A_793 = %while3A_79 to %while3A_85 step %while3A_86 iter_args(%while3A_794 = %broadcast_in_dim3A_74, %while3A_795 = %broadcast_in_dim3A_76) -> (vector<400x1xf32>, vector<400x1xi32>)  : i32 {
      %mul3A_796 = arith.constant 1024 : i32
      %mul3A_797 = arith.muli %while3A_793, %mul3A_796 : i32
      %multiple_of3A = tpu.assume_multiple %mul3A_797, 1024 : i32
      %mul3A_798 = arith.constant 1024 : i32
      %mul3A_799 = arith.muli %while3A_793, %mul3A_798 : i32
      %add3A_800 = vector.broadcast %mul3A_799 : i32 to vector<1x1024xi32>
      %add3A_801 = arith.addi %iota3A, %add3A_800 : vector<1x1024xi32>
      %get3A_802 = arith.constant 0 : index
      %get3A_803 = arith.index_cast %multiple_of3A : i32 to index
      %get3A_804 = vector.load %arg8[%get3A_802, %get3A_803] : memref<400x10240xf32, #tpu.memory_space<vmem>>, vector<400x1024xf32>
      %gt3A = vector.broadcast %while3A_65#0 : vector<400x1xf32> to vector<400x1024xf32>
      %gt3A_805 = arith.cmpf ogt, %get3A_804, %gt3A : vector<400x1024xf32>
      %broadcast_in_dim3A_806 = vector.broadcast %while3A_77 : f32 to vector<400x1024xf32>
      %select_n3A = arith.select %gt3A_805, %get3A_804, %broadcast_in_dim3A_806 : vector<400x1024xi1>, vector<400x1024xf32>
      %reduce_min3A = arith.constant dense<0x7F800000> : vector<400xf32>
      %reduce_min3A_807 = vector.multi_reduction <minimumf>, %select_n3A, %reduce_min3A [1] : vector<400x1024xf32> to vector<400xf32>
      %broadcast_in_dim3A_808 = vector.shape_cast %reduce_min3A_807 : vector<400xf32> to vector<400x1xf32>
      %eq3A = vector.broadcast %broadcast_in_dim3A_808 : vector<400x1xf32> to vector<400x1024xf32>
      %eq3A_809 = arith.cmpf oeq, %select_n3A, %eq3A : vector<400x1024xf32>
      %broadcast_in_dim3A_810 = vector.shape_cast %add3A_801 : vector<1x1024xi32> to vector<1x1024xi32>
      %broadcast_in_dim3A_811 = vector.broadcast %broadcast_in_dim3A_810 : vector<1x1024xi32> to vector<400x1024xi32>
      %broadcast_in_dim3A_812 = vector.broadcast %while3A_78 : i32 to vector<400x1024xi32>
      %select_n3A_813 = arith.select %eq3A_809, %broadcast_in_dim3A_811, %broadcast_in_dim3A_812 : vector<400x1024xi1>, vector<400x1024xi32>
      %reduce_min3A_814 = arith.constant dense<2147483647> : vector<400xi32>
      %reduce_min3A_815 = vector.multi_reduction <minsi>, %select_n3A_813, %reduce_min3A_814 [1] : vector<400x1024xi32> to vector<400xi32>
      %broadcast_in_dim3A_816 = vector.shape_cast %reduce_min3A_815 : vector<400xi32> to vector<400x1xi32>
      %lt3A = arith.cmpf olt, %broadcast_in_dim3A_808, %while3A_794 : vector<400x1xf32>
      %select_n3A_817 = arith.select %lt3A, %broadcast_in_dim3A_808, %while3A_794 : vector<400x1xi1>, vector<400x1xf32>
      %select_n3A_818 = arith.select %lt3A, %broadcast_in_dim3A_816, %while3A_795 : vector<400x1xi1>, vector<400x1xi32>
      scf.yield %select_n3A_817, %select_n3A_818 : vector<400x1xf32>, vector<400x1xi32>
    }
    %while3A_88 = arith.constant 1 : i32
    %while3A_89:2 = scf.for %while3A_793 = %while3A_85 to %while3A_81 step %while3A_88 iter_args(%while3A_794 = %while3A_87#0, %while3A_795 = %while3A_87#1) -> (vector<400x1xf32>, vector<400x1xi32>)  : i32 {
      %mul3A_796 = arith.constant 1024 : i32
      %mul3A_797 = arith.muli %while3A_793, %mul3A_796 : i32
      %multiple_of3A = tpu.assume_multiple %mul3A_797, 1024 : i32
      %mul3A_798 = arith.constant 1024 : i32
      %mul3A_799 = arith.muli %while3A_793, %mul3A_798 : i32
      %add3A_800 = vector.broadcast %mul3A_799 : i32 to vector<1x1024xi32>
      %add3A_801 = arith.addi %iota3A, %add3A_800 : vector<1x1024xi32>
      %get3A_802 = arith.constant 0 : index
      %get3A_803 = arith.index_cast %multiple_of3A : i32 to index
      %get3A_804 = vector.load %arg8[%get3A_802, %get3A_803] : memref<400x10240xf32, #tpu.memory_space<vmem>>, vector<400x1024xf32>
      %gt3A = vector.broadcast %while3A_65#0 : vector<400x1xf32> to vector<400x1024xf32>
      %gt3A_805 = arith.cmpf ogt, %get3A_804, %gt3A : vector<400x1024xf32>
      %broadcast_in_dim3A_806 = vector.broadcast %while3A_77 : f32 to vector<400x1024xf32>
      %select_n3A = arith.select %gt3A_805, %get3A_804, %broadcast_in_dim3A_806 : vector<400x1024xi1>, vector<400x1024xf32>
      %reduce_min3A = arith.constant dense<0x7F800000> : vector<400xf32>
      %reduce_min3A_807 = vector.multi_reduction <minimumf>, %select_n3A, %reduce_min3A [1] : vector<400x1024xf32> to vector<400xf32>
      %broadcast_in_dim3A_808 = vector.shape_cast %reduce_min3A_807 : vector<400xf32> to vector<400x1xf32>
      %eq3A = vector.broadcast %broadcast_in_dim3A_808 : vector<400x1xf32> to vector<400x1024xf32>
      %eq3A_809 = arith.cmpf oeq, %select_n3A, %eq3A : vector<400x1024xf32>
      %broadcast_in_dim3A_810 = vector.shape_cast %add3A_801 : vector<1x1024xi32> to vector<1x1024xi32>
      %broadcast_in_dim3A_811 = vector.broadcast %broadcast_in_dim3A_810 : vector<1x1024xi32> to vector<400x1024xi32>
      %broadcast_in_dim3A_812 = vector.broadcast %while3A_78 : i32 to vector<400x1024xi32>
      %select_n3A_813 = arith.select %eq3A_809, %broadcast_in_dim3A_811, %broadcast_in_dim3A_812 : vector<400x1024xi1>, vector<400x1024xi32>
      %reduce_min3A_814 = arith.constant dense<2147483647> : vector<400xi32>
      %reduce_min3A_815 = vector.multi_reduction <minsi>, %select_n3A_813, %reduce_min3A_814 [1] : vector<400x1024xi32> to vector<400xi32>
      %broadcast_in_dim3A_816 = vector.shape_cast %reduce_min3A_815 : vector<400xi32> to vector<400x1xi32>
      %lt3A = arith.cmpf olt, %broadcast_in_dim3A_808, %while3A_794 : vector<400x1xf32>
      %select_n3A_817 = arith.select %lt3A, %broadcast_in_dim3A_808, %while3A_794 : vector<400x1xi1>, vector<400x1xf32>
      %select_n3A_818 = arith.select %lt3A, %broadcast_in_dim3A_816, %while3A_795 : vector<400x1xi1>, vector<400x1xi32>
      scf.yield %select_n3A_817, %select_n3A_818 : vector<400x1xf32>, vector<400x1xi32>
    }
    %mul3A_90 = arith.constant 1024 : i32
    %mul3A_91 = arith.muli %get3A_0, %mul3A_90 : i32
    %add3A_92 = vector.broadcast %mul3A_91 : i32 to vector<400x1xi32>
    %add3A_93 = arith.addi %while3A_89#1, %add3A_92 : vector<400x1xi32>
    %swap3A_94 = arith.constant 0 : index
    %swap3A_95 = arith.constant 2 : index
    %swap3A_96 = vector.load %arg7[%swap3A_94, %swap3A_95] : memref<400x32xi32, #tpu.memory_space<vmem>>, vector<400x1xi32>
    tpu.vector_store %arg7[%swap3A_94, %swap3A_95], %add3A_93 {strides = array<i32>} : memref<400x32xi32, #tpu.memory_space<vmem>>, vector<400x1xi32>,
    %broadcast_in_dim3A_97 = arith.constant 0x7F800000 : f32
    %broadcast_in_dim3A_98 = vector.broadcast %broadcast_in_dim3A_97 : f32 to vector<400x1xf32>
    %broadcast_in_dim3A_99 = arith.constant 0 : i32
    %broadcast_in_dim3A_100 = vector.broadcast %broadcast_in_dim3A_99 : i32 to vector<400x1xi32>
    %while3A_101 = arith.constant 0x7F800000 : f32
    %while3A_102 = arith.constant 1073741824 : i32
    %while3A_103 = arith.constant 0 : i32
    %while3A_104 = arith.subi %get3A_2, %while3A_103 : i32
    %while3A_105 = arith.addi %while3A_103, %while3A_104 : i32
    %while3A_106 = arith.constant 1 : i32
    %while3A_107 = arith.divsi %while3A_104, %while3A_106 : i32
    %while3A_108 = arith.muli %while3A_107, %while3A_106 : i32
    %while3A_109 = arith.addi %while3A_103, %while3A_108 : i32
    %while3A_110 = arith.constant 1 : i32
    %while3A_111:2 = scf.for %while3A_793 = %while3A_103 to %while3A_109 step %while3A_110 iter_args(%while3A_794 = %broadcast_in_dim3A_98, %while3A_795 = %broadcast_in_dim3A_100) -> (vector<400x1xf32>, vector<400x1xi32>)  : i32 {
      %mul3A_796 = arith.constant 1024 : i32
      %mul3A_797 = arith.muli %while3A_793, %mul3A_796 : i32
      %multiple_of3A = tpu.assume_multiple %mul3A_797, 1024 : i32
      %mul3A_798 = arith.constant 1024 : i32
      %mul3A_799 = arith.muli %while3A_793, %mul3A_798 : i32
      %add3A_800 = vector.broadcast %mul3A_799 : i32 to vector<1x1024xi32>
      %add3A_801 = arith.addi %iota3A, %add3A_800 : vector<1x1024xi32>
      %get3A_802 = arith.constant 0 : index
      %get3A_803 = arith.index_cast %multiple_of3A : i32 to index
      %get3A_804 = vector.load %arg8[%get3A_802, %get3A_803] : memref<400x10240xf32, #tpu.memory_space<vmem>>, vector<400x1024xf32>
      %gt3A = vector.broadcast %while3A_89#0 : vector<400x1xf32> to vector<400x1024xf32>
      %gt3A_805 = arith.cmpf ogt, %get3A_804, %gt3A : vector<400x1024xf32>
      %broadcast_in_dim3A_806 = vector.broadcast %while3A_101 : f32 to vector<400x1024xf32>
      %select_n3A = arith.select %gt3A_805, %get3A_804, %broadcast_in_dim3A_806 : vector<400x1024xi1>, vector<400x1024xf32>
      %reduce_min3A = arith.constant dense<0x7F800000> : vector<400xf32>
      %reduce_min3A_807 = vector.multi_reduction <minimumf>, %select_n3A, %reduce_min3A [1] : vector<400x1024xf32> to vector<400xf32>
      %broadcast_in_dim3A_808 = vector.shape_cast %reduce_min3A_807 : vector<400xf32> to vector<400x1xf32>
      %eq3A = vector.broadcast %broadcast_in_dim3A_808 : vector<400x1xf32> to vector<400x1024xf32>
      %eq3A_809 = arith.cmpf oeq, %select_n3A, %eq3A : vector<400x1024xf32>
      %broadcast_in_dim3A_810 = vector.shape_cast %add3A_801 : vector<1x1024xi32> to vector<1x1024xi32>
      %broadcast_in_dim3A_811 = vector.broadcast %broadcast_in_dim3A_810 : vector<1x1024xi32> to vector<400x1024xi32>
      %broadcast_in_dim3A_812 = vector.broadcast %while3A_102 : i32 to vector<400x1024xi32>
      %select_n3A_813 = arith.select %eq3A_809, %broadcast_in_dim3A_811, %broadcast_in_dim3A_812 : vector<400x1024xi1>, vector<400x1024xi32>
      %reduce_min3A_814 = arith.constant dense<2147483647> : vector<400xi32>
      %reduce_min3A_815 = vector.multi_reduction <minsi>, %select_n3A_813, %reduce_min3A_814 [1] : vector<400x1024xi32> to vector<400xi32>
      %broadcast_in_dim3A_816 = vector.shape_cast %reduce_min3A_815 : vector<400xi32> to vector<400x1xi32>
      %lt3A = arith.cmpf olt, %broadcast_in_dim3A_808, %while3A_794 : vector<400x1xf32>
      %select_n3A_817 = arith.select %lt3A, %broadcast_in_dim3A_808, %while3A_794 : vector<400x1xi1>, vector<400x1xf32>
      %select_n3A_818 = arith.select %lt3A, %broadcast_in_dim3A_816, %while3A_795 : vector<400x1xi1>, vector<400x1xi32>
      scf.yield %select_n3A_817, %select_n3A_818 : vector<400x1xf32>, vector<400x1xi32>
    }
    %while3A_112 = arith.constant 1 : i32
    %while3A_113:2 = scf.for %while3A_793 = %while3A_109 to %while3A_105 step %while3A_112 iter_args(%while3A_794 = %while3A_111#0, %while3A_795 = %while3A_111#1) -> (vector<400x1xf32>, vector<400x1xi32>)  : i32 {
      %mul3A_796 = arith.constant 1024 : i32
      %mul3A_797 = arith.muli %while3A_793, %mul3A_796 : i32
      %multiple_of3A = tpu.assume_multiple %mul3A_797, 1024 : i32
      %mul3A_798 = arith.constant 1024 : i32
      %mul3A_799 = arith.muli %while3A_793, %mul3A_798 : i32
      %add3A_800 = vector.broadcast %mul3A_799 : i32 to vector<1x1024xi32>
      %add3A_801 = arith.addi %iota3A, %add3A_800 : vector<1x1024xi32>
      %get3A_802 = arith.constant 0 : index
      %get3A_803 = arith.index_cast %multiple_of3A : i32 to index
      %get3A_804 = vector.load %arg8[%get3A_802, %get3A_803] : memref<400x10240xf32, #tpu.memory_space<vmem>>, vector<400x1024xf32>
      %gt3A = vector.broadcast %while3A_89#0 : vector<400x1xf32> to vector<400x1024xf32>
      %gt3A_805 = arith.cmpf ogt, %get3A_804, %gt3A : vector<400x1024xf32>
      %broadcast_in_dim3A_806 = vector.broadcast %while3A_101 : f32 to vector<400x1024xf32>
      %select_n3A = arith.select %gt3A_805, %get3A_804, %broadcast_in_dim3A_806 : vector<400x1024xi1>, vector<400x1024xf32>
      %reduce_min3A = arith.constant dense<0x7F800000> : vector<400xf32>
      %reduce_min3A_807 = vector.multi_reduction <minimumf>, %select_n3A, %reduce_min3A [1] : vector<400x1024xf32> to vector<400xf32>
      %broadcast_in_dim3A_808 = vector.shape_cast %reduce_min3A_807 : vector<400xf32> to vector<400x1xf32>
      %eq3A = vector.broadcast %broadcast_in_dim3A_808 : vector<400x1xf32> to vector<400x1024xf32>
      %eq3A_809 = arith.cmpf oeq, %select_n3A, %eq3A : vector<400x1024xf32>
      %broadcast_in_dim3A_810 = vector.shape_cast %add3A_801 : vector<1x1024xi32> to vector<1x1024xi32>
      %broadcast_in_dim3A_811 = vector.broadcast %broadcast_in_dim3A_810 : vector<1x1024xi32> to vector<400x1024xi32>
      %broadcast_in_dim3A_812 = vector.broadcast %while3A_102 : i32 to vector<400x1024xi32>
      %select_n3A_813 = arith.select %eq3A_809, %broadcast_in_dim3A_811, %broadcast_in_dim3A_812 : vector<400x1024xi1>, vector<400x1024xi32>
      %reduce_min3A_814 = arith.constant dense<2147483647> : vector<400xi32>
      %reduce_min3A_815 = vector.multi_reduction <minsi>, %select_n3A_813, %reduce_min3A_814 [1] : vector<400x1024xi32> to vector<400xi32>
      %broadcast_in_dim3A_816 = vector.shape_cast %reduce_min3A_815 : vector<400xi32> to vector<400x1xi32>
      %lt3A = arith.cmpf olt, %broadcast_in_dim3A_808, %while3A_794 : vector<400x1xf32>
      %select_n3A_817 = arith.select %lt3A, %broadcast_in_dim3A_808, %while3A_794 : vector<400x1xi1>, vector<400x1xf32>
      %select_n3A_818 = arith.select %lt3A, %broadcast_in_dim3A_816, %while3A_795 : vector<400x1xi1>, vector<400x1xi32>
      scf.yield %select_n3A_817, %select_n3A_818 : vector<400x1xf32>, vector<400x1xi32>
    }
    %mul3A_114 = arith.constant 1024 : i32
    %mul3A_115 = arith.muli %get3A_0, %mul3A_114 : i32
    %add3A_116 = vector.broadcast %mul3A_115 : i32 to vector<400x1xi32>
    %add3A_117 = arith.addi %while3A_113#1, %add3A_116 : vector<400x1xi32>
    %swap3A_118 = arith.constant 0 : index
    %swap3A_119 = arith.constant 3 : index
    %swap3A_120 = vector.load %arg7[%swap3A_118, %swap3A_119] : memref<400x32xi32, #tpu.memory_space<vmem>>, vector<400x1xi32>
    tpu.vector_store %arg7[%swap3A_118, %swap3A_119], %add3A_117 {strides = array<i32>} : memref<400x32xi32, #tpu.memory_space<vmem>>, vector<400x1xi32>,
    %broadcast_in_dim3A_121 = arith.constant 0x7F800000 : f32
    %broadcast_in_dim3A_122 = vector.broadcast %broadcast_in_dim3A_121 : f32 to vector<400x1xf32>
    %broadcast_in_dim3A_123 = arith.constant 0 : i32
    %broadcast_in_dim3A_124 = vector.broadcast %broadcast_in_dim3A_123 : i32 to vector<400x1xi32>
    %while3A_125 = arith.constant 0x7F800000 : f32
    %while3A_126 = arith.constant 1073741824 : i32
    %while3A_127 = arith.constant 0 : i32
    %while3A_128 = arith.subi %get3A_2, %while3A_127 : i32
    %while3A_129 = arith.addi %while3A_127, %while3A_128 : i32
    %while3A_130 = arith.constant 1 : i32
    %while3A_131 = arith.divsi %while3A_128, %while3A_130 : i32
    %while3A_132 = arith.muli %while3A_131, %while3A_130 : i32
    %while3A_133 = arith.addi %while3A_127, %while3A_132 : i32
    %while3A_134 = arith.constant 1 : i32
    %while3A_135:2 = scf.for %while3A_793 = %while3A_127 to %while3A_133 step %while3A_134 iter_args(%while3A_794 = %broadcast_in_dim3A_122, %while3A_795 = %broadcast_in_dim3A_124) -> (vector<400x1xf32>, vector<400x1xi32>)  : i32 {
      %mul3A_796 = arith.constant 1024 : i32
      %mul3A_797 = arith.muli %while3A_793, %mul3A_796 : i32
      %multiple_of3A = tpu.assume_multiple %mul3A_797, 1024 : i32
      %mul3A_798 = arith.constant 1024 : i32
      %mul3A_799 = arith.muli %while3A_793, %mul3A_798 : i32
      %add3A_800 = vector.broadcast %mul3A_799 : i32 to vector<1x1024xi32>
      %add3A_801 = arith.addi %iota3A, %add3A_800 : vector<1x1024xi32>
      %get3A_802 = arith.constant 0 : index
      %get3A_803 = arith.index_cast %multiple_of3A : i32 to index
      %get3A_804 = vector.load %arg8[%get3A_802, %get3A_803] : memref<400x10240xf32, #tpu.memory_space<vmem>>, vector<400x1024xf32>
      %gt3A = vector.broadcast %while3A_113#0 : vector<400x1xf32> to vector<400x1024xf32>
      %gt3A_805 = arith.cmpf ogt, %get3A_804, %gt3A : vector<400x1024xf32>
      %broadcast_in_dim3A_806 = vector.broadcast %while3A_125 : f32 to vector<400x1024xf32>
      %select_n3A = arith.select %gt3A_805, %get3A_804, %broadcast_in_dim3A_806 : vector<400x1024xi1>, vector<400x1024xf32>
      %reduce_min3A = arith.constant dense<0x7F800000> : vector<400xf32>
      %reduce_min3A_807 = vector.multi_reduction <minimumf>, %select_n3A, %reduce_min3A [1] : vector<400x1024xf32> to vector<400xf32>
      %broadcast_in_dim3A_808 = vector.shape_cast %reduce_min3A_807 : vector<400xf32> to vector<400x1xf32>
      %eq3A = vector.broadcast %broadcast_in_dim3A_808 : vector<400x1xf32> to vector<400x1024xf32>
      %eq3A_809 = arith.cmpf oeq, %select_n3A, %eq3A : vector<400x1024xf32>
      %broadcast_in_dim3A_810 = vector.shape_cast %add3A_801 : vector<1x1024xi32> to vector<1x1024xi32>
      %broadcast_in_dim3A_811 = vector.broadcast %broadcast_in_dim3A_810 : vector<1x1024xi32> to vector<400x1024xi32>
      %broadcast_in_dim3A_812 = vector.broadcast %while3A_126 : i32 to vector<400x1024xi32>
      %select_n3A_813 = arith.select %eq3A_809, %broadcast_in_dim3A_811, %broadcast_in_dim3A_812 : vector<400x1024xi1>, vector<400x1024xi32>
      %reduce_min3A_814 = arith.constant dense<2147483647> : vector<400xi32>
      %reduce_min3A_815 = vector.multi_reduction <minsi>, %select_n3A_813, %reduce_min3A_814 [1] : vector<400x1024xi32> to vector<400xi32>
      %broadcast_in_dim3A_816 = vector.shape_cast %reduce_min3A_815 : vector<400xi32> to vector<400x1xi32>
      %lt3A = arith.cmpf olt, %broadcast_in_dim3A_808, %while3A_794 : vector<400x1xf32>
      %select_n3A_817 = arith.select %lt3A, %broadcast_in_dim3A_808, %while3A_794 : vector<400x1xi1>, vector<400x1xf32>
      %select_n3A_818 = arith.select %lt3A, %broadcast_in_dim3A_816, %while3A_795 : vector<400x1xi1>, vector<400x1xi32>
      scf.yield %select_n3A_817, %select_n3A_818 : vector<400x1xf32>, vector<400x1xi32>
    }
    %while3A_136 = arith.constant 1 : i32
    %while3A_137:2 = scf.for %while3A_793 = %while3A_133 to %while3A_129 step %while3A_136 iter_args(%while3A_794 = %while3A_135#0, %while3A_795 = %while3A_135#1) -> (vector<400x1xf32>, vector<400x1xi32>)  : i32 {
      %mul3A_796 = arith.constant 1024 : i32
      %mul3A_797 = arith.muli %while3A_793, %mul3A_796 : i32
      %multiple_of3A = tpu.assume_multiple %mul3A_797, 1024 : i32
      %mul3A_798 = arith.constant 1024 : i32
      %mul3A_799 = arith.muli %while3A_793, %mul3A_798 : i32
      %add3A_800 = vector.broadcast %mul3A_799 : i32 to vector<1x1024xi32>
      %add3A_801 = arith.addi %iota3A, %add3A_800 : vector<1x1024xi32>
      %get3A_802 = arith.constant 0 : index
      %get3A_803 = arith.index_cast %multiple_of3A : i32 to index
      %get3A_804 = vector.load %arg8[%get3A_802, %get3A_803] : memref<400x10240xf32, #tpu.memory_space<vmem>>, vector<400x1024xf32>
      %gt3A = vector.broadcast %while3A_113#0 : vector<400x1xf32> to vector<400x1024xf32>
      %gt3A_805 = arith.cmpf ogt, %get3A_804, %gt3A : vector<400x1024xf32>
      %broadcast_in_dim3A_806 = vector.broadcast %while3A_125 : f32 to vector<400x1024xf32>
      %select_n3A = arith.select %gt3A_805, %get3A_804, %broadcast_in_dim3A_806 : vector<400x1024xi1>, vector<400x1024xf32>
      %reduce_min3A = arith.constant dense<0x7F800000> : vector<400xf32>
      %reduce_min3A_807 = vector.multi_reduction <minimumf>, %select_n3A, %reduce_min3A [1] : vector<400x1024xf32> to vector<400xf32>
      %broadcast_in_dim3A_808 = vector.shape_cast %reduce_min3A_807 : vector<400xf32> to vector<400x1xf32>
      %eq3A = vector.broadcast %broadcast_in_dim3A_808 : vector<400x1xf32> to vector<400x1024xf32>
      %eq3A_809 = arith.cmpf oeq, %select_n3A, %eq3A : vector<400x1024xf32>
      %broadcast_in_dim3A_810 = vector.shape_cast %add3A_801 : vector<1x1024xi32> to vector<1x1024xi32>
      %broadcast_in_dim3A_811 = vector.broadcast %broadcast_in_dim3A_810 : vector<1x1024xi32> to vector<400x1024xi32>
      %broadcast_in_dim3A_812 = vector.broadcast %while3A_126 : i32 to vector<400x1024xi32>
      %select_n3A_813 = arith.select %eq3A_809, %broadcast_in_dim3A_811, %broadcast_in_dim3A_812 : vector<400x1024xi1>, vector<400x1024xi32>
      %reduce_min3A_814 = arith.constant dense<2147483647> : vector<400xi32>
      %reduce_min3A_815 = vector.multi_reduction <minsi>, %select_n3A_813, %reduce_min3A_814 [1] : vector<400x1024xi32> to vector<400xi32>
      %broadcast_in_dim3A_816 = vector.shape_cast %reduce_min3A_815 : vector<400xi32> to vector<400x1xi32>
      %lt3A = arith.cmpf olt, %broadcast_in_dim3A_808, %while3A_794 : vector<400x1xf32>
      %select_n3A_817 = arith.select %lt3A, %broadcast_in_dim3A_808, %while3A_794 : vector<400x1xi1>, vector<400x1xf32>
      %select_n3A_818 = arith.select %lt3A, %broadcast_in_dim3A_816, %while3A_795 : vector<400x1xi1>, vector<400x1xi32>
      scf.yield %select_n3A_817, %select_n3A_818 : vector<400x1xf32>, vector<400x1xi32>
    }
    %mul3A_138 = arith.constant 1024 : i32
    %mul3A_139 = arith.muli %get3A_0, %mul3A_138 : i32
    %add3A_140 = vector.broadcast %mul3A_139 : i32 to vector<400x1xi32>
    %add3A_141 = arith.addi %while3A_137#1, %add3A_140 : vector<400x1xi32>
    %swap3A_142 = arith.constant 0 : index
    %swap3A_143 = arith.constant 4 : index
    %swap3A_144 = vector.load %arg7[%swap3A_142, %swap3A_143] : memref<400x32xi32, #tpu.memory_space<vmem>>, vector<400x1xi32>
    tpu.vector_store %arg7[%swap3A_142, %swap3A_143], %add3A_141 {strides = array<i32>} : memref<400x32xi32, #tpu.memory_space<vmem>>, vector<400x1xi32>,
    %broadcast_in_dim3A_145 = arith.constant 0x7F800000 : f32
    %broadcast_in_dim3A_146 = vector.broadcast %broadcast_in_dim3A_145 : f32 to vector<400x1xf32>
    %broadcast_in_dim3A_147 = arith.constant 0 : i32
    %broadcast_in_dim3A_148 = vector.broadcast %broadcast_in_dim3A_147 : i32 to vector<400x1xi32>
    %while3A_149 = arith.constant 0x7F800000 : f32
    %while3A_150 = arith.constant 1073741824 : i32
    %while3A_151 = arith.constant 0 : i32
    %while3A_152 = arith.subi %get3A_2, %while3A_151 : i32
    %while3A_153 = arith.addi %while3A_151, %while3A_152 : i32
    %while3A_154 = arith.constant 1 : i32
    %while3A_155 = arith.divsi %while3A_152, %while3A_154 : i32
    %while3A_156 = arith.muli %while3A_155, %while3A_154 : i32
    %while3A_157 = arith.addi %while3A_151, %while3A_156 : i32
    %while3A_158 = arith.constant 1 : i32
    %while3A_159:2 = scf.for %while3A_793 = %while3A_151 to %while3A_157 step %while3A_158 iter_args(%while3A_794 = %broadcast_in_dim3A_146, %while3A_795 = %broadcast_in_dim3A_148) -> (vector<400x1xf32>, vector<400x1xi32>)  : i32 {
      %mul3A_796 = arith.constant 1024 : i32
      %mul3A_797 = arith.muli %while3A_793, %mul3A_796 : i32
      %multiple_of3A = tpu.assume_multiple %mul3A_797, 1024 : i32
      %mul3A_798 = arith.constant 1024 : i32
      %mul3A_799 = arith.muli %while3A_793, %mul3A_798 : i32
      %add3A_800 = vector.broadcast %mul3A_799 : i32 to vector<1x1024xi32>
      %add3A_801 = arith.addi %iota3A, %add3A_800 : vector<1x1024xi32>
      %get3A_802 = arith.constant 0 : index
      %get3A_803 = arith.index_cast %multiple_of3A : i32 to index
      %get3A_804 = vector.load %arg8[%get3A_802, %get3A_803] : memref<400x10240xf32, #tpu.memory_space<vmem>>, vector<400x1024xf32>
      %gt3A = vector.broadcast %while3A_137#0 : vector<400x1xf32> to vector<400x1024xf32>
      %gt3A_805 = arith.cmpf ogt, %get3A_804, %gt3A : vector<400x1024xf32>
      %broadcast_in_dim3A_806 = vector.broadcast %while3A_149 : f32 to vector<400x1024xf32>
      %select_n3A = arith.select %gt3A_805, %get3A_804, %broadcast_in_dim3A_806 : vector<400x1024xi1>, vector<400x1024xf32>
      %reduce_min3A = arith.constant dense<0x7F800000> : vector<400xf32>
      %reduce_min3A_807 = vector.multi_reduction <minimumf>, %select_n3A, %reduce_min3A [1] : vector<400x1024xf32> to vector<400xf32>
      %broadcast_in_dim3A_808 = vector.shape_cast %reduce_min3A_807 : vector<400xf32> to vector<400x1xf32>
      %eq3A = vector.broadcast %broadcast_in_dim3A_808 : vector<400x1xf32> to vector<400x1024xf32>
      %eq3A_809 = arith.cmpf oeq, %select_n3A, %eq3A : vector<400x1024xf32>
      %broadcast_in_dim3A_810 = vector.shape_cast %add3A_801 : vector<1x1024xi32> to vector<1x1024xi32>
      %broadcast_in_dim3A_811 = vector.broadcast %broadcast_in_dim3A_810 : vector<1x1024xi32> to vector<400x1024xi32>
      %broadcast_in_dim3A_812 = vector.broadcast %while3A_150 : i32 to vector<400x1024xi32>
      %select_n3A_813 = arith.select %eq3A_809, %broadcast_in_dim3A_811, %broadcast_in_dim3A_812 : vector<400x1024xi1>, vector<400x1024xi32>
      %reduce_min3A_814 = arith.constant dense<2147483647> : vector<400xi32>
      %reduce_min3A_815 = vector.multi_reduction <minsi>, %select_n3A_813, %reduce_min3A_814 [1] : vector<400x1024xi32> to vector<400xi32>
      %broadcast_in_dim3A_816 = vector.shape_cast %reduce_min3A_815 : vector<400xi32> to vector<400x1xi32>
      %lt3A = arith.cmpf olt, %broadcast_in_dim3A_808, %while3A_794 : vector<400x1xf32>
      %select_n3A_817 = arith.select %lt3A, %broadcast_in_dim3A_808, %while3A_794 : vector<400x1xi1>, vector<400x1xf32>
      %select_n3A_818 = arith.select %lt3A, %broadcast_in_dim3A_816, %while3A_795 : vector<400x1xi1>, vector<400x1xi32>
      scf.yield %select_n3A_817, %select_n3A_818 : vector<400x1xf32>, vector<400x1xi32>
    }
    %while3A_160 = arith.constant 1 : i32
    %while3A_161:2 = scf.for %while3A_793 = %while3A_157 to %while3A_153 step %while3A_160 iter_args(%while3A_794 = %while3A_159#0, %while3A_795 = %while3A_159#1) -> (vector<400x1xf32>, vector<400x1xi32>)  : i32 {
      %mul3A_796 = arith.constant 1024 : i32
      %mul3A_797 = arith.muli %while3A_793, %mul3A_796 : i32
      %multiple_of3A = tpu.assume_multiple %mul3A_797, 1024 : i32
      %mul3A_798 = arith.constant 1024 : i32
      %mul3A_799 = arith.muli %while3A_793, %mul3A_798 : i32
      %add3A_800 = vector.broadcast %mul3A_799 : i32 to vector<1x1024xi32>
      %add3A_801 = arith.addi %iota3A, %add3A_800 : vector<1x1024xi32>
      %get3A_802 = arith.constant 0 : index
      %get3A_803 = arith.index_cast %multiple_of3A : i32 to index
      %get3A_804 = vector.load %arg8[%get3A_802, %get3A_803] : memref<400x10240xf32, #tpu.memory_space<vmem>>, vector<400x1024xf32>
      %gt3A = vector.broadcast %while3A_137#0 : vector<400x1xf32> to vector<400x1024xf32>
      %gt3A_805 = arith.cmpf ogt, %get3A_804, %gt3A : vector<400x1024xf32>
      %broadcast_in_dim3A_806 = vector.broadcast %while3A_149 : f32 to vector<400x1024xf32>
      %select_n3A = arith.select %gt3A_805, %get3A_804, %broadcast_in_dim3A_806 : vector<400x1024xi1>, vector<400x1024xf32>
      %reduce_min3A = arith.constant dense<0x7F800000> : vector<400xf32>
      %reduce_min3A_807 = vector.multi_reduction <minimumf>, %select_n3A, %reduce_min3A [1] : vector<400x1024xf32> to vector<400xf32>
      %broadcast_in_dim3A_808 = vector.shape_cast %reduce_min3A_807 : vector<400xf32> to vector<400x1xf32>
      %eq3A = vector.broadcast %broadcast_in_dim3A_808 : vector<400x1xf32> to vector<400x1024xf32>
      %eq3A_809 = arith.cmpf oeq, %select_n3A, %eq3A : vector<400x1024xf32>
      %broadcast_in_dim3A_810 = vector.shape_cast %add3A_801 : vector<1x1024xi32> to vector<1x1024xi32>
      %broadcast_in_dim3A_811 = vector.broadcast %broadcast_in_dim3A_810 : vector<1x1024xi32> to vector<400x1024xi32>
      %broadcast_in_dim3A_812 = vector.broadcast %while3A_150 : i32 to vector<400x1024xi32>
      %select_n3A_813 = arith.select %eq3A_809, %broadcast_in_dim3A_811, %broadcast_in_dim3A_812 : vector<400x1024xi1>, vector<400x1024xi32>
      %reduce_min3A_814 = arith.constant dense<2147483647> : vector<400xi32>
      %reduce_min3A_815 = vector.multi_reduction <minsi>, %select_n3A_813, %reduce_min3A_814 [1] : vector<400x1024xi32> to vector<400xi32>
      %broadcast_in_dim3A_816 = vector.shape_cast %reduce_min3A_815 : vector<400xi32> to vector<400x1xi32>
      %lt3A = arith.cmpf olt, %broadcast_in_dim3A_808, %while3A_794 : vector<400x1xf32>
      %select_n3A_817 = arith.select %lt3A, %broadcast_in_dim3A_808, %while3A_794 : vector<400x1xi1>, vector<400x1xf32>
      %select_n3A_818 = arith.select %lt3A, %broadcast_in_dim3A_816, %while3A_795 : vector<400x1xi1>, vector<400x1xi32>
      scf.yield %select_n3A_817, %select_n3A_818 : vector<400x1xf32>, vector<400x1xi32>
    }
    %mul3A_162 = arith.constant 1024 : i32
    %mul3A_163 = arith.muli %get3A_0, %mul3A_162 : i32
    %add3A_164 = vector.broadcast %mul3A_163 : i32 to vector<400x1xi32>
    %add3A_165 = arith.addi %while3A_161#1, %add3A_164 : vector<400x1xi32>
    %swap3A_166 = arith.constant 0 : index
    %swap3A_167 = arith.constant 5 : index
    %swap3A_168 = vector.load %arg7[%swap3A_166, %swap3A_167] : memref<400x32xi32, #tpu.memory_space<vmem>>, vector<400x1xi32>
    tpu.vector_store %arg7[%swap3A_166, %swap3A_167], %add3A_165 {strides = array<i32>} : memref<400x32xi32, #tpu.memory_space<vmem>>, vector<400x1xi32>,
    %broadcast_in_dim3A_169 = arith.constant 0x7F800000 : f32
    %broadcast_in_dim3A_170 = vector.broadcast %broadcast_in_dim3A_169 : f32 to vector<400x1xf32>
    %broadcast_in_dim3A_171 = arith.constant 0 : i32
    %broadcast_in_dim3A_172 = vector.broadcast %broadcast_in_dim3A_171 : i32 to vector<400x1xi32>
    %while3A_173 = arith.constant 0x7F800000 : f32
    %while3A_174 = arith.constant 1073741824 : i32
    %while3A_175 = arith.constant 0 : i32
    %while3A_176 = arith.subi %get3A_2, %while3A_175 : i32
    %while3A_177 = arith.addi %while3A_175, %while3A_176 : i32
    %while3A_178 = arith.constant 1 : i32
    %while3A_179 = arith.divsi %while3A_176, %while3A_178 : i32
    %while3A_180 = arith.muli %while3A_179, %while3A_178 : i32
    %while3A_181 = arith.addi %while3A_175, %while3A_180 : i32
    %while3A_182 = arith.constant 1 : i32
    %while3A_183:2 = scf.for %while3A_793 = %while3A_175 to %while3A_181 step %while3A_182 iter_args(%while3A_794 = %broadcast_in_dim3A_170, %while3A_795 = %broadcast_in_dim3A_172) -> (vector<400x1xf32>, vector<400x1xi32>)  : i32 {
      %mul3A_796 = arith.constant 1024 : i32
      %mul3A_797 = arith.muli %while3A_793, %mul3A_796 : i32
      %multiple_of3A = tpu.assume_multiple %mul3A_797, 1024 : i32
      %mul3A_798 = arith.constant 1024 : i32
      %mul3A_799 = arith.muli %while3A_793, %mul3A_798 : i32
      %add3A_800 = vector.broadcast %mul3A_799 : i32 to vector<1x1024xi32>
      %add3A_801 = arith.addi %iota3A, %add3A_800 : vector<1x1024xi32>
      %get3A_802 = arith.constant 0 : index
      %get3A_803 = arith.index_cast %multiple_of3A : i32 to index
      %get3A_804 = vector.load %arg8[%get3A_802, %get3A_803] : memref<400x10240xf32, #tpu.memory_space<vmem>>, vector<400x1024xf32>
      %gt3A = vector.broadcast %while3A_161#0 : vector<400x1xf32> to vector<400x1024xf32>
      %gt3A_805 = arith.cmpf ogt, %get3A_804, %gt3A : vector<400x1024xf32>
      %broadcast_in_dim3A_806 = vector.broadcast %while3A_173 : f32 to vector<400x1024xf32>
      %select_n3A = arith.select %gt3A_805, %get3A_804, %broadcast_in_dim3A_806 : vector<400x1024xi1>, vector<400x1024xf32>
      %reduce_min3A = arith.constant dense<0x7F800000> : vector<400xf32>
      %reduce_min3A_807 = vector.multi_reduction <minimumf>, %select_n3A, %reduce_min3A [1] : vector<400x1024xf32> to vector<400xf32>
      %broadcast_in_dim3A_808 = vector.shape_cast %reduce_min3A_807 : vector<400xf32> to vector<400x1xf32>
      %eq3A = vector.broadcast %broadcast_in_dim3A_808 : vector<400x1xf32> to vector<400x1024xf32>
      %eq3A_809 = arith.cmpf oeq, %select_n3A, %eq3A : vector<400x1024xf32>
      %broadcast_in_dim3A_810 = vector.shape_cast %add3A_801 : vector<1x1024xi32> to vector<1x1024xi32>
      %broadcast_in_dim3A_811 = vector.broadcast %broadcast_in_dim3A_810 : vector<1x1024xi32> to vector<400x1024xi32>
      %broadcast_in_dim3A_812 = vector.broadcast %while3A_174 : i32 to vector<400x1024xi32>
      %select_n3A_813 = arith.select %eq3A_809, %broadcast_in_dim3A_811, %broadcast_in_dim3A_812 : vector<400x1024xi1>, vector<400x1024xi32>
      %reduce_min3A_814 = arith.constant dense<2147483647> : vector<400xi32>
      %reduce_min3A_815 = vector.multi_reduction <minsi>, %select_n3A_813, %reduce_min3A_814 [1] : vector<400x1024xi32> to vector<400xi32>
      %broadcast_in_dim3A_816 = vector.shape_cast %reduce_min3A_815 : vector<400xi32> to vector<400x1xi32>
      %lt3A = arith.cmpf olt, %broadcast_in_dim3A_808, %while3A_794 : vector<400x1xf32>
      %select_n3A_817 = arith.select %lt3A, %broadcast_in_dim3A_808, %while3A_794 : vector<400x1xi1>, vector<400x1xf32>
      %select_n3A_818 = arith.select %lt3A, %broadcast_in_dim3A_816, %while3A_795 : vector<400x1xi1>, vector<400x1xi32>
      scf.yield %select_n3A_817, %select_n3A_818 : vector<400x1xf32>, vector<400x1xi32>
    }
    %while3A_184 = arith.constant 1 : i32
    %while3A_185:2 = scf.for %while3A_793 = %while3A_181 to %while3A_177 step %while3A_184 iter_args(%while3A_794 = %while3A_183#0, %while3A_795 = %while3A_183#1) -> (vector<400x1xf32>, vector<400x1xi32>)  : i32 {
      %mul3A_796 = arith.constant 1024 : i32
      %mul3A_797 = arith.muli %while3A_793, %mul3A_796 : i32
      %multiple_of3A = tpu.assume_multiple %mul3A_797, 1024 : i32
      %mul3A_798 = arith.constant 1024 : i32
      %mul3A_799 = arith.muli %while3A_793, %mul3A_798 : i32
      %add3A_800 = vector.broadcast %mul3A_799 : i32 to vector<1x1024xi32>
      %add3A_801 = arith.addi %iota3A, %add3A_800 : vector<1x1024xi32>
      %get3A_802 = arith.constant 0 : index
      %get3A_803 = arith.index_cast %multiple_of3A : i32 to index
      %get3A_804 = vector.load %arg8[%get3A_802, %get3A_803] : memref<400x10240xf32, #tpu.memory_space<vmem>>, vector<400x1024xf32>
      %gt3A = vector.broadcast %while3A_161#0 : vector<400x1xf32> to vector<400x1024xf32>
      %gt3A_805 = arith.cmpf ogt, %get3A_804, %gt3A : vector<400x1024xf32>
      %broadcast_in_dim3A_806 = vector.broadcast %while3A_173 : f32 to vector<400x1024xf32>
      %select_n3A = arith.select %gt3A_805, %get3A_804, %broadcast_in_dim3A_806 : vector<400x1024xi1>, vector<400x1024xf32>
      %reduce_min3A = arith.constant dense<0x7F800000> : vector<400xf32>
      %reduce_min3A_807 = vector.multi_reduction <minimumf>, %select_n3A, %reduce_min3A [1] : vector<400x1024xf32> to vector<400xf32>
      %broadcast_in_dim3A_808 = vector.shape_cast %reduce_min3A_807 : vector<400xf32> to vector<400x1xf32>
      %eq3A = vector.broadcast %broadcast_in_dim3A_808 : vector<400x1xf32> to vector<400x1024xf32>
      %eq3A_809 = arith.cmpf oeq, %select_n3A, %eq3A : vector<400x1024xf32>
      %broadcast_in_dim3A_810 = vector.shape_cast %add3A_801 : vector<1x1024xi32> to vector<1x1024xi32>
      %broadcast_in_dim3A_811 = vector.broadcast %broadcast_in_dim3A_810 : vector<1x1024xi32> to vector<400x1024xi32>
      %broadcast_in_dim3A_812 = vector.broadcast %while3A_174 : i32 to vector<400x1024xi32>
      %select_n3A_813 = arith.select %eq3A_809, %broadcast_in_dim3A_811, %broadcast_in_dim3A_812 : vector<400x1024xi1>, vector<400x1024xi32>
      %reduce_min3A_814 = arith.constant dense<2147483647> : vector<400xi32>
      %reduce_min3A_815 = vector.multi_reduction <minsi>, %select_n3A_813, %reduce_min3A_814 [1] : vector<400x1024xi32> to vector<400xi32>
      %broadcast_in_dim3A_816 = vector.shape_cast %reduce_min3A_815 : vector<400xi32> to vector<400x1xi32>
      %lt3A = arith.cmpf olt, %broadcast_in_dim3A_808, %while3A_794 : vector<400x1xf32>
      %select_n3A_817 = arith.select %lt3A, %broadcast_in_dim3A_808, %while3A_794 : vector<400x1xi1>, vector<400x1xf32>
      %select_n3A_818 = arith.select %lt3A, %broadcast_in_dim3A_816, %while3A_795 : vector<400x1xi1>, vector<400x1xi32>
      scf.yield %select_n3A_817, %select_n3A_818 : vector<400x1xf32>, vector<400x1xi32>
    }
    %mul3A_186 = arith.constant 1024 : i32
    %mul3A_187 = arith.muli %get3A_0, %mul3A_186 : i32
    %add3A_188 = vector.broadcast %mul3A_187 : i32 to vector<400x1xi32>
    %add3A_189 = arith.addi %while3A_185#1, %add3A_188 : vector<400x1xi32>
    %swap3A_190 = arith.constant 0 : index
    %swap3A_191 = arith.constant 6 : index
    %swap3A_192 = vector.load %arg7[%swap3A_190, %swap3A_191] : memref<400x32xi32, #tpu.memory_space<vmem>>, vector<400x1xi32>
    tpu.vector_store %arg7[%swap3A_190, %swap3A_191], %add3A_189 {strides = array<i32>} : memref<400x32xi32, #tpu.memory_space<vmem>>, vector<400x1xi32>,
    %broadcast_in_dim3A_193 = arith.constant 0x7F800000 : f32
    %broadcast_in_dim3A_194 = vector.broadcast %broadcast_in_dim3A_193 : f32 to vector<400x1xf32>
    %broadcast_in_dim3A_195 = arith.constant 0 : i32
    %broadcast_in_dim3A_196 = vector.broadcast %broadcast_in_dim3A_195 : i32 to vector<400x1xi32>
    %while3A_197 = arith.constant 0x7F800000 : f32
    %while3A_198 = arith.constant 1073741824 : i32
    %while3A_199 = arith.constant 0 : i32
    %while3A_200 = arith.subi %get3A_2, %while3A_199 : i32
    %while3A_201 = arith.addi %while3A_199, %while3A_200 : i32
    %while3A_202 = arith.constant 1 : i32
    %while3A_203 = arith.divsi %while3A_200, %while3A_202 : i32
    %while3A_204 = arith.muli %while3A_203, %while3A_202 : i32
    %while3A_205 = arith.addi %while3A_199, %while3A_204 : i32
    %while3A_206 = arith.constant 1 : i32
    %while3A_207:2 = scf.for %while3A_793 = %while3A_199 to %while3A_205 step %while3A_206 iter_args(%while3A_794 = %broadcast_in_dim3A_194, %while3A_795 = %broadcast_in_dim3A_196) -> (vector<400x1xf32>, vector<400x1xi32>)  : i32 {
      %mul3A_796 = arith.constant 1024 : i32
      %mul3A_797 = arith.muli %while3A_793, %mul3A_796 : i32
      %multiple_of3A = tpu.assume_multiple %mul3A_797, 1024 : i32
      %mul3A_798 = arith.constant 1024 : i32
      %mul3A_799 = arith.muli %while3A_793, %mul3A_798 : i32
      %add3A_800 = vector.broadcast %mul3A_799 : i32 to vector<1x1024xi32>
      %add3A_801 = arith.addi %iota3A, %add3A_800 : vector<1x1024xi32>
      %get3A_802 = arith.constant 0 : index
      %get3A_803 = arith.index_cast %multiple_of3A : i32 to index
      %get3A_804 = vector.load %arg8[%get3A_802, %get3A_803] : memref<400x10240xf32, #tpu.memory_space<vmem>>, vector<400x1024xf32>
      %gt3A = vector.broadcast %while3A_185#0 : vector<400x1xf32> to vector<400x1024xf32>
      %gt3A_805 = arith.cmpf ogt, %get3A_804, %gt3A : vector<400x1024xf32>
      %broadcast_in_dim3A_806 = vector.broadcast %while3A_197 : f32 to vector<400x1024xf32>
      %select_n3A = arith.select %gt3A_805, %get3A_804, %broadcast_in_dim3A_806 : vector<400x1024xi1>, vector<400x1024xf32>
      %reduce_min3A = arith.constant dense<0x7F800000> : vector<400xf32>
      %reduce_min3A_807 = vector.multi_reduction <minimumf>, %select_n3A, %reduce_min3A [1] : vector<400x1024xf32> to vector<400xf32>
      %broadcast_in_dim3A_808 = vector.shape_cast %reduce_min3A_807 : vector<400xf32> to vector<400x1xf32>
      %eq3A = vector.broadcast %broadcast_in_dim3A_808 : vector<400x1xf32> to vector<400x1024xf32>
      %eq3A_809 = arith.cmpf oeq, %select_n3A, %eq3A : vector<400x1024xf32>
      %broadcast_in_dim3A_810 = vector.shape_cast %add3A_801 : vector<1x1024xi32> to vector<1x1024xi32>
      %broadcast_in_dim3A_811 = vector.broadcast %broadcast_in_dim3A_810 : vector<1x1024xi32> to vector<400x1024xi32>
      %broadcast_in_dim3A_812 = vector.broadcast %while3A_198 : i32 to vector<400x1024xi32>
      %select_n3A_813 = arith.select %eq3A_809, %broadcast_in_dim3A_811, %broadcast_in_dim3A_812 : vector<400x1024xi1>, vector<400x1024xi32>
      %reduce_min3A_814 = arith.constant dense<2147483647> : vector<400xi32>
      %reduce_min3A_815 = vector.multi_reduction <minsi>, %select_n3A_813, %reduce_min3A_814 [1] : vector<400x1024xi32> to vector<400xi32>
      %broadcast_in_dim3A_816 = vector.shape_cast %reduce_min3A_815 : vector<400xi32> to vector<400x1xi32>
      %lt3A = arith.cmpf olt, %broadcast_in_dim3A_808, %while3A_794 : vector<400x1xf32>
      %select_n3A_817 = arith.select %lt3A, %broadcast_in_dim3A_808, %while3A_794 : vector<400x1xi1>, vector<400x1xf32>
      %select_n3A_818 = arith.select %lt3A, %broadcast_in_dim3A_816, %while3A_795 : vector<400x1xi1>, vector<400x1xi32>
      scf.yield %select_n3A_817, %select_n3A_818 : vector<400x1xf32>, vector<400x1xi32>
    }
    %while3A_208 = arith.constant 1 : i32
    %while3A_209:2 = scf.for %while3A_793 = %while3A_205 to %while3A_201 step %while3A_208 iter_args(%while3A_794 = %while3A_207#0, %while3A_795 = %while3A_207#1) -> (vector<400x1xf32>, vector<400x1xi32>)  : i32 {
      %mul3A_796 = arith.constant 1024 : i32
      %mul3A_797 = arith.muli %while3A_793, %mul3A_796 : i32
      %multiple_of3A = tpu.assume_multiple %mul3A_797, 1024 : i32
      %mul3A_798 = arith.constant 1024 : i32
      %mul3A_799 = arith.muli %while3A_793, %mul3A_798 : i32
      %add3A_800 = vector.broadcast %mul3A_799 : i32 to vector<1x1024xi32>
      %add3A_801 = arith.addi %iota3A, %add3A_800 : vector<1x1024xi32>
      %get3A_802 = arith.constant 0 : index
      %get3A_803 = arith.index_cast %multiple_of3A : i32 to index
      %get3A_804 = vector.load %arg8[%get3A_802, %get3A_803] : memref<400x10240xf32, #tpu.memory_space<vmem>>, vector<400x1024xf32>
      %gt3A = vector.broadcast %while3A_185#0 : vector<400x1xf32> to vector<400x1024xf32>
      %gt3A_805 = arith.cmpf ogt, %get3A_804, %gt3A : vector<400x1024xf32>
      %broadcast_in_dim3A_806 = vector.broadcast %while3A_197 : f32 to vector<400x1024xf32>
      %select_n3A = arith.select %gt3A_805, %get3A_804, %broadcast_in_dim3A_806 : vector<400x1024xi1>, vector<400x1024xf32>
      %reduce_min3A = arith.constant dense<0x7F800000> : vector<400xf32>
      %reduce_min3A_807 = vector.multi_reduction <minimumf>, %select_n3A, %reduce_min3A [1] : vector<400x1024xf32> to vector<400xf32>
      %broadcast_in_dim3A_808 = vector.shape_cast %reduce_min3A_807 : vector<400xf32> to vector<400x1xf32>
      %eq3A = vector.broadcast %broadcast_in_dim3A_808 : vector<400x1xf32> to vector<400x1024xf32>
      %eq3A_809 = arith.cmpf oeq, %select_n3A, %eq3A : vector<400x1024xf32>
      %broadcast_in_dim3A_810 = vector.shape_cast %add3A_801 : vector<1x1024xi32> to vector<1x1024xi32>
      %broadcast_in_dim3A_811 = vector.broadcast %broadcast_in_dim3A_810 : vector<1x1024xi32> to vector<400x1024xi32>
      %broadcast_in_dim3A_812 = vector.broadcast %while3A_198 : i32 to vector<400x1024xi32>
      %select_n3A_813 = arith.select %eq3A_809, %broadcast_in_dim3A_811, %broadcast_in_dim3A_812 : vector<400x1024xi1>, vector<400x1024xi32>
      %reduce_min3A_814 = arith.constant dense<2147483647> : vector<400xi32>
      %reduce_min3A_815 = vector.multi_reduction <minsi>, %select_n3A_813, %reduce_min3A_814 [1] : vector<400x1024xi32> to vector<400xi32>
      %broadcast_in_dim3A_816 = vector.shape_cast %reduce_min3A_815 : vector<400xi32> to vector<400x1xi32>
      %lt3A = arith.cmpf olt, %broadcast_in_dim3A_808, %while3A_794 : vector<400x1xf32>
      %select_n3A_817 = arith.select %lt3A, %broadcast_in_dim3A_808, %while3A_794 : vector<400x1xi1>, vector<400x1xf32>
      %select_n3A_818 = arith.select %lt3A, %broadcast_in_dim3A_816, %while3A_795 : vector<400x1xi1>, vector<400x1xi32>
      scf.yield %select_n3A_817, %select_n3A_818 : vector<400x1xf32>, vector<400x1xi32>
    }
    %mul3A_210 = arith.constant 1024 : i32
    %mul3A_211 = arith.muli %get3A_0, %mul3A_210 : i32
    %add3A_212 = vector.broadcast %mul3A_211 : i32 to vector<400x1xi32>
    %add3A_213 = arith.addi %while3A_209#1, %add3A_212 : vector<400x1xi32>
    %swap3A_214 = arith.constant 0 : index
    %swap3A_215 = arith.constant 7 : index
    %swap3A_216 = vector.load %arg7[%swap3A_214, %swap3A_215] : memref<400x32xi32, #tpu.memory_space<vmem>>, vector<400x1xi32>
    tpu.vector_store %arg7[%swap3A_214, %swap3A_215], %add3A_213 {strides = array<i32>} : memref<400x32xi32, #tpu.memory_space<vmem>>, vector<400x1xi32>,
    %broadcast_in_dim3A_217 = arith.constant 0x7F800000 : f32
    %broadcast_in_dim3A_218 = vector.broadcast %broadcast_in_dim3A_217 : f32 to vector<400x1xf32>
    %broadcast_in_dim3A_219 = arith.constant 0 : i32
    %broadcast_in_dim3A_220 = vector.broadcast %broadcast_in_dim3A_219 : i32 to vector<400x1xi32>
    %while3A_221 = arith.constant 0x7F800000 : f32
    %while3A_222 = arith.constant 1073741824 : i32
    %while3A_223 = arith.constant 0 : i32
    %while3A_224 = arith.subi %get3A_2, %while3A_223 : i32
    %while3A_225 = arith.addi %while3A_223, %while3A_224 : i32
    %while3A_226 = arith.constant 1 : i32
    %while3A_227 = arith.divsi %while3A_224, %while3A_226 : i32
    %while3A_228 = arith.muli %while3A_227, %while3A_226 : i32
    %while3A_229 = arith.addi %while3A_223, %while3A_228 : i32
    %while3A_230 = arith.constant 1 : i32
    %while3A_231:2 = scf.for %while3A_793 = %while3A_223 to %while3A_229 step %while3A_230 iter_args(%while3A_794 = %broadcast_in_dim3A_218, %while3A_795 = %broadcast_in_dim3A_220) -> (vector<400x1xf32>, vector<400x1xi32>)  : i32 {
      %mul3A_796 = arith.constant 1024 : i32
      %mul3A_797 = arith.muli %while3A_793, %mul3A_796 : i32
      %multiple_of3A = tpu.assume_multiple %mul3A_797, 1024 : i32
      %mul3A_798 = arith.constant 1024 : i32
      %mul3A_799 = arith.muli %while3A_793, %mul3A_798 : i32
      %add3A_800 = vector.broadcast %mul3A_799 : i32 to vector<1x1024xi32>
      %add3A_801 = arith.addi %iota3A, %add3A_800 : vector<1x1024xi32>
      %get3A_802 = arith.constant 0 : index
      %get3A_803 = arith.index_cast %multiple_of3A : i32 to index
      %get3A_804 = vector.load %arg8[%get3A_802, %get3A_803] : memref<400x10240xf32, #tpu.memory_space<vmem>>, vector<400x1024xf32>
      %gt3A = vector.broadcast %while3A_209#0 : vector<400x1xf32> to vector<400x1024xf32>
      %gt3A_805 = arith.cmpf ogt, %get3A_804, %gt3A : vector<400x1024xf32>
      %broadcast_in_dim3A_806 = vector.broadcast %while3A_221 : f32 to vector<400x1024xf32>
      %select_n3A = arith.select %gt3A_805, %get3A_804, %broadcast_in_dim3A_806 : vector<400x1024xi1>, vector<400x1024xf32>
      %reduce_min3A = arith.constant dense<0x7F800000> : vector<400xf32>
      %reduce_min3A_807 = vector.multi_reduction <minimumf>, %select_n3A, %reduce_min3A [1] : vector<400x1024xf32> to vector<400xf32>
      %broadcast_in_dim3A_808 = vector.shape_cast %reduce_min3A_807 : vector<400xf32> to vector<400x1xf32>
      %eq3A = vector.broadcast %broadcast_in_dim3A_808 : vector<400x1xf32> to vector<400x1024xf32>
      %eq3A_809 = arith.cmpf oeq, %select_n3A, %eq3A : vector<400x1024xf32>
      %broadcast_in_dim3A_810 = vector.shape_cast %add3A_801 : vector<1x1024xi32> to vector<1x1024xi32>
      %broadcast_in_dim3A_811 = vector.broadcast %broadcast_in_dim3A_810 : vector<1x1024xi32> to vector<400x1024xi32>
      %broadcast_in_dim3A_812 = vector.broadcast %while3A_222 : i32 to vector<400x1024xi32>
      %select_n3A_813 = arith.select %eq3A_809, %broadcast_in_dim3A_811, %broadcast_in_dim3A_812 : vector<400x1024xi1>, vector<400x1024xi32>
      %reduce_min3A_814 = arith.constant dense<2147483647> : vector<400xi32>
      %reduce_min3A_815 = vector.multi_reduction <minsi>, %select_n3A_813, %reduce_min3A_814 [1] : vector<400x1024xi32> to vector<400xi32>
      %broadcast_in_dim3A_816 = vector.shape_cast %reduce_min3A_815 : vector<400xi32> to vector<400x1xi32>
      %lt3A = arith.cmpf olt, %broadcast_in_dim3A_808, %while3A_794 : vector<400x1xf32>
      %select_n3A_817 = arith.select %lt3A, %broadcast_in_dim3A_808, %while3A_794 : vector<400x1xi1>, vector<400x1xf32>
      %select_n3A_818 = arith.select %lt3A, %broadcast_in_dim3A_816, %while3A_795 : vector<400x1xi1>, vector<400x1xi32>
      scf.yield %select_n3A_817, %select_n3A_818 : vector<400x1xf32>, vector<400x1xi32>
    }
    %while3A_232 = arith.constant 1 : i32
    %while3A_233:2 = scf.for %while3A_793 = %while3A_229 to %while3A_225 step %while3A_232 iter_args(%while3A_794 = %while3A_231#0, %while3A_795 = %while3A_231#1) -> (vector<400x1xf32>, vector<400x1xi32>)  : i32 {
      %mul3A_796 = arith.constant 1024 : i32
      %mul3A_797 = arith.muli %while3A_793, %mul3A_796 : i32
      %multiple_of3A = tpu.assume_multiple %mul3A_797, 1024 : i32
      %mul3A_798 = arith.constant 1024 : i32
      %mul3A_799 = arith.muli %while3A_793, %mul3A_798 : i32
      %add3A_800 = vector.broadcast %mul3A_799 : i32 to vector<1x1024xi32>
      %add3A_801 = arith.addi %iota3A, %add3A_800 : vector<1x1024xi32>
      %get3A_802 = arith.constant 0 : index
      %get3A_803 = arith.index_cast %multiple_of3A : i32 to index
      %get3A_804 = vector.load %arg8[%get3A_802, %get3A_803] : memref<400x10240xf32, #tpu.memory_space<vmem>>, vector<400x1024xf32>
      %gt3A = vector.broadcast %while3A_209#0 : vector<400x1xf32> to vector<400x1024xf32>
      %gt3A_805 = arith.cmpf ogt, %get3A_804, %gt3A : vector<400x1024xf32>
      %broadcast_in_dim3A_806 = vector.broadcast %while3A_221 : f32 to vector<400x1024xf32>
      %select_n3A = arith.select %gt3A_805, %get3A_804, %broadcast_in_dim3A_806 : vector<400x1024xi1>, vector<400x1024xf32>
      %reduce_min3A = arith.constant dense<0x7F800000> : vector<400xf32>
      %reduce_min3A_807 = vector.multi_reduction <minimumf>, %select_n3A, %reduce_min3A [1] : vector<400x1024xf32> to vector<400xf32>
      %broadcast_in_dim3A_808 = vector.shape_cast %reduce_min3A_807 : vector<400xf32> to vector<400x1xf32>
      %eq3A = vector.broadcast %broadcast_in_dim3A_808 : vector<400x1xf32> to vector<400x1024xf32>
      %eq3A_809 = arith.cmpf oeq, %select_n3A, %eq3A : vector<400x1024xf32>
      %broadcast_in_dim3A_810 = vector.shape_cast %add3A_801 : vector<1x1024xi32> to vector<1x1024xi32>
      %broadcast_in_dim3A_811 = vector.broadcast %broadcast_in_dim3A_810 : vector<1x1024xi32> to vector<400x1024xi32>
      %broadcast_in_dim3A_812 = vector.broadcast %while3A_222 : i32 to vector<400x1024xi32>
      %select_n3A_813 = arith.select %eq3A_809, %broadcast_in_dim3A_811, %broadcast_in_dim3A_812 : vector<400x1024xi1>, vector<400x1024xi32>
      %reduce_min3A_814 = arith.constant dense<2147483647> : vector<400xi32>
      %reduce_min3A_815 = vector.multi_reduction <minsi>, %select_n3A_813, %reduce_min3A_814 [1] : vector<400x1024xi32> to vector<400xi32>
      %broadcast_in_dim3A_816 = vector.shape_cast %reduce_min3A_815 : vector<400xi32> to vector<400x1xi32>
      %lt3A = arith.cmpf olt, %broadcast_in_dim3A_808, %while3A_794 : vector<400x1xf32>
      %select_n3A_817 = arith.select %lt3A, %broadcast_in_dim3A_808, %while3A_794 : vector<400x1xi1>, vector<400x1xf32>
      %select_n3A_818 = arith.select %lt3A, %broadcast_in_dim3A_816, %while3A_795 : vector<400x1xi1>, vector<400x1xi32>
      scf.yield %select_n3A_817, %select_n3A_818 : vector<400x1xf32>, vector<400x1xi32>
    }
    %mul3A_234 = arith.constant 1024 : i32
    %mul3A_235 = arith.muli %get3A_0, %mul3A_234 : i32
    %add3A_236 = vector.broadcast %mul3A_235 : i32 to vector<400x1xi32>
    %add3A_237 = arith.addi %while3A_233#1, %add3A_236 : vector<400x1xi32>
    %swap3A_238 = arith.constant 0 : index
    %swap3A_239 = arith.constant 8 : index
    %swap3A_240 = vector.load %arg7[%swap3A_238, %swap3A_239] : memref<400x32xi32, #tpu.memory_space<vmem>>, vector<400x1xi32>
    tpu.vector_store %arg7[%swap3A_238, %swap3A_239], %add3A_237 {strides = array<i32>} : memref<400x32xi32, #tpu.memory_space<vmem>>, vector<400x1xi32>,
    %broadcast_in_dim3A_241 = arith.constant 0x7F800000 : f32
    %broadcast_in_dim3A_242 = vector.broadcast %broadcast_in_dim3A_241 : f32 to vector<400x1xf32>
    %broadcast_in_dim3A_243 = arith.constant 0 : i32
    %broadcast_in_dim3A_244 = vector.broadcast %broadcast_in_dim3A_243 : i32 to vector<400x1xi32>
    %while3A_245 = arith.constant 0x7F800000 : f32
    %while3A_246 = arith.constant 1073741824 : i32
    %while3A_247 = arith.constant 0 : i32
    %while3A_248 = arith.subi %get3A_2, %while3A_247 : i32
    %while3A_249 = arith.addi %while3A_247, %while3A_248 : i32
    %while3A_250 = arith.constant 1 : i32
    %while3A_251 = arith.divsi %while3A_248, %while3A_250 : i32
    %while3A_252 = arith.muli %while3A_251, %while3A_250 : i32
    %while3A_253 = arith.addi %while3A_247, %while3A_252 : i32
    %while3A_254 = arith.constant 1 : i32
    %while3A_255:2 = scf.for %while3A_793 = %while3A_247 to %while3A_253 step %while3A_254 iter_args(%while3A_794 = %broadcast_in_dim3A_242, %while3A_795 = %broadcast_in_dim3A_244) -> (vector<400x1xf32>, vector<400x1xi32>)  : i32 {
      %mul3A_796 = arith.constant 1024 : i32
      %mul3A_797 = arith.muli %while3A_793, %mul3A_796 : i32
      %multiple_of3A = tpu.assume_multiple %mul3A_797, 1024 : i32
      %mul3A_798 = arith.constant 1024 : i32
      %mul3A_799 = arith.muli %while3A_793, %mul3A_798 : i32
      %add3A_800 = vector.broadcast %mul3A_799 : i32 to vector<1x1024xi32>
      %add3A_801 = arith.addi %iota3A, %add3A_800 : vector<1x1024xi32>
      %get3A_802 = arith.constant 0 : index
      %get3A_803 = arith.index_cast %multiple_of3A : i32 to index
      %get3A_804 = vector.load %arg8[%get3A_802, %get3A_803] : memref<400x10240xf32, #tpu.memory_space<vmem>>, vector<400x1024xf32>
      %gt3A = vector.broadcast %while3A_233#0 : vector<400x1xf32> to vector<400x1024xf32>
      %gt3A_805 = arith.cmpf ogt, %get3A_804, %gt3A : vector<400x1024xf32>
      %broadcast_in_dim3A_806 = vector.broadcast %while3A_245 : f32 to vector<400x1024xf32>
      %select_n3A = arith.select %gt3A_805, %get3A_804, %broadcast_in_dim3A_806 : vector<400x1024xi1>, vector<400x1024xf32>
      %reduce_min3A = arith.constant dense<0x7F800000> : vector<400xf32>
      %reduce_min3A_807 = vector.multi_reduction <minimumf>, %select_n3A, %reduce_min3A [1] : vector<400x1024xf32> to vector<400xf32>
      %broadcast_in_dim3A_808 = vector.shape_cast %reduce_min3A_807 : vector<400xf32> to vector<400x1xf32>
      %eq3A = vector.broadcast %broadcast_in_dim3A_808 : vector<400x1xf32> to vector<400x1024xf32>
      %eq3A_809 = arith.cmpf oeq, %select_n3A, %eq3A : vector<400x1024xf32>
      %broadcast_in_dim3A_810 = vector.shape_cast %add3A_801 : vector<1x1024xi32> to vector<1x1024xi32>
      %broadcast_in_dim3A_811 = vector.broadcast %broadcast_in_dim3A_810 : vector<1x1024xi32> to vector<400x1024xi32>
      %broadcast_in_dim3A_812 = vector.broadcast %while3A_246 : i32 to vector<400x1024xi32>
      %select_n3A_813 = arith.select %eq3A_809, %broadcast_in_dim3A_811, %broadcast_in_dim3A_812 : vector<400x1024xi1>, vector<400x1024xi32>
      %reduce_min3A_814 = arith.constant dense<2147483647> : vector<400xi32>
      %reduce_min3A_815 = vector.multi_reduction <minsi>, %select_n3A_813, %reduce_min3A_814 [1] : vector<400x1024xi32> to vector<400xi32>
      %broadcast_in_dim3A_816 = vector.shape_cast %reduce_min3A_815 : vector<400xi32> to vector<400x1xi32>
      %lt3A = arith.cmpf olt, %broadcast_in_dim3A_808, %while3A_794 : vector<400x1xf32>
      %select_n3A_817 = arith.select %lt3A, %broadcast_in_dim3A_808, %while3A_794 : vector<400x1xi1>, vector<400x1xf32>
      %select_n3A_818 = arith.select %lt3A, %broadcast_in_dim3A_816, %while3A_795 : vector<400x1xi1>, vector<400x1xi32>
      scf.yield %select_n3A_817, %select_n3A_818 : vector<400x1xf32>, vector<400x1xi32>
    }
    %while3A_256 = arith.constant 1 : i32
    %while3A_257:2 = scf.for %while3A_793 = %while3A_253 to %while3A_249 step %while3A_256 iter_args(%while3A_794 = %while3A_255#0, %while3A_795 = %while3A_255#1) -> (vector<400x1xf32>, vector<400x1xi32>)  : i32 {
      %mul3A_796 = arith.constant 1024 : i32
      %mul3A_797 = arith.muli %while3A_793, %mul3A_796 : i32
      %multiple_of3A = tpu.assume_multiple %mul3A_797, 1024 : i32
      %mul3A_798 = arith.constant 1024 : i32
      %mul3A_799 = arith.muli %while3A_793, %mul3A_798 : i32
      %add3A_800 = vector.broadcast %mul3A_799 : i32 to vector<1x1024xi32>
      %add3A_801 = arith.addi %iota3A, %add3A_800 : vector<1x1024xi32>
      %get3A_802 = arith.constant 0 : index
      %get3A_803 = arith.index_cast %multiple_of3A : i32 to index
      %get3A_804 = vector.load %arg8[%get3A_802, %get3A_803] : memref<400x10240xf32, #tpu.memory_space<vmem>>, vector<400x1024xf32>
      %gt3A = vector.broadcast %while3A_233#0 : vector<400x1xf32> to vector<400x1024xf32>
      %gt3A_805 = arith.cmpf ogt, %get3A_804, %gt3A : vector<400x1024xf32>
      %broadcast_in_dim3A_806 = vector.broadcast %while3A_245 : f32 to vector<400x1024xf32>
      %select_n3A = arith.select %gt3A_805, %get3A_804, %broadcast_in_dim3A_806 : vector<400x1024xi1>, vector<400x1024xf32>
      %reduce_min3A = arith.constant dense<0x7F800000> : vector<400xf32>
      %reduce_min3A_807 = vector.multi_reduction <minimumf>, %select_n3A, %reduce_min3A [1] : vector<400x1024xf32> to vector<400xf32>
      %broadcast_in_dim3A_808 = vector.shape_cast %reduce_min3A_807 : vector<400xf32> to vector<400x1xf32>
      %eq3A = vector.broadcast %broadcast_in_dim3A_808 : vector<400x1xf32> to vector<400x1024xf32>
      %eq3A_809 = arith.cmpf oeq, %select_n3A, %eq3A : vector<400x1024xf32>
      %broadcast_in_dim3A_810 = vector.shape_cast %add3A_801 : vector<1x1024xi32> to vector<1x1024xi32>
      %broadcast_in_dim3A_811 = vector.broadcast %broadcast_in_dim3A_810 : vector<1x1024xi32> to vector<400x1024xi32>
      %broadcast_in_dim3A_812 = vector.broadcast %while3A_246 : i32 to vector<400x1024xi32>
      %select_n3A_813 = arith.select %eq3A_809, %broadcast_in_dim3A_811, %broadcast_in_dim3A_812 : vector<400x1024xi1>, vector<400x1024xi32>
      %reduce_min3A_814 = arith.constant dense<2147483647> : vector<400xi32>
      %reduce_min3A_815 = vector.multi_reduction <minsi>, %select_n3A_813, %reduce_min3A_814 [1] : vector<400x1024xi32> to vector<400xi32>
      %broadcast_in_dim3A_816 = vector.shape_cast %reduce_min3A_815 : vector<400xi32> to vector<400x1xi32>
      %lt3A = arith.cmpf olt, %broadcast_in_dim3A_808, %while3A_794 : vector<400x1xf32>
      %select_n3A_817 = arith.select %lt3A, %broadcast_in_dim3A_808, %while3A_794 : vector<400x1xi1>, vector<400x1xf32>
      %select_n3A_818 = arith.select %lt3A, %broadcast_in_dim3A_816, %while3A_795 : vector<400x1xi1>, vector<400x1xi32>
      scf.yield %select_n3A_817, %select_n3A_818 : vector<400x1xf32>, vector<400x1xi32>
    }
    %mul3A_258 = arith.constant 1024 : i32
    %mul3A_259 = arith.muli %get3A_0, %mul3A_258 : i32
    %add3A_260 = vector.broadcast %mul3A_259 : i32 to vector<400x1xi32>
    %add3A_261 = arith.addi %while3A_257#1, %add3A_260 : vector<400x1xi32>
    %swap3A_262 = arith.constant 0 : index
    %swap3A_263 = arith.constant 9 : index
    %swap3A_264 = vector.load %arg7[%swap3A_262, %swap3A_263] : memref<400x32xi32, #tpu.memory_space<vmem>>, vector<400x1xi32>
    tpu.vector_store %arg7[%swap3A_262, %swap3A_263], %add3A_261 {strides = array<i32>} : memref<400x32xi32, #tpu.memory_space<vmem>>, vector<400x1xi32>,
    %broadcast_in_dim3A_265 = arith.constant 0x7F800000 : f32
    %broadcast_in_dim3A_266 = vector.broadcast %broadcast_in_dim3A_265 : f32 to vector<400x1xf32>
    %broadcast_in_dim3A_267 = arith.constant 0 : i32
    %broadcast_in_dim3A_268 = vector.broadcast %broadcast_in_dim3A_267 : i32 to vector<400x1xi32>
    %while3A_269 = arith.constant 0x7F800000 : f32
    %while3A_270 = arith.constant 1073741824 : i32
    %while3A_271 = arith.constant 0 : i32
    %while3A_272 = arith.subi %get3A_2, %while3A_271 : i32
    %while3A_273 = arith.addi %while3A_271, %while3A_272 : i32
    %while3A_274 = arith.constant 1 : i32
    %while3A_275 = arith.divsi %while3A_272, %while3A_274 : i32
    %while3A_276 = arith.muli %while3A_275, %while3A_274 : i32
    %while3A_277 = arith.addi %while3A_271, %while3A_276 : i32
    %while3A_278 = arith.constant 1 : i32
    %while3A_279:2 = scf.for %while3A_793 = %while3A_271 to %while3A_277 step %while3A_278 iter_args(%while3A_794 = %broadcast_in_dim3A_266, %while3A_795 = %broadcast_in_dim3A_268) -> (vector<400x1xf32>, vector<400x1xi32>)  : i32 {
      %mul3A_796 = arith.constant 1024 : i32
      %mul3A_797 = arith.muli %while3A_793, %mul3A_796 : i32
      %multiple_of3A = tpu.assume_multiple %mul3A_797, 1024 : i32
      %mul3A_798 = arith.constant 1024 : i32
      %mul3A_799 = arith.muli %while3A_793, %mul3A_798 : i32
      %add3A_800 = vector.broadcast %mul3A_799 : i32 to vector<1x1024xi32>
      %add3A_801 = arith.addi %iota3A, %add3A_800 : vector<1x1024xi32>
      %get3A_802 = arith.constant 0 : index
      %get3A_803 = arith.index_cast %multiple_of3A : i32 to index
      %get3A_804 = vector.load %arg8[%get3A_802, %get3A_803] : memref<400x10240xf32, #tpu.memory_space<vmem>>, vector<400x1024xf32>
      %gt3A = vector.broadcast %while3A_257#0 : vector<400x1xf32> to vector<400x1024xf32>
      %gt3A_805 = arith.cmpf ogt, %get3A_804, %gt3A : vector<400x1024xf32>
      %broadcast_in_dim3A_806 = vector.broadcast %while3A_269 : f32 to vector<400x1024xf32>
      %select_n3A = arith.select %gt3A_805, %get3A_804, %broadcast_in_dim3A_806 : vector<400x1024xi1>, vector<400x1024xf32>
      %reduce_min3A = arith.constant dense<0x7F800000> : vector<400xf32>
      %reduce_min3A_807 = vector.multi_reduction <minimumf>, %select_n3A, %reduce_min3A [1] : vector<400x1024xf32> to vector<400xf32>
      %broadcast_in_dim3A_808 = vector.shape_cast %reduce_min3A_807 : vector<400xf32> to vector<400x1xf32>
      %eq3A = vector.broadcast %broadcast_in_dim3A_808 : vector<400x1xf32> to vector<400x1024xf32>
      %eq3A_809 = arith.cmpf oeq, %select_n3A, %eq3A : vector<400x1024xf32>
      %broadcast_in_dim3A_810 = vector.shape_cast %add3A_801 : vector<1x1024xi32> to vector<1x1024xi32>
      %broadcast_in_dim3A_811 = vector.broadcast %broadcast_in_dim3A_810 : vector<1x1024xi32> to vector<400x1024xi32>
      %broadcast_in_dim3A_812 = vector.broadcast %while3A_270 : i32 to vector<400x1024xi32>
      %select_n3A_813 = arith.select %eq3A_809, %broadcast_in_dim3A_811, %broadcast_in_dim3A_812 : vector<400x1024xi1>, vector<400x1024xi32>
      %reduce_min3A_814 = arith.constant dense<2147483647> : vector<400xi32>
      %reduce_min3A_815 = vector.multi_reduction <minsi>, %select_n3A_813, %reduce_min3A_814 [1] : vector<400x1024xi32> to vector<400xi32>
      %broadcast_in_dim3A_816 = vector.shape_cast %reduce_min3A_815 : vector<400xi32> to vector<400x1xi32>
      %lt3A = arith.cmpf olt, %broadcast_in_dim3A_808, %while3A_794 : vector<400x1xf32>
      %select_n3A_817 = arith.select %lt3A, %broadcast_in_dim3A_808, %while3A_794 : vector<400x1xi1>, vector<400x1xf32>
      %select_n3A_818 = arith.select %lt3A, %broadcast_in_dim3A_816, %while3A_795 : vector<400x1xi1>, vector<400x1xi32>
      scf.yield %select_n3A_817, %select_n3A_818 : vector<400x1xf32>, vector<400x1xi32>
    }
    %while3A_280 = arith.constant 1 : i32
    %while3A_281:2 = scf.for %while3A_793 = %while3A_277 to %while3A_273 step %while3A_280 iter_args(%while3A_794 = %while3A_279#0, %while3A_795 = %while3A_279#1) -> (vector<400x1xf32>, vector<400x1xi32>)  : i32 {
      %mul3A_796 = arith.constant 1024 : i32
      %mul3A_797 = arith.muli %while3A_793, %mul3A_796 : i32
      %multiple_of3A = tpu.assume_multiple %mul3A_797, 1024 : i32
      %mul3A_798 = arith.constant 1024 : i32
      %mul3A_799 = arith.muli %while3A_793, %mul3A_798 : i32
      %add3A_800 = vector.broadcast %mul3A_799 : i32 to vector<1x1024xi32>
      %add3A_801 = arith.addi %iota3A, %add3A_800 : vector<1x1024xi32>
      %get3A_802 = arith.constant 0 : index
      %get3A_803 = arith.index_cast %multiple_of3A : i32 to index
      %get3A_804 = vector.load %arg8[%get3A_802, %get3A_803] : memref<400x10240xf32, #tpu.memory_space<vmem>>, vector<400x1024xf32>
      %gt3A = vector.broadcast %while3A_257#0 : vector<400x1xf32> to vector<400x1024xf32>
      %gt3A_805 = arith.cmpf ogt, %get3A_804, %gt3A : vector<400x1024xf32>
      %broadcast_in_dim3A_806 = vector.broadcast %while3A_269 : f32 to vector<400x1024xf32>
      %select_n3A = arith.select %gt3A_805, %get3A_804, %broadcast_in_dim3A_806 : vector<400x1024xi1>, vector<400x1024xf32>
      %reduce_min3A = arith.constant dense<0x7F800000> : vector<400xf32>
      %reduce_min3A_807 = vector.multi_reduction <minimumf>, %select_n3A, %reduce_min3A [1] : vector<400x1024xf32> to vector<400xf32>
      %broadcast_in_dim3A_808 = vector.shape_cast %reduce_min3A_807 : vector<400xf32> to vector<400x1xf32>
      %eq3A = vector.broadcast %broadcast_in_dim3A_808 : vector<400x1xf32> to vector<400x1024xf32>
      %eq3A_809 = arith.cmpf oeq, %select_n3A, %eq3A : vector<400x1024xf32>
      %broadcast_in_dim3A_810 = vector.shape_cast %add3A_801 : vector<1x1024xi32> to vector<1x1024xi32>
      %broadcast_in_dim3A_811 = vector.broadcast %broadcast_in_dim3A_810 : vector<1x1024xi32> to vector<400x1024xi32>
      %broadcast_in_dim3A_812 = vector.broadcast %while3A_270 : i32 to vector<400x1024xi32>
      %select_n3A_813 = arith.select %eq3A_809, %broadcast_in_dim3A_811, %broadcast_in_dim3A_812 : vector<400x1024xi1>, vector<400x1024xi32>
      %reduce_min3A_814 = arith.constant dense<2147483647> : vector<400xi32>
      %reduce_min3A_815 = vector.multi_reduction <minsi>, %select_n3A_813, %reduce_min3A_814 [1] : vector<400x1024xi32> to vector<400xi32>
      %broadcast_in_dim3A_816 = vector.shape_cast %reduce_min3A_815 : vector<400xi32> to vector<400x1xi32>
      %lt3A = arith.cmpf olt, %broadcast_in_dim3A_808, %while3A_794 : vector<400x1xf32>
      %select_n3A_817 = arith.select %lt3A, %broadcast_in_dim3A_808, %while3A_794 : vector<400x1xi1>, vector<400x1xf32>
      %select_n3A_818 = arith.select %lt3A, %broadcast_in_dim3A_816, %while3A_795 : vector<400x1xi1>, vector<400x1xi32>
      scf.yield %select_n3A_817, %select_n3A_818 : vector<400x1xf32>, vector<400x1xi32>
    }
    %mul3A_282 = arith.constant 1024 : i32
    %mul3A_283 = arith.muli %get3A_0, %mul3A_282 : i32
    %add3A_284 = vector.broadcast %mul3A_283 : i32 to vector<400x1xi32>
    %add3A_285 = arith.addi %while3A_281#1, %add3A_284 : vector<400x1xi32>
    %swap3A_286 = arith.constant 0 : index
    %swap3A_287 = arith.constant 10 : index
    %swap3A_288 = vector.load %arg7[%swap3A_286, %swap3A_287] : memref<400x32xi32, #tpu.memory_space<vmem>>, vector<400x1xi32>
    tpu.vector_store %arg7[%swap3A_286, %swap3A_287], %add3A_285 {strides = array<i32>} : memref<400x32xi32, #tpu.memory_space<vmem>>, vector<400x1xi32>,
    %broadcast_in_dim3A_289 = arith.constant 0x7F800000 : f32
    %broadcast_in_dim3A_290 = vector.broadcast %broadcast_in_dim3A_289 : f32 to vector<400x1xf32>
    %broadcast_in_dim3A_291 = arith.constant 0 : i32
    %broadcast_in_dim3A_292 = vector.broadcast %broadcast_in_dim3A_291 : i32 to vector<400x1xi32>
    %while3A_293 = arith.constant 0x7F800000 : f32
    %while3A_294 = arith.constant 1073741824 : i32
    %while3A_295 = arith.constant 0 : i32
    %while3A_296 = arith.subi %get3A_2, %while3A_295 : i32
    %while3A_297 = arith.addi %while3A_295, %while3A_296 : i32
    %while3A_298 = arith.constant 1 : i32
    %while3A_299 = arith.divsi %while3A_296, %while3A_298 : i32
    %while3A_300 = arith.muli %while3A_299, %while3A_298 : i32
    %while3A_301 = arith.addi %while3A_295, %while3A_300 : i32
    %while3A_302 = arith.constant 1 : i32
    %while3A_303:2 = scf.for %while3A_793 = %while3A_295 to %while3A_301 step %while3A_302 iter_args(%while3A_794 = %broadcast_in_dim3A_290, %while3A_795 = %broadcast_in_dim3A_292) -> (vector<400x1xf32>, vector<400x1xi32>)  : i32 {
      %mul3A_796 = arith.constant 1024 : i32
      %mul3A_797 = arith.muli %while3A_793, %mul3A_796 : i32
      %multiple_of3A = tpu.assume_multiple %mul3A_797, 1024 : i32
      %mul3A_798 = arith.constant 1024 : i32
      %mul3A_799 = arith.muli %while3A_793, %mul3A_798 : i32
      %add3A_800 = vector.broadcast %mul3A_799 : i32 to vector<1x1024xi32>
      %add3A_801 = arith.addi %iota3A, %add3A_800 : vector<1x1024xi32>
      %get3A_802 = arith.constant 0 : index
      %get3A_803 = arith.index_cast %multiple_of3A : i32 to index
      %get3A_804 = vector.load %arg8[%get3A_802, %get3A_803] : memref<400x10240xf32, #tpu.memory_space<vmem>>, vector<400x1024xf32>
      %gt3A = vector.broadcast %while3A_281#0 : vector<400x1xf32> to vector<400x1024xf32>
      %gt3A_805 = arith.cmpf ogt, %get3A_804, %gt3A : vector<400x1024xf32>
      %broadcast_in_dim3A_806 = vector.broadcast %while3A_293 : f32 to vector<400x1024xf32>
      %select_n3A = arith.select %gt3A_805, %get3A_804, %broadcast_in_dim3A_806 : vector<400x1024xi1>, vector<400x1024xf32>
      %reduce_min3A = arith.constant dense<0x7F800000> : vector<400xf32>
      %reduce_min3A_807 = vector.multi_reduction <minimumf>, %select_n3A, %reduce_min3A [1] : vector<400x1024xf32> to vector<400xf32>
      %broadcast_in_dim3A_808 = vector.shape_cast %reduce_min3A_807 : vector<400xf32> to vector<400x1xf32>
      %eq3A = vector.broadcast %broadcast_in_dim3A_808 : vector<400x1xf32> to vector<400x1024xf32>
      %eq3A_809 = arith.cmpf oeq, %select_n3A, %eq3A : vector<400x1024xf32>
      %broadcast_in_dim3A_810 = vector.shape_cast %add3A_801 : vector<1x1024xi32> to vector<1x1024xi32>
      %broadcast_in_dim3A_811 = vector.broadcast %broadcast_in_dim3A_810 : vector<1x1024xi32> to vector<400x1024xi32>
      %broadcast_in_dim3A_812 = vector.broadcast %while3A_294 : i32 to vector<400x1024xi32>
      %select_n3A_813 = arith.select %eq3A_809, %broadcast_in_dim3A_811, %broadcast_in_dim3A_812 : vector<400x1024xi1>, vector<400x1024xi32>
      %reduce_min3A_814 = arith.constant dense<2147483647> : vector<400xi32>
      %reduce_min3A_815 = vector.multi_reduction <minsi>, %select_n3A_813, %reduce_min3A_814 [1] : vector<400x1024xi32> to vector<400xi32>
      %broadcast_in_dim3A_816 = vector.shape_cast %reduce_min3A_815 : vector<400xi32> to vector<400x1xi32>
      %lt3A = arith.cmpf olt, %broadcast_in_dim3A_808, %while3A_794 : vector<400x1xf32>
      %select_n3A_817 = arith.select %lt3A, %broadcast_in_dim3A_808, %while3A_794 : vector<400x1xi1>, vector<400x1xf32>
      %select_n3A_818 = arith.select %lt3A, %broadcast_in_dim3A_816, %while3A_795 : vector<400x1xi1>, vector<400x1xi32>
      scf.yield %select_n3A_817, %select_n3A_818 : vector<400x1xf32>, vector<400x1xi32>
    }
    %while3A_304 = arith.constant 1 : i32
    %while3A_305:2 = scf.for %while3A_793 = %while3A_301 to %while3A_297 step %while3A_304 iter_args(%while3A_794 = %while3A_303#0, %while3A_795 = %while3A_303#1) -> (vector<400x1xf32>, vector<400x1xi32>)  : i32 {
      %mul3A_796 = arith.constant 1024 : i32
      %mul3A_797 = arith.muli %while3A_793, %mul3A_796 : i32
      %multiple_of3A = tpu.assume_multiple %mul3A_797, 1024 : i32
      %mul3A_798 = arith.constant 1024 : i32
      %mul3A_799 = arith.muli %while3A_793, %mul3A_798 : i32
      %add3A_800 = vector.broadcast %mul3A_799 : i32 to vector<1x1024xi32>
      %add3A_801 = arith.addi %iota3A, %add3A_800 : vector<1x1024xi32>
      %get3A_802 = arith.constant 0 : index
      %get3A_803 = arith.index_cast %multiple_of3A : i32 to index
      %get3A_804 = vector.load %arg8[%get3A_802, %get3A_803] : memref<400x10240xf32, #tpu.memory_space<vmem>>, vector<400x1024xf32>
      %gt3A = vector.broadcast %while3A_281#0 : vector<400x1xf32> to vector<400x1024xf32>
      %gt3A_805 = arith.cmpf ogt, %get3A_804, %gt3A : vector<400x1024xf32>
      %broadcast_in_dim3A_806 = vector.broadcast %while3A_293 : f32 to vector<400x1024xf32>
      %select_n3A = arith.select %gt3A_805, %get3A_804, %broadcast_in_dim3A_806 : vector<400x1024xi1>, vector<400x1024xf32>
      %reduce_min3A = arith.constant dense<0x7F800000> : vector<400xf32>
      %reduce_min3A_807 = vector.multi_reduction <minimumf>, %select_n3A, %reduce_min3A [1] : vector<400x1024xf32> to vector<400xf32>
      %broadcast_in_dim3A_808 = vector.shape_cast %reduce_min3A_807 : vector<400xf32> to vector<400x1xf32>
      %eq3A = vector.broadcast %broadcast_in_dim3A_808 : vector<400x1xf32> to vector<400x1024xf32>
      %eq3A_809 = arith.cmpf oeq, %select_n3A, %eq3A : vector<400x1024xf32>
      %broadcast_in_dim3A_810 = vector.shape_cast %add3A_801 : vector<1x1024xi32> to vector<1x1024xi32>
      %broadcast_in_dim3A_811 = vector.broadcast %broadcast_in_dim3A_810 : vector<1x1024xi32> to vector<400x1024xi32>
      %broadcast_in_dim3A_812 = vector.broadcast %while3A_294 : i32 to vector<400x1024xi32>
      %select_n3A_813 = arith.select %eq3A_809, %broadcast_in_dim3A_811, %broadcast_in_dim3A_812 : vector<400x1024xi1>, vector<400x1024xi32>
      %reduce_min3A_814 = arith.constant dense<2147483647> : vector<400xi32>
      %reduce_min3A_815 = vector.multi_reduction <minsi>, %select_n3A_813, %reduce_min3A_814 [1] : vector<400x1024xi32> to vector<400xi32>
      %broadcast_in_dim3A_816 = vector.shape_cast %reduce_min3A_815 : vector<400xi32> to vector<400x1xi32>
      %lt3A = arith.cmpf olt, %broadcast_in_dim3A_808, %while3A_794 : vector<400x1xf32>
      %select_n3A_817 = arith.select %lt3A, %broadcast_in_dim3A_808, %while3A_794 : vector<400x1xi1>, vector<400x1xf32>
      %select_n3A_818 = arith.select %lt3A, %broadcast_in_dim3A_816, %while3A_795 : vector<400x1xi1>, vector<400x1xi32>
      scf.yield %select_n3A_817, %select_n3A_818 : vector<400x1xf32>, vector<400x1xi32>
    }
    %mul3A_306 = arith.constant 1024 : i32
    %mul3A_307 = arith.muli %get3A_0, %mul3A_306 : i32
    %add3A_308 = vector.broadcast %mul3A_307 : i32 to vector<400x1xi32>
    %add3A_309 = arith.addi %while3A_305#1, %add3A_308 : vector<400x1xi32>
    %swap3A_310 = arith.constant 0 : index
    %swap3A_311 = arith.constant 11 : index
    %swap3A_312 = vector.load %arg7[%swap3A_310, %swap3A_311] : memref<400x32xi32, #tpu.memory_space<vmem>>, vector<400x1xi32>
    tpu.vector_store %arg7[%swap3A_310, %swap3A_311], %add3A_309 {strides = array<i32>} : memref<400x32xi32, #tpu.memory_space<vmem>>, vector<400x1xi32>,
    %broadcast_in_dim3A_313 = arith.constant 0x7F800000 : f32
    %broadcast_in_dim3A_314 = vector.broadcast %broadcast_in_dim3A_313 : f32 to vector<400x1xf32>
    %broadcast_in_dim3A_315 = arith.constant 0 : i32
    %broadcast_in_dim3A_316 = vector.broadcast %broadcast_in_dim3A_315 : i32 to vector<400x1xi32>
    %while3A_317 = arith.constant 0x7F800000 : f32
    %while3A_318 = arith.constant 1073741824 : i32
    %while3A_319 = arith.constant 0 : i32
    %while3A_320 = arith.subi %get3A_2, %while3A_319 : i32
    %while3A_321 = arith.addi %while3A_319, %while3A_320 : i32
    %while3A_322 = arith.constant 1 : i32
    %while3A_323 = arith.divsi %while3A_320, %while3A_322 : i32
    %while3A_324 = arith.muli %while3A_323, %while3A_322 : i32
    %while3A_325 = arith.addi %while3A_319, %while3A_324 : i32
    %while3A_326 = arith.constant 1 : i32
    %while3A_327:2 = scf.for %while3A_793 = %while3A_319 to %while3A_325 step %while3A_326 iter_args(%while3A_794 = %broadcast_in_dim3A_314, %while3A_795 = %broadcast_in_dim3A_316) -> (vector<400x1xf32>, vector<400x1xi32>)  : i32 {
      %mul3A_796 = arith.constant 1024 : i32
      %mul3A_797 = arith.muli %while3A_793, %mul3A_796 : i32
      %multiple_of3A = tpu.assume_multiple %mul3A_797, 1024 : i32
      %mul3A_798 = arith.constant 1024 : i32
      %mul3A_799 = arith.muli %while3A_793, %mul3A_798 : i32
      %add3A_800 = vector.broadcast %mul3A_799 : i32 to vector<1x1024xi32>
      %add3A_801 = arith.addi %iota3A, %add3A_800 : vector<1x1024xi32>
      %get3A_802 = arith.constant 0 : index
      %get3A_803 = arith.index_cast %multiple_of3A : i32 to index
      %get3A_804 = vector.load %arg8[%get3A_802, %get3A_803] : memref<400x10240xf32, #tpu.memory_space<vmem>>, vector<400x1024xf32>
      %gt3A = vector.broadcast %while3A_305#0 : vector<400x1xf32> to vector<400x1024xf32>
      %gt3A_805 = arith.cmpf ogt, %get3A_804, %gt3A : vector<400x1024xf32>
      %broadcast_in_dim3A_806 = vector.broadcast %while3A_317 : f32 to vector<400x1024xf32>
      %select_n3A = arith.select %gt3A_805, %get3A_804, %broadcast_in_dim3A_806 : vector<400x1024xi1>, vector<400x1024xf32>
      %reduce_min3A = arith.constant dense<0x7F800000> : vector<400xf32>
      %reduce_min3A_807 = vector.multi_reduction <minimumf>, %select_n3A, %reduce_min3A [1] : vector<400x1024xf32> to vector<400xf32>
      %broadcast_in_dim3A_808 = vector.shape_cast %reduce_min3A_807 : vector<400xf32> to vector<400x1xf32>
      %eq3A = vector.broadcast %broadcast_in_dim3A_808 : vector<400x1xf32> to vector<400x1024xf32>
      %eq3A_809 = arith.cmpf oeq, %select_n3A, %eq3A : vector<400x1024xf32>
      %broadcast_in_dim3A_810 = vector.shape_cast %add3A_801 : vector<1x1024xi32> to vector<1x1024xi32>
      %broadcast_in_dim3A_811 = vector.broadcast %broadcast_in_dim3A_810 : vector<1x1024xi32> to vector<400x1024xi32>
      %broadcast_in_dim3A_812 = vector.broadcast %while3A_318 : i32 to vector<400x1024xi32>
      %select_n3A_813 = arith.select %eq3A_809, %broadcast_in_dim3A_811, %broadcast_in_dim3A_812 : vector<400x1024xi1>, vector<400x1024xi32>
      %reduce_min3A_814 = arith.constant dense<2147483647> : vector<400xi32>
      %reduce_min3A_815 = vector.multi_reduction <minsi>, %select_n3A_813, %reduce_min3A_814 [1] : vector<400x1024xi32> to vector<400xi32>
      %broadcast_in_dim3A_816 = vector.shape_cast %reduce_min3A_815 : vector<400xi32> to vector<400x1xi32>
      %lt3A = arith.cmpf olt, %broadcast_in_dim3A_808, %while3A_794 : vector<400x1xf32>
      %select_n3A_817 = arith.select %lt3A, %broadcast_in_dim3A_808, %while3A_794 : vector<400x1xi1>, vector<400x1xf32>
      %select_n3A_818 = arith.select %lt3A, %broadcast_in_dim3A_816, %while3A_795 : vector<400x1xi1>, vector<400x1xi32>
      scf.yield %select_n3A_817, %select_n3A_818 : vector<400x1xf32>, vector<400x1xi32>
    }
    %while3A_328 = arith.constant 1 : i32
    %while3A_329:2 = scf.for %while3A_793 = %while3A_325 to %while3A_321 step %while3A_328 iter_args(%while3A_794 = %while3A_327#0, %while3A_795 = %while3A_327#1) -> (vector<400x1xf32>, vector<400x1xi32>)  : i32 {
      %mul3A_796 = arith.constant 1024 : i32
      %mul3A_797 = arith.muli %while3A_793, %mul3A_796 : i32
      %multiple_of3A = tpu.assume_multiple %mul3A_797, 1024 : i32
      %mul3A_798 = arith.constant 1024 : i32
      %mul3A_799 = arith.muli %while3A_793, %mul3A_798 : i32
      %add3A_800 = vector.broadcast %mul3A_799 : i32 to vector<1x1024xi32>
      %add3A_801 = arith.addi %iota3A, %add3A_800 : vector<1x1024xi32>
      %get3A_802 = arith.constant 0 : index
      %get3A_803 = arith.index_cast %multiple_of3A : i32 to index
      %get3A_804 = vector.load %arg8[%get3A_802, %get3A_803] : memref<400x10240xf32, #tpu.memory_space<vmem>>, vector<400x1024xf32>
      %gt3A = vector.broadcast %while3A_305#0 : vector<400x1xf32> to vector<400x1024xf32>
      %gt3A_805 = arith.cmpf ogt, %get3A_804, %gt3A : vector<400x1024xf32>
      %broadcast_in_dim3A_806 = vector.broadcast %while3A_317 : f32 to vector<400x1024xf32>
      %select_n3A = arith.select %gt3A_805, %get3A_804, %broadcast_in_dim3A_806 : vector<400x1024xi1>, vector<400x1024xf32>
      %reduce_min3A = arith.constant dense<0x7F800000> : vector<400xf32>
      %reduce_min3A_807 = vector.multi_reduction <minimumf>, %select_n3A, %reduce_min3A [1] : vector<400x1024xf32> to vector<400xf32>
      %broadcast_in_dim3A_808 = vector.shape_cast %reduce_min3A_807 : vector<400xf32> to vector<400x1xf32>
      %eq3A = vector.broadcast %broadcast_in_dim3A_808 : vector<400x1xf32> to vector<400x1024xf32>
      %eq3A_809 = arith.cmpf oeq, %select_n3A, %eq3A : vector<400x1024xf32>
      %broadcast_in_dim3A_810 = vector.shape_cast %add3A_801 : vector<1x1024xi32> to vector<1x1024xi32>
      %broadcast_in_dim3A_811 = vector.broadcast %broadcast_in_dim3A_810 : vector<1x1024xi32> to vector<400x1024xi32>
      %broadcast_in_dim3A_812 = vector.broadcast %while3A_318 : i32 to vector<400x1024xi32>
      %select_n3A_813 = arith.select %eq3A_809, %broadcast_in_dim3A_811, %broadcast_in_dim3A_812 : vector<400x1024xi1>, vector<400x1024xi32>
      %reduce_min3A_814 = arith.constant dense<2147483647> : vector<400xi32>
      %reduce_min3A_815 = vector.multi_reduction <minsi>, %select_n3A_813, %reduce_min3A_814 [1] : vector<400x1024xi32> to vector<400xi32>
      %broadcast_in_dim3A_816 = vector.shape_cast %reduce_min3A_815 : vector<400xi32> to vector<400x1xi32>
      %lt3A = arith.cmpf olt, %broadcast_in_dim3A_808, %while3A_794 : vector<400x1xf32>
      %select_n3A_817 = arith.select %lt3A, %broadcast_in_dim3A_808, %while3A_794 : vector<400x1xi1>, vector<400x1xf32>
      %select_n3A_818 = arith.select %lt3A, %broadcast_in_dim3A_816, %while3A_795 : vector<400x1xi1>, vector<400x1xi32>
      scf.yield %select_n3A_817, %select_n3A_818 : vector<400x1xf32>, vector<400x1xi32>
    }
    %mul3A_330 = arith.constant 1024 : i32
    %mul3A_331 = arith.muli %get3A_0, %mul3A_330 : i32
    %add3A_332 = vector.broadcast %mul3A_331 : i32 to vector<400x1xi32>
    %add3A_333 = arith.addi %while3A_329#1, %add3A_332 : vector<400x1xi32>
    %swap3A_334 = arith.constant 0 : index
    %swap3A_335 = arith.constant 12 : index
    %swap3A_336 = vector.load %arg7[%swap3A_334, %swap3A_335] : memref<400x32xi32, #tpu.memory_space<vmem>>, vector<400x1xi32>
    tpu.vector_store %arg7[%swap3A_334, %swap3A_335], %add3A_333 {strides = array<i32>} : memref<400x32xi32, #tpu.memory_space<vmem>>, vector<400x1xi32>,
    %broadcast_in_dim3A_337 = arith.constant 0x7F800000 : f32
    %broadcast_in_dim3A_338 = vector.broadcast %broadcast_in_dim3A_337 : f32 to vector<400x1xf32>
    %broadcast_in_dim3A_339 = arith.constant 0 : i32
    %broadcast_in_dim3A_340 = vector.broadcast %broadcast_in_dim3A_339 : i32 to vector<400x1xi32>
    %while3A_341 = arith.constant 0x7F800000 : f32
    %while3A_342 = arith.constant 1073741824 : i32
    %while3A_343 = arith.constant 0 : i32
    %while3A_344 = arith.subi %get3A_2, %while3A_343 : i32
    %while3A_345 = arith.addi %while3A_343, %while3A_344 : i32
    %while3A_346 = arith.constant 1 : i32
    %while3A_347 = arith.divsi %while3A_344, %while3A_346 : i32
    %while3A_348 = arith.muli %while3A_347, %while3A_346 : i32
    %while3A_349 = arith.addi %while3A_343, %while3A_348 : i32
    %while3A_350 = arith.constant 1 : i32
    %while3A_351:2 = scf.for %while3A_793 = %while3A_343 to %while3A_349 step %while3A_350 iter_args(%while3A_794 = %broadcast_in_dim3A_338, %while3A_795 = %broadcast_in_dim3A_340) -> (vector<400x1xf32>, vector<400x1xi32>)  : i32 {
      %mul3A_796 = arith.constant 1024 : i32
      %mul3A_797 = arith.muli %while3A_793, %mul3A_796 : i32
      %multiple_of3A = tpu.assume_multiple %mul3A_797, 1024 : i32
      %mul3A_798 = arith.constant 1024 : i32
      %mul3A_799 = arith.muli %while3A_793, %mul3A_798 : i32
      %add3A_800 = vector.broadcast %mul3A_799 : i32 to vector<1x1024xi32>
      %add3A_801 = arith.addi %iota3A, %add3A_800 : vector<1x1024xi32>
      %get3A_802 = arith.constant 0 : index
      %get3A_803 = arith.index_cast %multiple_of3A : i32 to index
      %get3A_804 = vector.load %arg8[%get3A_802, %get3A_803] : memref<400x10240xf32, #tpu.memory_space<vmem>>, vector<400x1024xf32>
      %gt3A = vector.broadcast %while3A_329#0 : vector<400x1xf32> to vector<400x1024xf32>
      %gt3A_805 = arith.cmpf ogt, %get3A_804, %gt3A : vector<400x1024xf32>
      %broadcast_in_dim3A_806 = vector.broadcast %while3A_341 : f32 to vector<400x1024xf32>
      %select_n3A = arith.select %gt3A_805, %get3A_804, %broadcast_in_dim3A_806 : vector<400x1024xi1>, vector<400x1024xf32>
      %reduce_min3A = arith.constant dense<0x7F800000> : vector<400xf32>
      %reduce_min3A_807 = vector.multi_reduction <minimumf>, %select_n3A, %reduce_min3A [1] : vector<400x1024xf32> to vector<400xf32>
      %broadcast_in_dim3A_808 = vector.shape_cast %reduce_min3A_807 : vector<400xf32> to vector<400x1xf32>
      %eq3A = vector.broadcast %broadcast_in_dim3A_808 : vector<400x1xf32> to vector<400x1024xf32>
      %eq3A_809 = arith.cmpf oeq, %select_n3A, %eq3A : vector<400x1024xf32>
      %broadcast_in_dim3A_810 = vector.shape_cast %add3A_801 : vector<1x1024xi32> to vector<1x1024xi32>
      %broadcast_in_dim3A_811 = vector.broadcast %broadcast_in_dim3A_810 : vector<1x1024xi32> to vector<400x1024xi32>
      %broadcast_in_dim3A_812 = vector.broadcast %while3A_342 : i32 to vector<400x1024xi32>
      %select_n3A_813 = arith.select %eq3A_809, %broadcast_in_dim3A_811, %broadcast_in_dim3A_812 : vector<400x1024xi1>, vector<400x1024xi32>
      %reduce_min3A_814 = arith.constant dense<2147483647> : vector<400xi32>
      %reduce_min3A_815 = vector.multi_reduction <minsi>, %select_n3A_813, %reduce_min3A_814 [1] : vector<400x1024xi32> to vector<400xi32>
      %broadcast_in_dim3A_816 = vector.shape_cast %reduce_min3A_815 : vector<400xi32> to vector<400x1xi32>
      %lt3A = arith.cmpf olt, %broadcast_in_dim3A_808, %while3A_794 : vector<400x1xf32>
      %select_n3A_817 = arith.select %lt3A, %broadcast_in_dim3A_808, %while3A_794 : vector<400x1xi1>, vector<400x1xf32>
      %select_n3A_818 = arith.select %lt3A, %broadcast_in_dim3A_816, %while3A_795 : vector<400x1xi1>, vector<400x1xi32>
      scf.yield %select_n3A_817, %select_n3A_818 : vector<400x1xf32>, vector<400x1xi32>
    }
    %while3A_352 = arith.constant 1 : i32
    %while3A_353:2 = scf.for %while3A_793 = %while3A_349 to %while3A_345 step %while3A_352 iter_args(%while3A_794 = %while3A_351#0, %while3A_795 = %while3A_351#1) -> (vector<400x1xf32>, vector<400x1xi32>)  : i32 {
      %mul3A_796 = arith.constant 1024 : i32
      %mul3A_797 = arith.muli %while3A_793, %mul3A_796 : i32
      %multiple_of3A = tpu.assume_multiple %mul3A_797, 1024 : i32
      %mul3A_798 = arith.constant 1024 : i32
      %mul3A_799 = arith.muli %while3A_793, %mul3A_798 : i32
      %add3A_800 = vector.broadcast %mul3A_799 : i32 to vector<1x1024xi32>
      %add3A_801 = arith.addi %iota3A, %add3A_800 : vector<1x1024xi32>
      %get3A_802 = arith.constant 0 : index
      %get3A_803 = arith.index_cast %multiple_of3A : i32 to index
      %get3A_804 = vector.load %arg8[%get3A_802, %get3A_803] : memref<400x10240xf32, #tpu.memory_space<vmem>>, vector<400x1024xf32>
      %gt3A = vector.broadcast %while3A_329#0 : vector<400x1xf32> to vector<400x1024xf32>
      %gt3A_805 = arith.cmpf ogt, %get3A_804, %gt3A : vector<400x1024xf32>
      %broadcast_in_dim3A_806 = vector.broadcast %while3A_341 : f32 to vector<400x1024xf32>
      %select_n3A = arith.select %gt3A_805, %get3A_804, %broadcast_in_dim3A_806 : vector<400x1024xi1>, vector<400x1024xf32>
      %reduce_min3A = arith.constant dense<0x7F800000> : vector<400xf32>
      %reduce_min3A_807 = vector.multi_reduction <minimumf>, %select_n3A, %reduce_min3A [1] : vector<400x1024xf32> to vector<400xf32>
      %broadcast_in_dim3A_808 = vector.shape_cast %reduce_min3A_807 : vector<400xf32> to vector<400x1xf32>
      %eq3A = vector.broadcast %broadcast_in_dim3A_808 : vector<400x1xf32> to vector<400x1024xf32>
      %eq3A_809 = arith.cmpf oeq, %select_n3A, %eq3A : vector<400x1024xf32>
      %broadcast_in_dim3A_810 = vector.shape_cast %add3A_801 : vector<1x1024xi32> to vector<1x1024xi32>
      %broadcast_in_dim3A_811 = vector.broadcast %broadcast_in_dim3A_810 : vector<1x1024xi32> to vector<400x1024xi32>
      %broadcast_in_dim3A_812 = vector.broadcast %while3A_342 : i32 to vector<400x1024xi32>
      %select_n3A_813 = arith.select %eq3A_809, %broadcast_in_dim3A_811, %broadcast_in_dim3A_812 : vector<400x1024xi1>, vector<400x1024xi32>
      %reduce_min3A_814 = arith.constant dense<2147483647> : vector<400xi32>
      %reduce_min3A_815 = vector.multi_reduction <minsi>, %select_n3A_813, %reduce_min3A_814 [1] : vector<400x1024xi32> to vector<400xi32>
      %broadcast_in_dim3A_816 = vector.shape_cast %reduce_min3A_815 : vector<400xi32> to vector<400x1xi32>
      %lt3A = arith.cmpf olt, %broadcast_in_dim3A_808, %while3A_794 : vector<400x1xf32>
      %select_n3A_817 = arith.select %lt3A, %broadcast_in_dim3A_808, %while3A_794 : vector<400x1xi1>, vector<400x1xf32>
      %select_n3A_818 = arith.select %lt3A, %broadcast_in_dim3A_816, %while3A_795 : vector<400x1xi1>, vector<400x1xi32>
      scf.yield %select_n3A_817, %select_n3A_818 : vector<400x1xf32>, vector<400x1xi32>
    }
    %mul3A_354 = arith.constant 1024 : i32
    %mul3A_355 = arith.muli %get3A_0, %mul3A_354 : i32
    %add3A_356 = vector.broadcast %mul3A_355 : i32 to vector<400x1xi32>
    %add3A_357 = arith.addi %while3A_353#1, %add3A_356 : vector<400x1xi32>
    %swap3A_358 = arith.constant 0 : index
    %swap3A_359 = arith.constant 13 : index
    %swap3A_360 = vector.load %arg7[%swap3A_358, %swap3A_359] : memref<400x32xi32, #tpu.memory_space<vmem>>, vector<400x1xi32>
    tpu.vector_store %arg7[%swap3A_358, %swap3A_359], %add3A_357 {strides = array<i32>} : memref<400x32xi32, #tpu.memory_space<vmem>>, vector<400x1xi32>,
    %broadcast_in_dim3A_361 = arith.constant 0x7F800000 : f32
    %broadcast_in_dim3A_362 = vector.broadcast %broadcast_in_dim3A_361 : f32 to vector<400x1xf32>
    %broadcast_in_dim3A_363 = arith.constant 0 : i32
    %broadcast_in_dim3A_364 = vector.broadcast %broadcast_in_dim3A_363 : i32 to vector<400x1xi32>
    %while3A_365 = arith.constant 0x7F800000 : f32
    %while3A_366 = arith.constant 1073741824 : i32
    %while3A_367 = arith.constant 0 : i32
    %while3A_368 = arith.subi %get3A_2, %while3A_367 : i32
    %while3A_369 = arith.addi %while3A_367, %while3A_368 : i32
    %while3A_370 = arith.constant 1 : i32
    %while3A_371 = arith.divsi %while3A_368, %while3A_370 : i32
    %while3A_372 = arith.muli %while3A_371, %while3A_370 : i32
    %while3A_373 = arith.addi %while3A_367, %while3A_372 : i32
    %while3A_374 = arith.constant 1 : i32
    %while3A_375:2 = scf.for %while3A_793 = %while3A_367 to %while3A_373 step %while3A_374 iter_args(%while3A_794 = %broadcast_in_dim3A_362, %while3A_795 = %broadcast_in_dim3A_364) -> (vector<400x1xf32>, vector<400x1xi32>)  : i32 {
      %mul3A_796 = arith.constant 1024 : i32
      %mul3A_797 = arith.muli %while3A_793, %mul3A_796 : i32
      %multiple_of3A = tpu.assume_multiple %mul3A_797, 1024 : i32
      %mul3A_798 = arith.constant 1024 : i32
      %mul3A_799 = arith.muli %while3A_793, %mul3A_798 : i32
      %add3A_800 = vector.broadcast %mul3A_799 : i32 to vector<1x1024xi32>
      %add3A_801 = arith.addi %iota3A, %add3A_800 : vector<1x1024xi32>
      %get3A_802 = arith.constant 0 : index
      %get3A_803 = arith.index_cast %multiple_of3A : i32 to index
      %get3A_804 = vector.load %arg8[%get3A_802, %get3A_803] : memref<400x10240xf32, #tpu.memory_space<vmem>>, vector<400x1024xf32>
      %gt3A = vector.broadcast %while3A_353#0 : vector<400x1xf32> to vector<400x1024xf32>
      %gt3A_805 = arith.cmpf ogt, %get3A_804, %gt3A : vector<400x1024xf32>
      %broadcast_in_dim3A_806 = vector.broadcast %while3A_365 : f32 to vector<400x1024xf32>
      %select_n3A = arith.select %gt3A_805, %get3A_804, %broadcast_in_dim3A_806 : vector<400x1024xi1>, vector<400x1024xf32>
      %reduce_min3A = arith.constant dense<0x7F800000> : vector<400xf32>
      %reduce_min3A_807 = vector.multi_reduction <minimumf>, %select_n3A, %reduce_min3A [1] : vector<400x1024xf32> to vector<400xf32>
      %broadcast_in_dim3A_808 = vector.shape_cast %reduce_min3A_807 : vector<400xf32> to vector<400x1xf32>
      %eq3A = vector.broadcast %broadcast_in_dim3A_808 : vector<400x1xf32> to vector<400x1024xf32>
      %eq3A_809 = arith.cmpf oeq, %select_n3A, %eq3A : vector<400x1024xf32>
      %broadcast_in_dim3A_810 = vector.shape_cast %add3A_801 : vector<1x1024xi32> to vector<1x1024xi32>
      %broadcast_in_dim3A_811 = vector.broadcast %broadcast_in_dim3A_810 : vector<1x1024xi32> to vector<400x1024xi32>
      %broadcast_in_dim3A_812 = vector.broadcast %while3A_366 : i32 to vector<400x1024xi32>
      %select_n3A_813 = arith.select %eq3A_809, %broadcast_in_dim3A_811, %broadcast_in_dim3A_812 : vector<400x1024xi1>, vector<400x1024xi32>
      %reduce_min3A_814 = arith.constant dense<2147483647> : vector<400xi32>
      %reduce_min3A_815 = vector.multi_reduction <minsi>, %select_n3A_813, %reduce_min3A_814 [1] : vector<400x1024xi32> to vector<400xi32>
      %broadcast_in_dim3A_816 = vector.shape_cast %reduce_min3A_815 : vector<400xi32> to vector<400x1xi32>
      %lt3A = arith.cmpf olt, %broadcast_in_dim3A_808, %while3A_794 : vector<400x1xf32>
      %select_n3A_817 = arith.select %lt3A, %broadcast_in_dim3A_808, %while3A_794 : vector<400x1xi1>, vector<400x1xf32>
      %select_n3A_818 = arith.select %lt3A, %broadcast_in_dim3A_816, %while3A_795 : vector<400x1xi1>, vector<400x1xi32>
      scf.yield %select_n3A_817, %select_n3A_818 : vector<400x1xf32>, vector<400x1xi32>
    }
    %while3A_376 = arith.constant 1 : i32
    %while3A_377:2 = scf.for %while3A_793 = %while3A_373 to %while3A_369 step %while3A_376 iter_args(%while3A_794 = %while3A_375#0, %while3A_795 = %while3A_375#1) -> (vector<400x1xf32>, vector<400x1xi32>)  : i32 {
      %mul3A_796 = arith.constant 1024 : i32
      %mul3A_797 = arith.muli %while3A_793, %mul3A_796 : i32
      %multiple_of3A = tpu.assume_multiple %mul3A_797, 1024 : i32
      %mul3A_798 = arith.constant 1024 : i32
      %mul3A_799 = arith.muli %while3A_793, %mul3A_798 : i32
      %add3A_800 = vector.broadcast %mul3A_799 : i32 to vector<1x1024xi32>
      %add3A_801 = arith.addi %iota3A, %add3A_800 : vector<1x1024xi32>
      %get3A_802 = arith.constant 0 : index
      %get3A_803 = arith.index_cast %multiple_of3A : i32 to index
      %get3A_804 = vector.load %arg8[%get3A_802, %get3A_803] : memref<400x10240xf32, #tpu.memory_space<vmem>>, vector<400x1024xf32>
      %gt3A = vector.broadcast %while3A_353#0 : vector<400x1xf32> to vector<400x1024xf32>
      %gt3A_805 = arith.cmpf ogt, %get3A_804, %gt3A : vector<400x1024xf32>
      %broadcast_in_dim3A_806 = vector.broadcast %while3A_365 : f32 to vector<400x1024xf32>
      %select_n3A = arith.select %gt3A_805, %get3A_804, %broadcast_in_dim3A_806 : vector<400x1024xi1>, vector<400x1024xf32>
      %reduce_min3A = arith.constant dense<0x7F800000> : vector<400xf32>
      %reduce_min3A_807 = vector.multi_reduction <minimumf>, %select_n3A, %reduce_min3A [1] : vector<400x1024xf32> to vector<400xf32>
      %broadcast_in_dim3A_808 = vector.shape_cast %reduce_min3A_807 : vector<400xf32> to vector<400x1xf32>
      %eq3A = vector.broadcast %broadcast_in_dim3A_808 : vector<400x1xf32> to vector<400x1024xf32>
      %eq3A_809 = arith.cmpf oeq, %select_n3A, %eq3A : vector<400x1024xf32>
      %broadcast_in_dim3A_810 = vector.shape_cast %add3A_801 : vector<1x1024xi32> to vector<1x1024xi32>
      %broadcast_in_dim3A_811 = vector.broadcast %broadcast_in_dim3A_810 : vector<1x1024xi32> to vector<400x1024xi32>
      %broadcast_in_dim3A_812 = vector.broadcast %while3A_366 : i32 to vector<400x1024xi32>
      %select_n3A_813 = arith.select %eq3A_809, %broadcast_in_dim3A_811, %broadcast_in_dim3A_812 : vector<400x1024xi1>, vector<400x1024xi32>
      %reduce_min3A_814 = arith.constant dense<2147483647> : vector<400xi32>
      %reduce_min3A_815 = vector.multi_reduction <minsi>, %select_n3A_813, %reduce_min3A_814 [1] : vector<400x1024xi32> to vector<400xi32>
      %broadcast_in_dim3A_816 = vector.shape_cast %reduce_min3A_815 : vector<400xi32> to vector<400x1xi32>
      %lt3A = arith.cmpf olt, %broadcast_in_dim3A_808, %while3A_794 : vector<400x1xf32>
      %select_n3A_817 = arith.select %lt3A, %broadcast_in_dim3A_808, %while3A_794 : vector<400x1xi1>, vector<400x1xf32>
      %select_n3A_818 = arith.select %lt3A, %broadcast_in_dim3A_816, %while3A_795 : vector<400x1xi1>, vector<400x1xi32>
      scf.yield %select_n3A_817, %select_n3A_818 : vector<400x1xf32>, vector<400x1xi32>
    }
    %mul3A_378 = arith.constant 1024 : i32
    %mul3A_379 = arith.muli %get3A_0, %mul3A_378 : i32
    %add3A_380 = vector.broadcast %mul3A_379 : i32 to vector<400x1xi32>
    %add3A_381 = arith.addi %while3A_377#1, %add3A_380 : vector<400x1xi32>
    %swap3A_382 = arith.constant 0 : index
    %swap3A_383 = arith.constant 14 : index
    %swap3A_384 = vector.load %arg7[%swap3A_382, %swap3A_383] : memref<400x32xi32, #tpu.memory_space<vmem>>, vector<400x1xi32>
    tpu.vector_store %arg7[%swap3A_382, %swap3A_383], %add3A_381 {strides = array<i32>} : memref<400x32xi32, #tpu.memory_space<vmem>>, vector<400x1xi32>,
    %broadcast_in_dim3A_385 = arith.constant 0x7F800000 : f32
    %broadcast_in_dim3A_386 = vector.broadcast %broadcast_in_dim3A_385 : f32 to vector<400x1xf32>
    %broadcast_in_dim3A_387 = arith.constant 0 : i32
    %broadcast_in_dim3A_388 = vector.broadcast %broadcast_in_dim3A_387 : i32 to vector<400x1xi32>
    %while3A_389 = arith.constant 0x7F800000 : f32
    %while3A_390 = arith.constant 1073741824 : i32
    %while3A_391 = arith.constant 0 : i32
    %while3A_392 = arith.subi %get3A_2, %while3A_391 : i32
    %while3A_393 = arith.addi %while3A_391, %while3A_392 : i32
    %while3A_394 = arith.constant 1 : i32
    %while3A_395 = arith.divsi %while3A_392, %while3A_394 : i32
    %while3A_396 = arith.muli %while3A_395, %while3A_394 : i32
    %while3A_397 = arith.addi %while3A_391, %while3A_396 : i32
    %while3A_398 = arith.constant 1 : i32
    %while3A_399:2 = scf.for %while3A_793 = %while3A_391 to %while3A_397 step %while3A_398 iter_args(%while3A_794 = %broadcast_in_dim3A_386, %while3A_795 = %broadcast_in_dim3A_388) -> (vector<400x1xf32>, vector<400x1xi32>)  : i32 {
      %mul3A_796 = arith.constant 1024 : i32
      %mul3A_797 = arith.muli %while3A_793, %mul3A_796 : i32
      %multiple_of3A = tpu.assume_multiple %mul3A_797, 1024 : i32
      %mul3A_798 = arith.constant 1024 : i32
      %mul3A_799 = arith.muli %while3A_793, %mul3A_798 : i32
      %add3A_800 = vector.broadcast %mul3A_799 : i32 to vector<1x1024xi32>
      %add3A_801 = arith.addi %iota3A, %add3A_800 : vector<1x1024xi32>
      %get3A_802 = arith.constant 0 : index
      %get3A_803 = arith.index_cast %multiple_of3A : i32 to index
      %get3A_804 = vector.load %arg8[%get3A_802, %get3A_803] : memref<400x10240xf32, #tpu.memory_space<vmem>>, vector<400x1024xf32>
      %gt3A = vector.broadcast %while3A_377#0 : vector<400x1xf32> to vector<400x1024xf32>
      %gt3A_805 = arith.cmpf ogt, %get3A_804, %gt3A : vector<400x1024xf32>
      %broadcast_in_dim3A_806 = vector.broadcast %while3A_389 : f32 to vector<400x1024xf32>
      %select_n3A = arith.select %gt3A_805, %get3A_804, %broadcast_in_dim3A_806 : vector<400x1024xi1>, vector<400x1024xf32>
      %reduce_min3A = arith.constant dense<0x7F800000> : vector<400xf32>
      %reduce_min3A_807 = vector.multi_reduction <minimumf>, %select_n3A, %reduce_min3A [1] : vector<400x1024xf32> to vector<400xf32>
      %broadcast_in_dim3A_808 = vector.shape_cast %reduce_min3A_807 : vector<400xf32> to vector<400x1xf32>
      %eq3A = vector.broadcast %broadcast_in_dim3A_808 : vector<400x1xf32> to vector<400x1024xf32>
      %eq3A_809 = arith.cmpf oeq, %select_n3A, %eq3A : vector<400x1024xf32>
      %broadcast_in_dim3A_810 = vector.shape_cast %add3A_801 : vector<1x1024xi32> to vector<1x1024xi32>
      %broadcast_in_dim3A_811 = vector.broadcast %broadcast_in_dim3A_810 : vector<1x1024xi32> to vector<400x1024xi32>
      %broadcast_in_dim3A_812 = vector.broadcast %while3A_390 : i32 to vector<400x1024xi32>
      %select_n3A_813 = arith.select %eq3A_809, %broadcast_in_dim3A_811, %broadcast_in_dim3A_812 : vector<400x1024xi1>, vector<400x1024xi32>
      %reduce_min3A_814 = arith.constant dense<2147483647> : vector<400xi32>
      %reduce_min3A_815 = vector.multi_reduction <minsi>, %select_n3A_813, %reduce_min3A_814 [1] : vector<400x1024xi32> to vector<400xi32>
      %broadcast_in_dim3A_816 = vector.shape_cast %reduce_min3A_815 : vector<400xi32> to vector<400x1xi32>
      %lt3A = arith.cmpf olt, %broadcast_in_dim3A_808, %while3A_794 : vector<400x1xf32>
      %select_n3A_817 = arith.select %lt3A, %broadcast_in_dim3A_808, %while3A_794 : vector<400x1xi1>, vector<400x1xf32>
      %select_n3A_818 = arith.select %lt3A, %broadcast_in_dim3A_816, %while3A_795 : vector<400x1xi1>, vector<400x1xi32>
      scf.yield %select_n3A_817, %select_n3A_818 : vector<400x1xf32>, vector<400x1xi32>
    }
    %while3A_400 = arith.constant 1 : i32
    %while3A_401:2 = scf.for %while3A_793 = %while3A_397 to %while3A_393 step %while3A_400 iter_args(%while3A_794 = %while3A_399#0, %while3A_795 = %while3A_399#1) -> (vector<400x1xf32>, vector<400x1xi32>)  : i32 {
      %mul3A_796 = arith.constant 1024 : i32
      %mul3A_797 = arith.muli %while3A_793, %mul3A_796 : i32
      %multiple_of3A = tpu.assume_multiple %mul3A_797, 1024 : i32
      %mul3A_798 = arith.constant 1024 : i32
      %mul3A_799 = arith.muli %while3A_793, %mul3A_798 : i32
      %add3A_800 = vector.broadcast %mul3A_799 : i32 to vector<1x1024xi32>
      %add3A_801 = arith.addi %iota3A, %add3A_800 : vector<1x1024xi32>
      %get3A_802 = arith.constant 0 : index
      %get3A_803 = arith.index_cast %multiple_of3A : i32 to index
      %get3A_804 = vector.load %arg8[%get3A_802, %get3A_803] : memref<400x10240xf32, #tpu.memory_space<vmem>>, vector<400x1024xf32>
      %gt3A = vector.broadcast %while3A_377#0 : vector<400x1xf32> to vector<400x1024xf32>
      %gt3A_805 = arith.cmpf ogt, %get3A_804, %gt3A : vector<400x1024xf32>
      %broadcast_in_dim3A_806 = vector.broadcast %while3A_389 : f32 to vector<400x1024xf32>
      %select_n3A = arith.select %gt3A_805, %get3A_804, %broadcast_in_dim3A_806 : vector<400x1024xi1>, vector<400x1024xf32>
      %reduce_min3A = arith.constant dense<0x7F800000> : vector<400xf32>
      %reduce_min3A_807 = vector.multi_reduction <minimumf>, %select_n3A, %reduce_min3A [1] : vector<400x1024xf32> to vector<400xf32>
      %broadcast_in_dim3A_808 = vector.shape_cast %reduce_min3A_807 : vector<400xf32> to vector<400x1xf32>
      %eq3A = vector.broadcast %broadcast_in_dim3A_808 : vector<400x1xf32> to vector<400x1024xf32>
      %eq3A_809 = arith.cmpf oeq, %select_n3A, %eq3A : vector<400x1024xf32>
      %broadcast_in_dim3A_810 = vector.shape_cast %add3A_801 : vector<1x1024xi32> to vector<1x1024xi32>
      %broadcast_in_dim3A_811 = vector.broadcast %broadcast_in_dim3A_810 : vector<1x1024xi32> to vector<400x1024xi32>
      %broadcast_in_dim3A_812 = vector.broadcast %while3A_390 : i32 to vector<400x1024xi32>
      %select_n3A_813 = arith.select %eq3A_809, %broadcast_in_dim3A_811, %broadcast_in_dim3A_812 : vector<400x1024xi1>, vector<400x1024xi32>
      %reduce_min3A_814 = arith.constant dense<2147483647> : vector<400xi32>
      %reduce_min3A_815 = vector.multi_reduction <minsi>, %select_n3A_813, %reduce_min3A_814 [1] : vector<400x1024xi32> to vector<400xi32>
      %broadcast_in_dim3A_816 = vector.shape_cast %reduce_min3A_815 : vector<400xi32> to vector<400x1xi32>
      %lt3A = arith.cmpf olt, %broadcast_in_dim3A_808, %while3A_794 : vector<400x1xf32>
      %select_n3A_817 = arith.select %lt3A, %broadcast_in_dim3A_808, %while3A_794 : vector<400x1xi1>, vector<400x1xf32>
      %select_n3A_818 = arith.select %lt3A, %broadcast_in_dim3A_816, %while3A_795 : vector<400x1xi1>, vector<400x1xi32>
      scf.yield %select_n3A_817, %select_n3A_818 : vector<400x1xf32>, vector<400x1xi32>
    }
    %mul3A_402 = arith.constant 1024 : i32
    %mul3A_403 = arith.muli %get3A_0, %mul3A_402 : i32
    %add3A_404 = vector.broadcast %mul3A_403 : i32 to vector<400x1xi32>
    %add3A_405 = arith.addi %while3A_401#1, %add3A_404 : vector<400x1xi32>
    %swap3A_406 = arith.constant 0 : index
    %swap3A_407 = arith.constant 15 : index
    %swap3A_408 = vector.load %arg7[%swap3A_406, %swap3A_407] : memref<400x32xi32, #tpu.memory_space<vmem>>, vector<400x1xi32>
    tpu.vector_store %arg7[%swap3A_406, %swap3A_407], %add3A_405 {strides = array<i32>} : memref<400x32xi32, #tpu.memory_space<vmem>>, vector<400x1xi32>,
    %broadcast_in_dim3A_409 = arith.constant 0x7F800000 : f32
    %broadcast_in_dim3A_410 = vector.broadcast %broadcast_in_dim3A_409 : f32 to vector<400x1xf32>
    %broadcast_in_dim3A_411 = arith.constant 0 : i32
    %broadcast_in_dim3A_412 = vector.broadcast %broadcast_in_dim3A_411 : i32 to vector<400x1xi32>
    %while3A_413 = arith.constant 0x7F800000 : f32
    %while3A_414 = arith.constant 1073741824 : i32
    %while3A_415 = arith.constant 0 : i32
    %while3A_416 = arith.subi %get3A_2, %while3A_415 : i32
    %while3A_417 = arith.addi %while3A_415, %while3A_416 : i32
    %while3A_418 = arith.constant 1 : i32
    %while3A_419 = arith.divsi %while3A_416, %while3A_418 : i32
    %while3A_420 = arith.muli %while3A_419, %while3A_418 : i32
    %while3A_421 = arith.addi %while3A_415, %while3A_420 : i32
    %while3A_422 = arith.constant 1 : i32
    %while3A_423:2 = scf.for %while3A_793 = %while3A_415 to %while3A_421 step %while3A_422 iter_args(%while3A_794 = %broadcast_in_dim3A_410, %while3A_795 = %broadcast_in_dim3A_412) -> (vector<400x1xf32>, vector<400x1xi32>)  : i32 {
      %mul3A_796 = arith.constant 1024 : i32
      %mul3A_797 = arith.muli %while3A_793, %mul3A_796 : i32
      %multiple_of3A = tpu.assume_multiple %mul3A_797, 1024 : i32
      %mul3A_798 = arith.constant 1024 : i32
      %mul3A_799 = arith.muli %while3A_793, %mul3A_798 : i32
      %add3A_800 = vector.broadcast %mul3A_799 : i32 to vector<1x1024xi32>
      %add3A_801 = arith.addi %iota3A, %add3A_800 : vector<1x1024xi32>
      %get3A_802 = arith.constant 0 : index
      %get3A_803 = arith.index_cast %multiple_of3A : i32 to index
      %get3A_804 = vector.load %arg8[%get3A_802, %get3A_803] : memref<400x10240xf32, #tpu.memory_space<vmem>>, vector<400x1024xf32>
      %gt3A = vector.broadcast %while3A_401#0 : vector<400x1xf32> to vector<400x1024xf32>
      %gt3A_805 = arith.cmpf ogt, %get3A_804, %gt3A : vector<400x1024xf32>
      %broadcast_in_dim3A_806 = vector.broadcast %while3A_413 : f32 to vector<400x1024xf32>
      %select_n3A = arith.select %gt3A_805, %get3A_804, %broadcast_in_dim3A_806 : vector<400x1024xi1>, vector<400x1024xf32>
      %reduce_min3A = arith.constant dense<0x7F800000> : vector<400xf32>
      %reduce_min3A_807 = vector.multi_reduction <minimumf>, %select_n3A, %reduce_min3A [1] : vector<400x1024xf32> to vector<400xf32>
      %broadcast_in_dim3A_808 = vector.shape_cast %reduce_min3A_807 : vector<400xf32> to vector<400x1xf32>
      %eq3A = vector.broadcast %broadcast_in_dim3A_808 : vector<400x1xf32> to vector<400x1024xf32>
      %eq3A_809 = arith.cmpf oeq, %select_n3A, %eq3A : vector<400x1024xf32>
      %broadcast_in_dim3A_810 = vector.shape_cast %add3A_801 : vector<1x1024xi32> to vector<1x1024xi32>
      %broadcast_in_dim3A_811 = vector.broadcast %broadcast_in_dim3A_810 : vector<1x1024xi32> to vector<400x1024xi32>
      %broadcast_in_dim3A_812 = vector.broadcast %while3A_414 : i32 to vector<400x1024xi32>
      %select_n3A_813 = arith.select %eq3A_809, %broadcast_in_dim3A_811, %broadcast_in_dim3A_812 : vector<400x1024xi1>, vector<400x1024xi32>
      %reduce_min3A_814 = arith.constant dense<2147483647> : vector<400xi32>
      %reduce_min3A_815 = vector.multi_reduction <minsi>, %select_n3A_813, %reduce_min3A_814 [1] : vector<400x1024xi32> to vector<400xi32>
      %broadcast_in_dim3A_816 = vector.shape_cast %reduce_min3A_815 : vector<400xi32> to vector<400x1xi32>
      %lt3A = arith.cmpf olt, %broadcast_in_dim3A_808, %while3A_794 : vector<400x1xf32>
      %select_n3A_817 = arith.select %lt3A, %broadcast_in_dim3A_808, %while3A_794 : vector<400x1xi1>, vector<400x1xf32>
      %select_n3A_818 = arith.select %lt3A, %broadcast_in_dim3A_816, %while3A_795 : vector<400x1xi1>, vector<400x1xi32>
      scf.yield %select_n3A_817, %select_n3A_818 : vector<400x1xf32>, vector<400x1xi32>
    }
    %while3A_424 = arith.constant 1 : i32
    %while3A_425:2 = scf.for %while3A_793 = %while3A_421 to %while3A_417 step %while3A_424 iter_args(%while3A_794 = %while3A_423#0, %while3A_795 = %while3A_423#1) -> (vector<400x1xf32>, vector<400x1xi32>)  : i32 {
      %mul3A_796 = arith.constant 1024 : i32
      %mul3A_797 = arith.muli %while3A_793, %mul3A_796 : i32
      %multiple_of3A = tpu.assume_multiple %mul3A_797, 1024 : i32
      %mul3A_798 = arith.constant 1024 : i32
      %mul3A_799 = arith.muli %while3A_793, %mul3A_798 : i32
      %add3A_800 = vector.broadcast %mul3A_799 : i32 to vector<1x1024xi32>
      %add3A_801 = arith.addi %iota3A, %add3A_800 : vector<1x1024xi32>
      %get3A_802 = arith.constant 0 : index
      %get3A_803 = arith.index_cast %multiple_of3A : i32 to index
      %get3A_804 = vector.load %arg8[%get3A_802, %get3A_803] : memref<400x10240xf32, #tpu.memory_space<vmem>>, vector<400x1024xf32>
      %gt3A = vector.broadcast %while3A_401#0 : vector<400x1xf32> to vector<400x1024xf32>
      %gt3A_805 = arith.cmpf ogt, %get3A_804, %gt3A : vector<400x1024xf32>
      %broadcast_in_dim3A_806 = vector.broadcast %while3A_413 : f32 to vector<400x1024xf32>
      %select_n3A = arith.select %gt3A_805, %get3A_804, %broadcast_in_dim3A_806 : vector<400x1024xi1>, vector<400x1024xf32>
      %reduce_min3A = arith.constant dense<0x7F800000> : vector<400xf32>
      %reduce_min3A_807 = vector.multi_reduction <minimumf>, %select_n3A, %reduce_min3A [1] : vector<400x1024xf32> to vector<400xf32>
      %broadcast_in_dim3A_808 = vector.shape_cast %reduce_min3A_807 : vector<400xf32> to vector<400x1xf32>
      %eq3A = vector.broadcast %broadcast_in_dim3A_808 : vector<400x1xf32> to vector<400x1024xf32>
      %eq3A_809 = arith.cmpf oeq, %select_n3A, %eq3A : vector<400x1024xf32>
      %broadcast_in_dim3A_810 = vector.shape_cast %add3A_801 : vector<1x1024xi32> to vector<1x1024xi32>
      %broadcast_in_dim3A_811 = vector.broadcast %broadcast_in_dim3A_810 : vector<1x1024xi32> to vector<400x1024xi32>
      %broadcast_in_dim3A_812 = vector.broadcast %while3A_414 : i32 to vector<400x1024xi32>
      %select_n3A_813 = arith.select %eq3A_809, %broadcast_in_dim3A_811, %broadcast_in_dim3A_812 : vector<400x1024xi1>, vector<400x1024xi32>
      %reduce_min3A_814 = arith.constant dense<2147483647> : vector<400xi32>
      %reduce_min3A_815 = vector.multi_reduction <minsi>, %select_n3A_813, %reduce_min3A_814 [1] : vector<400x1024xi32> to vector<400xi32>
      %broadcast_in_dim3A_816 = vector.shape_cast %reduce_min3A_815 : vector<400xi32> to vector<400x1xi32>
      %lt3A = arith.cmpf olt, %broadcast_in_dim3A_808, %while3A_794 : vector<400x1xf32>
      %select_n3A_817 = arith.select %lt3A, %broadcast_in_dim3A_808, %while3A_794 : vector<400x1xi1>, vector<400x1xf32>
      %select_n3A_818 = arith.select %lt3A, %broadcast_in_dim3A_816, %while3A_795 : vector<400x1xi1>, vector<400x1xi32>
      scf.yield %select_n3A_817, %select_n3A_818 : vector<400x1xf32>, vector<400x1xi32>
    }
    %mul3A_426 = arith.constant 1024 : i32
    %mul3A_427 = arith.muli %get3A_0, %mul3A_426 : i32
    %add3A_428 = vector.broadcast %mul3A_427 : i32 to vector<400x1xi32>
    %add3A_429 = arith.addi %while3A_425#1, %add3A_428 : vector<400x1xi32>
    %swap3A_430 = arith.constant 0 : index
    %swap3A_431 = arith.constant 16 : index
    %swap3A_432 = vector.load %arg7[%swap3A_430, %swap3A_431] : memref<400x32xi32, #tpu.memory_space<vmem>>, vector<400x1xi32>
    tpu.vector_store %arg7[%swap3A_430, %swap3A_431], %add3A_429 {strides = array<i32>} : memref<400x32xi32, #tpu.memory_space<vmem>>, vector<400x1xi32>,
    %broadcast_in_dim3A_433 = arith.constant 0x7F800000 : f32
    %broadcast_in_dim3A_434 = vector.broadcast %broadcast_in_dim3A_433 : f32 to vector<400x1xf32>
    %broadcast_in_dim3A_435 = arith.constant 0 : i32
    %broadcast_in_dim3A_436 = vector.broadcast %broadcast_in_dim3A_435 : i32 to vector<400x1xi32>
    %while3A_437 = arith.constant 0x7F800000 : f32
    %while3A_438 = arith.constant 1073741824 : i32
    %while3A_439 = arith.constant 0 : i32
    %while3A_440 = arith.subi %get3A_2, %while3A_439 : i32
    %while3A_441 = arith.addi %while3A_439, %while3A_440 : i32
    %while3A_442 = arith.constant 1 : i32
    %while3A_443 = arith.divsi %while3A_440, %while3A_442 : i32
    %while3A_444 = arith.muli %while3A_443, %while3A_442 : i32
    %while3A_445 = arith.addi %while3A_439, %while3A_444 : i32
    %while3A_446 = arith.constant 1 : i32
    %while3A_447:2 = scf.for %while3A_793 = %while3A_439 to %while3A_445 step %while3A_446 iter_args(%while3A_794 = %broadcast_in_dim3A_434, %while3A_795 = %broadcast_in_dim3A_436) -> (vector<400x1xf32>, vector<400x1xi32>)  : i32 {
      %mul3A_796 = arith.constant 1024 : i32
      %mul3A_797 = arith.muli %while3A_793, %mul3A_796 : i32
      %multiple_of3A = tpu.assume_multiple %mul3A_797, 1024 : i32
      %mul3A_798 = arith.constant 1024 : i32
      %mul3A_799 = arith.muli %while3A_793, %mul3A_798 : i32
      %add3A_800 = vector.broadcast %mul3A_799 : i32 to vector<1x1024xi32>
      %add3A_801 = arith.addi %iota3A, %add3A_800 : vector<1x1024xi32>
      %get3A_802 = arith.constant 0 : index
      %get3A_803 = arith.index_cast %multiple_of3A : i32 to index
      %get3A_804 = vector.load %arg8[%get3A_802, %get3A_803] : memref<400x10240xf32, #tpu.memory_space<vmem>>, vector<400x1024xf32>
      %gt3A = vector.broadcast %while3A_425#0 : vector<400x1xf32> to vector<400x1024xf32>
      %gt3A_805 = arith.cmpf ogt, %get3A_804, %gt3A : vector<400x1024xf32>
      %broadcast_in_dim3A_806 = vector.broadcast %while3A_437 : f32 to vector<400x1024xf32>
      %select_n3A = arith.select %gt3A_805, %get3A_804, %broadcast_in_dim3A_806 : vector<400x1024xi1>, vector<400x1024xf32>
      %reduce_min3A = arith.constant dense<0x7F800000> : vector<400xf32>
      %reduce_min3A_807 = vector.multi_reduction <minimumf>, %select_n3A, %reduce_min3A [1] : vector<400x1024xf32> to vector<400xf32>
      %broadcast_in_dim3A_808 = vector.shape_cast %reduce_min3A_807 : vector<400xf32> to vector<400x1xf32>
      %eq3A = vector.broadcast %broadcast_in_dim3A_808 : vector<400x1xf32> to vector<400x1024xf32>
      %eq3A_809 = arith.cmpf oeq, %select_n3A, %eq3A : vector<400x1024xf32>
      %broadcast_in_dim3A_810 = vector.shape_cast %add3A_801 : vector<1x1024xi32> to vector<1x1024xi32>
      %broadcast_in_dim3A_811 = vector.broadcast %broadcast_in_dim3A_810 : vector<1x1024xi32> to vector<400x1024xi32>
      %broadcast_in_dim3A_812 = vector.broadcast %while3A_438 : i32 to vector<400x1024xi32>
      %select_n3A_813 = arith.select %eq3A_809, %broadcast_in_dim3A_811, %broadcast_in_dim3A_812 : vector<400x1024xi1>, vector<400x1024xi32>
      %reduce_min3A_814 = arith.constant dense<2147483647> : vector<400xi32>
      %reduce_min3A_815 = vector.multi_reduction <minsi>, %select_n3A_813, %reduce_min3A_814 [1] : vector<400x1024xi32> to vector<400xi32>
      %broadcast_in_dim3A_816 = vector.shape_cast %reduce_min3A_815 : vector<400xi32> to vector<400x1xi32>
      %lt3A = arith.cmpf olt, %broadcast_in_dim3A_808, %while3A_794 : vector<400x1xf32>
      %select_n3A_817 = arith.select %lt3A, %broadcast_in_dim3A_808, %while3A_794 : vector<400x1xi1>, vector<400x1xf32>
      %select_n3A_818 = arith.select %lt3A, %broadcast_in_dim3A_816, %while3A_795 : vector<400x1xi1>, vector<400x1xi32>
      scf.yield %select_n3A_817, %select_n3A_818 : vector<400x1xf32>, vector<400x1xi32>
    }
    %while3A_448 = arith.constant 1 : i32
    %while3A_449:2 = scf.for %while3A_793 = %while3A_445 to %while3A_441 step %while3A_448 iter_args(%while3A_794 = %while3A_447#0, %while3A_795 = %while3A_447#1) -> (vector<400x1xf32>, vector<400x1xi32>)  : i32 {
      %mul3A_796 = arith.constant 1024 : i32
      %mul3A_797 = arith.muli %while3A_793, %mul3A_796 : i32
      %multiple_of3A = tpu.assume_multiple %mul3A_797, 1024 : i32
      %mul3A_798 = arith.constant 1024 : i32
      %mul3A_799 = arith.muli %while3A_793, %mul3A_798 : i32
      %add3A_800 = vector.broadcast %mul3A_799 : i32 to vector<1x1024xi32>
      %add3A_801 = arith.addi %iota3A, %add3A_800 : vector<1x1024xi32>
      %get3A_802 = arith.constant 0 : index
      %get3A_803 = arith.index_cast %multiple_of3A : i32 to index
      %get3A_804 = vector.load %arg8[%get3A_802, %get3A_803] : memref<400x10240xf32, #tpu.memory_space<vmem>>, vector<400x1024xf32>
      %gt3A = vector.broadcast %while3A_425#0 : vector<400x1xf32> to vector<400x1024xf32>
      %gt3A_805 = arith.cmpf ogt, %get3A_804, %gt3A : vector<400x1024xf32>
      %broadcast_in_dim3A_806 = vector.broadcast %while3A_437 : f32 to vector<400x1024xf32>
      %select_n3A = arith.select %gt3A_805, %get3A_804, %broadcast_in_dim3A_806 : vector<400x1024xi1>, vector<400x1024xf32>
      %reduce_min3A = arith.constant dense<0x7F800000> : vector<400xf32>
      %reduce_min3A_807 = vector.multi_reduction <minimumf>, %select_n3A, %reduce_min3A [1] : vector<400x1024xf32> to vector<400xf32>
      %broadcast_in_dim3A_808 = vector.shape_cast %reduce_min3A_807 : vector<400xf32> to vector<400x1xf32>
      %eq3A = vector.broadcast %broadcast_in_dim3A_808 : vector<400x1xf32> to vector<400x1024xf32>
      %eq3A_809 = arith.cmpf oeq, %select_n3A, %eq3A : vector<400x1024xf32>
      %broadcast_in_dim3A_810 = vector.shape_cast %add3A_801 : vector<1x1024xi32> to vector<1x1024xi32>
      %broadcast_in_dim3A_811 = vector.broadcast %broadcast_in_dim3A_810 : vector<1x1024xi32> to vector<400x1024xi32>
      %broadcast_in_dim3A_812 = vector.broadcast %while3A_438 : i32 to vector<400x1024xi32>
      %select_n3A_813 = arith.select %eq3A_809, %broadcast_in_dim3A_811, %broadcast_in_dim3A_812 : vector<400x1024xi1>, vector<400x1024xi32>
      %reduce_min3A_814 = arith.constant dense<2147483647> : vector<400xi32>
      %reduce_min3A_815 = vector.multi_reduction <minsi>, %select_n3A_813, %reduce_min3A_814 [1] : vector<400x1024xi32> to vector<400xi32>
      %broadcast_in_dim3A_816 = vector.shape_cast %reduce_min3A_815 : vector<400xi32> to vector<400x1xi32>
      %lt3A = arith.cmpf olt, %broadcast_in_dim3A_808, %while3A_794 : vector<400x1xf32>
      %select_n3A_817 = arith.select %lt3A, %broadcast_in_dim3A_808, %while3A_794 : vector<400x1xi1>, vector<400x1xf32>
      %select_n3A_818 = arith.select %lt3A, %broadcast_in_dim3A_816, %while3A_795 : vector<400x1xi1>, vector<400x1xi32>
      scf.yield %select_n3A_817, %select_n3A_818 : vector<400x1xf32>, vector<400x1xi32>
    }
    %mul3A_450 = arith.constant 1024 : i32
    %mul3A_451 = arith.muli %get3A_0, %mul3A_450 : i32
    %add3A_452 = vector.broadcast %mul3A_451 : i32 to vector<400x1xi32>
    %add3A_453 = arith.addi %while3A_449#1, %add3A_452 : vector<400x1xi32>
    %swap3A_454 = arith.constant 0 : index
    %swap3A_455 = arith.constant 17 : index
    %swap3A_456 = vector.load %arg7[%swap3A_454, %swap3A_455] : memref<400x32xi32, #tpu.memory_space<vmem>>, vector<400x1xi32>
    tpu.vector_store %arg7[%swap3A_454, %swap3A_455], %add3A_453 {strides = array<i32>} : memref<400x32xi32, #tpu.memory_space<vmem>>, vector<400x1xi32>,
    %broadcast_in_dim3A_457 = arith.constant 0x7F800000 : f32
    %broadcast_in_dim3A_458 = vector.broadcast %broadcast_in_dim3A_457 : f32 to vector<400x1xf32>
    %broadcast_in_dim3A_459 = arith.constant 0 : i32
    %broadcast_in_dim3A_460 = vector.broadcast %broadcast_in_dim3A_459 : i32 to vector<400x1xi32>
    %while3A_461 = arith.constant 0x7F800000 : f32
    %while3A_462 = arith.constant 1073741824 : i32
    %while3A_463 = arith.constant 0 : i32
    %while3A_464 = arith.subi %get3A_2, %while3A_463 : i32
    %while3A_465 = arith.addi %while3A_463, %while3A_464 : i32
    %while3A_466 = arith.constant 1 : i32
    %while3A_467 = arith.divsi %while3A_464, %while3A_466 : i32
    %while3A_468 = arith.muli %while3A_467, %while3A_466 : i32
    %while3A_469 = arith.addi %while3A_463, %while3A_468 : i32
    %while3A_470 = arith.constant 1 : i32
    %while3A_471:2 = scf.for %while3A_793 = %while3A_463 to %while3A_469 step %while3A_470 iter_args(%while3A_794 = %broadcast_in_dim3A_458, %while3A_795 = %broadcast_in_dim3A_460) -> (vector<400x1xf32>, vector<400x1xi32>)  : i32 {
      %mul3A_796 = arith.constant 1024 : i32
      %mul3A_797 = arith.muli %while3A_793, %mul3A_796 : i32
      %multiple_of3A = tpu.assume_multiple %mul3A_797, 1024 : i32
      %mul3A_798 = arith.constant 1024 : i32
      %mul3A_799 = arith.muli %while3A_793, %mul3A_798 : i32
      %add3A_800 = vector.broadcast %mul3A_799 : i32 to vector<1x1024xi32>
      %add3A_801 = arith.addi %iota3A, %add3A_800 : vector<1x1024xi32>
      %get3A_802 = arith.constant 0 : index
      %get3A_803 = arith.index_cast %multiple_of3A : i32 to index
      %get3A_804 = vector.load %arg8[%get3A_802, %get3A_803] : memref<400x10240xf32, #tpu.memory_space<vmem>>, vector<400x1024xf32>
      %gt3A = vector.broadcast %while3A_449#0 : vector<400x1xf32> to vector<400x1024xf32>
      %gt3A_805 = arith.cmpf ogt, %get3A_804, %gt3A : vector<400x1024xf32>
      %broadcast_in_dim3A_806 = vector.broadcast %while3A_461 : f32 to vector<400x1024xf32>
      %select_n3A = arith.select %gt3A_805, %get3A_804, %broadcast_in_dim3A_806 : vector<400x1024xi1>, vector<400x1024xf32>
      %reduce_min3A = arith.constant dense<0x7F800000> : vector<400xf32>
      %reduce_min3A_807 = vector.multi_reduction <minimumf>, %select_n3A, %reduce_min3A [1] : vector<400x1024xf32> to vector<400xf32>
      %broadcast_in_dim3A_808 = vector.shape_cast %reduce_min3A_807 : vector<400xf32> to vector<400x1xf32>
      %eq3A = vector.broadcast %broadcast_in_dim3A_808 : vector<400x1xf32> to vector<400x1024xf32>
      %eq3A_809 = arith.cmpf oeq, %select_n3A, %eq3A : vector<400x1024xf32>
      %broadcast_in_dim3A_810 = vector.shape_cast %add3A_801 : vector<1x1024xi32> to vector<1x1024xi32>
      %broadcast_in_dim3A_811 = vector.broadcast %broadcast_in_dim3A_810 : vector<1x1024xi32> to vector<400x1024xi32>
      %broadcast_in_dim3A_812 = vector.broadcast %while3A_462 : i32 to vector<400x1024xi32>
      %select_n3A_813 = arith.select %eq3A_809, %broadcast_in_dim3A_811, %broadcast_in_dim3A_812 : vector<400x1024xi1>, vector<400x1024xi32>
      %reduce_min3A_814 = arith.constant dense<2147483647> : vector<400xi32>
      %reduce_min3A_815 = vector.multi_reduction <minsi>, %select_n3A_813, %reduce_min3A_814 [1] : vector<400x1024xi32> to vector<400xi32>
      %broadcast_in_dim3A_816 = vector.shape_cast %reduce_min3A_815 : vector<400xi32> to vector<400x1xi32>
      %lt3A = arith.cmpf olt, %broadcast_in_dim3A_808, %while3A_794 : vector<400x1xf32>
      %select_n3A_817 = arith.select %lt3A, %broadcast_in_dim3A_808, %while3A_794 : vector<400x1xi1>, vector<400x1xf32>
      %select_n3A_818 = arith.select %lt3A, %broadcast_in_dim3A_816, %while3A_795 : vector<400x1xi1>, vector<400x1xi32>
      scf.yield %select_n3A_817, %select_n3A_818 : vector<400x1xf32>, vector<400x1xi32>
    }
    %while3A_472 = arith.constant 1 : i32
    %while3A_473:2 = scf.for %while3A_793 = %while3A_469 to %while3A_465 step %while3A_472 iter_args(%while3A_794 = %while3A_471#0, %while3A_795 = %while3A_471#1) -> (vector<400x1xf32>, vector<400x1xi32>)  : i32 {
      %mul3A_796 = arith.constant 1024 : i32
      %mul3A_797 = arith.muli %while3A_793, %mul3A_796 : i32
      %multiple_of3A = tpu.assume_multiple %mul3A_797, 1024 : i32
      %mul3A_798 = arith.constant 1024 : i32
      %mul3A_799 = arith.muli %while3A_793, %mul3A_798 : i32
      %add3A_800 = vector.broadcast %mul3A_799 : i32 to vector<1x1024xi32>
      %add3A_801 = arith.addi %iota3A, %add3A_800 : vector<1x1024xi32>
      %get3A_802 = arith.constant 0 : index
      %get3A_803 = arith.index_cast %multiple_of3A : i32 to index
      %get3A_804 = vector.load %arg8[%get3A_802, %get3A_803] : memref<400x10240xf32, #tpu.memory_space<vmem>>, vector<400x1024xf32>
      %gt3A = vector.broadcast %while3A_449#0 : vector<400x1xf32> to vector<400x1024xf32>
      %gt3A_805 = arith.cmpf ogt, %get3A_804, %gt3A : vector<400x1024xf32>
      %broadcast_in_dim3A_806 = vector.broadcast %while3A_461 : f32 to vector<400x1024xf32>
      %select_n3A = arith.select %gt3A_805, %get3A_804, %broadcast_in_dim3A_806 : vector<400x1024xi1>, vector<400x1024xf32>
      %reduce_min3A = arith.constant dense<0x7F800000> : vector<400xf32>
      %reduce_min3A_807 = vector.multi_reduction <minimumf>, %select_n3A, %reduce_min3A [1] : vector<400x1024xf32> to vector<400xf32>
      %broadcast_in_dim3A_808 = vector.shape_cast %reduce_min3A_807 : vector<400xf32> to vector<400x1xf32>
      %eq3A = vector.broadcast %broadcast_in_dim3A_808 : vector<400x1xf32> to vector<400x1024xf32>
      %eq3A_809 = arith.cmpf oeq, %select_n3A, %eq3A : vector<400x1024xf32>
      %broadcast_in_dim3A_810 = vector.shape_cast %add3A_801 : vector<1x1024xi32> to vector<1x1024xi32>
      %broadcast_in_dim3A_811 = vector.broadcast %broadcast_in_dim3A_810 : vector<1x1024xi32> to vector<400x1024xi32>
      %broadcast_in_dim3A_812 = vector.broadcast %while3A_462 : i32 to vector<400x1024xi32>
      %select_n3A_813 = arith.select %eq3A_809, %broadcast_in_dim3A_811, %broadcast_in_dim3A_812 : vector<400x1024xi1>, vector<400x1024xi32>
      %reduce_min3A_814 = arith.constant dense<2147483647> : vector<400xi32>
      %reduce_min3A_815 = vector.multi_reduction <minsi>, %select_n3A_813, %reduce_min3A_814 [1] : vector<400x1024xi32> to vector<400xi32>
      %broadcast_in_dim3A_816 = vector.shape_cast %reduce_min3A_815 : vector<400xi32> to vector<400x1xi32>
      %lt3A = arith.cmpf olt, %broadcast_in_dim3A_808, %while3A_794 : vector<400x1xf32>
      %select_n3A_817 = arith.select %lt3A, %broadcast_in_dim3A_808, %while3A_794 : vector<400x1xi1>, vector<400x1xf32>
      %select_n3A_818 = arith.select %lt3A, %broadcast_in_dim3A_816, %while3A_795 : vector<400x1xi1>, vector<400x1xi32>
      scf.yield %select_n3A_817, %select_n3A_818 : vector<400x1xf32>, vector<400x1xi32>
    }
    %mul3A_474 = arith.constant 1024 : i32
    %mul3A_475 = arith.muli %get3A_0, %mul3A_474 : i32
    %add3A_476 = vector.broadcast %mul3A_475 : i32 to vector<400x1xi32>
    %add3A_477 = arith.addi %while3A_473#1, %add3A_476 : vector<400x1xi32>
    %swap3A_478 = arith.constant 0 : index
    %swap3A_479 = arith.constant 18 : index
    %swap3A_480 = vector.load %arg7[%swap3A_478, %swap3A_479] : memref<400x32xi32, #tpu.memory_space<vmem>>, vector<400x1xi32>
    tpu.vector_store %arg7[%swap3A_478, %swap3A_479], %add3A_477 {strides = array<i32>} : memref<400x32xi32, #tpu.memory_space<vmem>>, vector<400x1xi32>,
    %broadcast_in_dim3A_481 = arith.constant 0x7F800000 : f32
    %broadcast_in_dim3A_482 = vector.broadcast %broadcast_in_dim3A_481 : f32 to vector<400x1xf32>
    %broadcast_in_dim3A_483 = arith.constant 0 : i32
    %broadcast_in_dim3A_484 = vector.broadcast %broadcast_in_dim3A_483 : i32 to vector<400x1xi32>
    %while3A_485 = arith.constant 0x7F800000 : f32
    %while3A_486 = arith.constant 1073741824 : i32
    %while3A_487 = arith.constant 0 : i32
    %while3A_488 = arith.subi %get3A_2, %while3A_487 : i32
    %while3A_489 = arith.addi %while3A_487, %while3A_488 : i32
    %while3A_490 = arith.constant 1 : i32
    %while3A_491 = arith.divsi %while3A_488, %while3A_490 : i32
    %while3A_492 = arith.muli %while3A_491, %while3A_490 : i32
    %while3A_493 = arith.addi %while3A_487, %while3A_492 : i32
    %while3A_494 = arith.constant 1 : i32
    %while3A_495:2 = scf.for %while3A_793 = %while3A_487 to %while3A_493 step %while3A_494 iter_args(%while3A_794 = %broadcast_in_dim3A_482, %while3A_795 = %broadcast_in_dim3A_484) -> (vector<400x1xf32>, vector<400x1xi32>)  : i32 {
      %mul3A_796 = arith.constant 1024 : i32
      %mul3A_797 = arith.muli %while3A_793, %mul3A_796 : i32
      %multiple_of3A = tpu.assume_multiple %mul3A_797, 1024 : i32
      %mul3A_798 = arith.constant 1024 : i32
      %mul3A_799 = arith.muli %while3A_793, %mul3A_798 : i32
      %add3A_800 = vector.broadcast %mul3A_799 : i32 to vector<1x1024xi32>
      %add3A_801 = arith.addi %iota3A, %add3A_800 : vector<1x1024xi32>
      %get3A_802 = arith.constant 0 : index
      %get3A_803 = arith.index_cast %multiple_of3A : i32 to index
      %get3A_804 = vector.load %arg8[%get3A_802, %get3A_803] : memref<400x10240xf32, #tpu.memory_space<vmem>>, vector<400x1024xf32>
      %gt3A = vector.broadcast %while3A_473#0 : vector<400x1xf32> to vector<400x1024xf32>
      %gt3A_805 = arith.cmpf ogt, %get3A_804, %gt3A : vector<400x1024xf32>
      %broadcast_in_dim3A_806 = vector.broadcast %while3A_485 : f32 to vector<400x1024xf32>
      %select_n3A = arith.select %gt3A_805, %get3A_804, %broadcast_in_dim3A_806 : vector<400x1024xi1>, vector<400x1024xf32>
      %reduce_min3A = arith.constant dense<0x7F800000> : vector<400xf32>
      %reduce_min3A_807 = vector.multi_reduction <minimumf>, %select_n3A, %reduce_min3A [1] : vector<400x1024xf32> to vector<400xf32>
      %broadcast_in_dim3A_808 = vector.shape_cast %reduce_min3A_807 : vector<400xf32> to vector<400x1xf32>
      %eq3A = vector.broadcast %broadcast_in_dim3A_808 : vector<400x1xf32> to vector<400x1024xf32>
      %eq3A_809 = arith.cmpf oeq, %select_n3A, %eq3A : vector<400x1024xf32>
      %broadcast_in_dim3A_810 = vector.shape_cast %add3A_801 : vector<1x1024xi32> to vector<1x1024xi32>
      %broadcast_in_dim3A_811 = vector.broadcast %broadcast_in_dim3A_810 : vector<1x1024xi32> to vector<400x1024xi32>
      %broadcast_in_dim3A_812 = vector.broadcast %while3A_486 : i32 to vector<400x1024xi32>
      %select_n3A_813 = arith.select %eq3A_809, %broadcast_in_dim3A_811, %broadcast_in_dim3A_812 : vector<400x1024xi1>, vector<400x1024xi32>
      %reduce_min3A_814 = arith.constant dense<2147483647> : vector<400xi32>
      %reduce_min3A_815 = vector.multi_reduction <minsi>, %select_n3A_813, %reduce_min3A_814 [1] : vector<400x1024xi32> to vector<400xi32>
      %broadcast_in_dim3A_816 = vector.shape_cast %reduce_min3A_815 : vector<400xi32> to vector<400x1xi32>
      %lt3A = arith.cmpf olt, %broadcast_in_dim3A_808, %while3A_794 : vector<400x1xf32>
      %select_n3A_817 = arith.select %lt3A, %broadcast_in_dim3A_808, %while3A_794 : vector<400x1xi1>, vector<400x1xf32>
      %select_n3A_818 = arith.select %lt3A, %broadcast_in_dim3A_816, %while3A_795 : vector<400x1xi1>, vector<400x1xi32>
      scf.yield %select_n3A_817, %select_n3A_818 : vector<400x1xf32>, vector<400x1xi32>
    }
    %while3A_496 = arith.constant 1 : i32
    %while3A_497:2 = scf.for %while3A_793 = %while3A_493 to %while3A_489 step %while3A_496 iter_args(%while3A_794 = %while3A_495#0, %while3A_795 = %while3A_495#1) -> (vector<400x1xf32>, vector<400x1xi32>)  : i32 {
      %mul3A_796 = arith.constant 1024 : i32
      %mul3A_797 = arith.muli %while3A_793, %mul3A_796 : i32
      %multiple_of3A = tpu.assume_multiple %mul3A_797, 1024 : i32
      %mul3A_798 = arith.constant 1024 : i32
      %mul3A_799 = arith.muli %while3A_793, %mul3A_798 : i32
      %add3A_800 = vector.broadcast %mul3A_799 : i32 to vector<1x1024xi32>
      %add3A_801 = arith.addi %iota3A, %add3A_800 : vector<1x1024xi32>
      %get3A_802 = arith.constant 0 : index
      %get3A_803 = arith.index_cast %multiple_of3A : i32 to index
      %get3A_804 = vector.load %arg8[%get3A_802, %get3A_803] : memref<400x10240xf32, #tpu.memory_space<vmem>>, vector<400x1024xf32>
      %gt3A = vector.broadcast %while3A_473#0 : vector<400x1xf32> to vector<400x1024xf32>
      %gt3A_805 = arith.cmpf ogt, %get3A_804, %gt3A : vector<400x1024xf32>
      %broadcast_in_dim3A_806 = vector.broadcast %while3A_485 : f32 to vector<400x1024xf32>
      %select_n3A = arith.select %gt3A_805, %get3A_804, %broadcast_in_dim3A_806 : vector<400x1024xi1>, vector<400x1024xf32>
      %reduce_min3A = arith.constant dense<0x7F800000> : vector<400xf32>
      %reduce_min3A_807 = vector.multi_reduction <minimumf>, %select_n3A, %reduce_min3A [1] : vector<400x1024xf32> to vector<400xf32>
      %broadcast_in_dim3A_808 = vector.shape_cast %reduce_min3A_807 : vector<400xf32> to vector<400x1xf32>
      %eq3A = vector.broadcast %broadcast_in_dim3A_808 : vector<400x1xf32> to vector<400x1024xf32>
      %eq3A_809 = arith.cmpf oeq, %select_n3A, %eq3A : vector<400x1024xf32>
      %broadcast_in_dim3A_810 = vector.shape_cast %add3A_801 : vector<1x1024xi32> to vector<1x1024xi32>
      %broadcast_in_dim3A_811 = vector.broadcast %broadcast_in_dim3A_810 : vector<1x1024xi32> to vector<400x1024xi32>
      %broadcast_in_dim3A_812 = vector.broadcast %while3A_486 : i32 to vector<400x1024xi32>
      %select_n3A_813 = arith.select %eq3A_809, %broadcast_in_dim3A_811, %broadcast_in_dim3A_812 : vector<400x1024xi1>, vector<400x1024xi32>
      %reduce_min3A_814 = arith.constant dense<2147483647> : vector<400xi32>
      %reduce_min3A_815 = vector.multi_reduction <minsi>, %select_n3A_813, %reduce_min3A_814 [1] : vector<400x1024xi32> to vector<400xi32>
      %broadcast_in_dim3A_816 = vector.shape_cast %reduce_min3A_815 : vector<400xi32> to vector<400x1xi32>
      %lt3A = arith.cmpf olt, %broadcast_in_dim3A_808, %while3A_794 : vector<400x1xf32>
      %select_n3A_817 = arith.select %lt3A, %broadcast_in_dim3A_808, %while3A_794 : vector<400x1xi1>, vector<400x1xf32>
      %select_n3A_818 = arith.select %lt3A, %broadcast_in_dim3A_816, %while3A_795 : vector<400x1xi1>, vector<400x1xi32>
      scf.yield %select_n3A_817, %select_n3A_818 : vector<400x1xf32>, vector<400x1xi32>
    }
    %mul3A_498 = arith.constant 1024 : i32
    %mul3A_499 = arith.muli %get3A_0, %mul3A_498 : i32
    %add3A_500 = vector.broadcast %mul3A_499 : i32 to vector<400x1xi32>
    %add3A_501 = arith.addi %while3A_497#1, %add3A_500 : vector<400x1xi32>
    %swap3A_502 = arith.constant 0 : index
    %swap3A_503 = arith.constant 19 : index
    %swap3A_504 = vector.load %arg7[%swap3A_502, %swap3A_503] : memref<400x32xi32, #tpu.memory_space<vmem>>, vector<400x1xi32>
    tpu.vector_store %arg7[%swap3A_502, %swap3A_503], %add3A_501 {strides = array<i32>} : memref<400x32xi32, #tpu.memory_space<vmem>>, vector<400x1xi32>,
    %broadcast_in_dim3A_505 = arith.constant 0x7F800000 : f32
    %broadcast_in_dim3A_506 = vector.broadcast %broadcast_in_dim3A_505 : f32 to vector<400x1xf32>
    %broadcast_in_dim3A_507 = arith.constant 0 : i32
    %broadcast_in_dim3A_508 = vector.broadcast %broadcast_in_dim3A_507 : i32 to vector<400x1xi32>
    %while3A_509 = arith.constant 0x7F800000 : f32
    %while3A_510 = arith.constant 1073741824 : i32
    %while3A_511 = arith.constant 0 : i32
    %while3A_512 = arith.subi %get3A_2, %while3A_511 : i32
    %while3A_513 = arith.addi %while3A_511, %while3A_512 : i32
    %while3A_514 = arith.constant 1 : i32
    %while3A_515 = arith.divsi %while3A_512, %while3A_514 : i32
    %while3A_516 = arith.muli %while3A_515, %while3A_514 : i32
    %while3A_517 = arith.addi %while3A_511, %while3A_516 : i32
    %while3A_518 = arith.constant 1 : i32
    %while3A_519:2 = scf.for %while3A_793 = %while3A_511 to %while3A_517 step %while3A_518 iter_args(%while3A_794 = %broadcast_in_dim3A_506, %while3A_795 = %broadcast_in_dim3A_508) -> (vector<400x1xf32>, vector<400x1xi32>)  : i32 {
      %mul3A_796 = arith.constant 1024 : i32
      %mul3A_797 = arith.muli %while3A_793, %mul3A_796 : i32
      %multiple_of3A = tpu.assume_multiple %mul3A_797, 1024 : i32
      %mul3A_798 = arith.constant 1024 : i32
      %mul3A_799 = arith.muli %while3A_793, %mul3A_798 : i32
      %add3A_800 = vector.broadcast %mul3A_799 : i32 to vector<1x1024xi32>
      %add3A_801 = arith.addi %iota3A, %add3A_800 : vector<1x1024xi32>
      %get3A_802 = arith.constant 0 : index
      %get3A_803 = arith.index_cast %multiple_of3A : i32 to index
      %get3A_804 = vector.load %arg8[%get3A_802, %get3A_803] : memref<400x10240xf32, #tpu.memory_space<vmem>>, vector<400x1024xf32>
      %gt3A = vector.broadcast %while3A_497#0 : vector<400x1xf32> to vector<400x1024xf32>
      %gt3A_805 = arith.cmpf ogt, %get3A_804, %gt3A : vector<400x1024xf32>
      %broadcast_in_dim3A_806 = vector.broadcast %while3A_509 : f32 to vector<400x1024xf32>
      %select_n3A = arith.select %gt3A_805, %get3A_804, %broadcast_in_dim3A_806 : vector<400x1024xi1>, vector<400x1024xf32>
      %reduce_min3A = arith.constant dense<0x7F800000> : vector<400xf32>
      %reduce_min3A_807 = vector.multi_reduction <minimumf>, %select_n3A, %reduce_min3A [1] : vector<400x1024xf32> to vector<400xf32>
      %broadcast_in_dim3A_808 = vector.shape_cast %reduce_min3A_807 : vector<400xf32> to vector<400x1xf32>
      %eq3A = vector.broadcast %broadcast_in_dim3A_808 : vector<400x1xf32> to vector<400x1024xf32>
      %eq3A_809 = arith.cmpf oeq, %select_n3A, %eq3A : vector<400x1024xf32>
      %broadcast_in_dim3A_810 = vector.shape_cast %add3A_801 : vector<1x1024xi32> to vector<1x1024xi32>
      %broadcast_in_dim3A_811 = vector.broadcast %broadcast_in_dim3A_810 : vector<1x1024xi32> to vector<400x1024xi32>
      %broadcast_in_dim3A_812 = vector.broadcast %while3A_510 : i32 to vector<400x1024xi32>
      %select_n3A_813 = arith.select %eq3A_809, %broadcast_in_dim3A_811, %broadcast_in_dim3A_812 : vector<400x1024xi1>, vector<400x1024xi32>
      %reduce_min3A_814 = arith.constant dense<2147483647> : vector<400xi32>
      %reduce_min3A_815 = vector.multi_reduction <minsi>, %select_n3A_813, %reduce_min3A_814 [1] : vector<400x1024xi32> to vector<400xi32>
      %broadcast_in_dim3A_816 = vector.shape_cast %reduce_min3A_815 : vector<400xi32> to vector<400x1xi32>
      %lt3A = arith.cmpf olt, %broadcast_in_dim3A_808, %while3A_794 : vector<400x1xf32>
      %select_n3A_817 = arith.select %lt3A, %broadcast_in_dim3A_808, %while3A_794 : vector<400x1xi1>, vector<400x1xf32>
      %select_n3A_818 = arith.select %lt3A, %broadcast_in_dim3A_816, %while3A_795 : vector<400x1xi1>, vector<400x1xi32>
      scf.yield %select_n3A_817, %select_n3A_818 : vector<400x1xf32>, vector<400x1xi32>
    }
    %while3A_520 = arith.constant 1 : i32
    %while3A_521:2 = scf.for %while3A_793 = %while3A_517 to %while3A_513 step %while3A_520 iter_args(%while3A_794 = %while3A_519#0, %while3A_795 = %while3A_519#1) -> (vector<400x1xf32>, vector<400x1xi32>)  : i32 {
      %mul3A_796 = arith.constant 1024 : i32
      %mul3A_797 = arith.muli %while3A_793, %mul3A_796 : i32
      %multiple_of3A = tpu.assume_multiple %mul3A_797, 1024 : i32
      %mul3A_798 = arith.constant 1024 : i32
      %mul3A_799 = arith.muli %while3A_793, %mul3A_798 : i32
      %add3A_800 = vector.broadcast %mul3A_799 : i32 to vector<1x1024xi32>
      %add3A_801 = arith.addi %iota3A, %add3A_800 : vector<1x1024xi32>
      %get3A_802 = arith.constant 0 : index
      %get3A_803 = arith.index_cast %multiple_of3A : i32 to index
      %get3A_804 = vector.load %arg8[%get3A_802, %get3A_803] : memref<400x10240xf32, #tpu.memory_space<vmem>>, vector<400x1024xf32>
      %gt3A = vector.broadcast %while3A_497#0 : vector<400x1xf32> to vector<400x1024xf32>
      %gt3A_805 = arith.cmpf ogt, %get3A_804, %gt3A : vector<400x1024xf32>
      %broadcast_in_dim3A_806 = vector.broadcast %while3A_509 : f32 to vector<400x1024xf32>
      %select_n3A = arith.select %gt3A_805, %get3A_804, %broadcast_in_dim3A_806 : vector<400x1024xi1>, vector<400x1024xf32>
      %reduce_min3A = arith.constant dense<0x7F800000> : vector<400xf32>
      %reduce_min3A_807 = vector.multi_reduction <minimumf>, %select_n3A, %reduce_min3A [1] : vector<400x1024xf32> to vector<400xf32>
      %broadcast_in_dim3A_808 = vector.shape_cast %reduce_min3A_807 : vector<400xf32> to vector<400x1xf32>
      %eq3A = vector.broadcast %broadcast_in_dim3A_808 : vector<400x1xf32> to vector<400x1024xf32>
      %eq3A_809 = arith.cmpf oeq, %select_n3A, %eq3A : vector<400x1024xf32>
      %broadcast_in_dim3A_810 = vector.shape_cast %add3A_801 : vector<1x1024xi32> to vector<1x1024xi32>
      %broadcast_in_dim3A_811 = vector.broadcast %broadcast_in_dim3A_810 : vector<1x1024xi32> to vector<400x1024xi32>
      %broadcast_in_dim3A_812 = vector.broadcast %while3A_510 : i32 to vector<400x1024xi32>
      %select_n3A_813 = arith.select %eq3A_809, %broadcast_in_dim3A_811, %broadcast_in_dim3A_812 : vector<400x1024xi1>, vector<400x1024xi32>
      %reduce_min3A_814 = arith.constant dense<2147483647> : vector<400xi32>
      %reduce_min3A_815 = vector.multi_reduction <minsi>, %select_n3A_813, %reduce_min3A_814 [1] : vector<400x1024xi32> to vector<400xi32>
      %broadcast_in_dim3A_816 = vector.shape_cast %reduce_min3A_815 : vector<400xi32> to vector<400x1xi32>
      %lt3A = arith.cmpf olt, %broadcast_in_dim3A_808, %while3A_794 : vector<400x1xf32>
      %select_n3A_817 = arith.select %lt3A, %broadcast_in_dim3A_808, %while3A_794 : vector<400x1xi1>, vector<400x1xf32>
      %select_n3A_818 = arith.select %lt3A, %broadcast_in_dim3A_816, %while3A_795 : vector<400x1xi1>, vector<400x1xi32>
      scf.yield %select_n3A_817, %select_n3A_818 : vector<400x1xf32>, vector<400x1xi32>
    }
    %mul3A_522 = arith.constant 1024 : i32
    %mul3A_523 = arith.muli %get3A_0, %mul3A_522 : i32
    %add3A_524 = vector.broadcast %mul3A_523 : i32 to vector<400x1xi32>
    %add3A_525 = arith.addi %while3A_521#1, %add3A_524 : vector<400x1xi32>
    %swap3A_526 = arith.constant 0 : index
    %swap3A_527 = arith.constant 20 : index
    %swap3A_528 = vector.load %arg7[%swap3A_526, %swap3A_527] : memref<400x32xi32, #tpu.memory_space<vmem>>, vector<400x1xi32>
    tpu.vector_store %arg7[%swap3A_526, %swap3A_527], %add3A_525 {strides = array<i32>} : memref<400x32xi32, #tpu.memory_space<vmem>>, vector<400x1xi32>,
    %broadcast_in_dim3A_529 = arith.constant 0x7F800000 : f32
    %broadcast_in_dim3A_530 = vector.broadcast %broadcast_in_dim3A_529 : f32 to vector<400x1xf32>
    %broadcast_in_dim3A_531 = arith.constant 0 : i32
    %broadcast_in_dim3A_532 = vector.broadcast %broadcast_in_dim3A_531 : i32 to vector<400x1xi32>
    %while3A_533 = arith.constant 0x7F800000 : f32
    %while3A_534 = arith.constant 1073741824 : i32
    %while3A_535 = arith.constant 0 : i32
    %while3A_536 = arith.subi %get3A_2, %while3A_535 : i32
    %while3A_537 = arith.addi %while3A_535, %while3A_536 : i32
    %while3A_538 = arith.constant 1 : i32
    %while3A_539 = arith.divsi %while3A_536, %while3A_538 : i32
    %while3A_540 = arith.muli %while3A_539, %while3A_538 : i32
    %while3A_541 = arith.addi %while3A_535, %while3A_540 : i32
    %while3A_542 = arith.constant 1 : i32
    %while3A_543:2 = scf.for %while3A_793 = %while3A_535 to %while3A_541 step %while3A_542 iter_args(%while3A_794 = %broadcast_in_dim3A_530, %while3A_795 = %broadcast_in_dim3A_532) -> (vector<400x1xf32>, vector<400x1xi32>)  : i32 {
      %mul3A_796 = arith.constant 1024 : i32
      %mul3A_797 = arith.muli %while3A_793, %mul3A_796 : i32
      %multiple_of3A = tpu.assume_multiple %mul3A_797, 1024 : i32
      %mul3A_798 = arith.constant 1024 : i32
      %mul3A_799 = arith.muli %while3A_793, %mul3A_798 : i32
      %add3A_800 = vector.broadcast %mul3A_799 : i32 to vector<1x1024xi32>
      %add3A_801 = arith.addi %iota3A, %add3A_800 : vector<1x1024xi32>
      %get3A_802 = arith.constant 0 : index
      %get3A_803 = arith.index_cast %multiple_of3A : i32 to index
      %get3A_804 = vector.load %arg8[%get3A_802, %get3A_803] : memref<400x10240xf32, #tpu.memory_space<vmem>>, vector<400x1024xf32>
      %gt3A = vector.broadcast %while3A_521#0 : vector<400x1xf32> to vector<400x1024xf32>
      %gt3A_805 = arith.cmpf ogt, %get3A_804, %gt3A : vector<400x1024xf32>
      %broadcast_in_dim3A_806 = vector.broadcast %while3A_533 : f32 to vector<400x1024xf32>
      %select_n3A = arith.select %gt3A_805, %get3A_804, %broadcast_in_dim3A_806 : vector<400x1024xi1>, vector<400x1024xf32>
      %reduce_min3A = arith.constant dense<0x7F800000> : vector<400xf32>
      %reduce_min3A_807 = vector.multi_reduction <minimumf>, %select_n3A, %reduce_min3A [1] : vector<400x1024xf32> to vector<400xf32>
      %broadcast_in_dim3A_808 = vector.shape_cast %reduce_min3A_807 : vector<400xf32> to vector<400x1xf32>
      %eq3A = vector.broadcast %broadcast_in_dim3A_808 : vector<400x1xf32> to vector<400x1024xf32>
      %eq3A_809 = arith.cmpf oeq, %select_n3A, %eq3A : vector<400x1024xf32>
      %broadcast_in_dim3A_810 = vector.shape_cast %add3A_801 : vector<1x1024xi32> to vector<1x1024xi32>
      %broadcast_in_dim3A_811 = vector.broadcast %broadcast_in_dim3A_810 : vector<1x1024xi32> to vector<400x1024xi32>
      %broadcast_in_dim3A_812 = vector.broadcast %while3A_534 : i32 to vector<400x1024xi32>
      %select_n3A_813 = arith.select %eq3A_809, %broadcast_in_dim3A_811, %broadcast_in_dim3A_812 : vector<400x1024xi1>, vector<400x1024xi32>
      %reduce_min3A_814 = arith.constant dense<2147483647> : vector<400xi32>
      %reduce_min3A_815 = vector.multi_reduction <minsi>, %select_n3A_813, %reduce_min3A_814 [1] : vector<400x1024xi32> to vector<400xi32>
      %broadcast_in_dim3A_816 = vector.shape_cast %reduce_min3A_815 : vector<400xi32> to vector<400x1xi32>
      %lt3A = arith.cmpf olt, %broadcast_in_dim3A_808, %while3A_794 : vector<400x1xf32>
      %select_n3A_817 = arith.select %lt3A, %broadcast_in_dim3A_808, %while3A_794 : vector<400x1xi1>, vector<400x1xf32>
      %select_n3A_818 = arith.select %lt3A, %broadcast_in_dim3A_816, %while3A_795 : vector<400x1xi1>, vector<400x1xi32>
      scf.yield %select_n3A_817, %select_n3A_818 : vector<400x1xf32>, vector<400x1xi32>
    }
    %while3A_544 = arith.constant 1 : i32
    %while3A_545:2 = scf.for %while3A_793 = %while3A_541 to %while3A_537 step %while3A_544 iter_args(%while3A_794 = %while3A_543#0, %while3A_795 = %while3A_543#1) -> (vector<400x1xf32>, vector<400x1xi32>)  : i32 {
      %mul3A_796 = arith.constant 1024 : i32
      %mul3A_797 = arith.muli %while3A_793, %mul3A_796 : i32
      %multiple_of3A = tpu.assume_multiple %mul3A_797, 1024 : i32
      %mul3A_798 = arith.constant 1024 : i32
      %mul3A_799 = arith.muli %while3A_793, %mul3A_798 : i32
      %add3A_800 = vector.broadcast %mul3A_799 : i32 to vector<1x1024xi32>
      %add3A_801 = arith.addi %iota3A, %add3A_800 : vector<1x1024xi32>
      %get3A_802 = arith.constant 0 : index
      %get3A_803 = arith.index_cast %multiple_of3A : i32 to index
      %get3A_804 = vector.load %arg8[%get3A_802, %get3A_803] : memref<400x10240xf32, #tpu.memory_space<vmem>>, vector<400x1024xf32>
      %gt3A = vector.broadcast %while3A_521#0 : vector<400x1xf32> to vector<400x1024xf32>
      %gt3A_805 = arith.cmpf ogt, %get3A_804, %gt3A : vector<400x1024xf32>
      %broadcast_in_dim3A_806 = vector.broadcast %while3A_533 : f32 to vector<400x1024xf32>
      %select_n3A = arith.select %gt3A_805, %get3A_804, %broadcast_in_dim3A_806 : vector<400x1024xi1>, vector<400x1024xf32>
      %reduce_min3A = arith.constant dense<0x7F800000> : vector<400xf32>
      %reduce_min3A_807 = vector.multi_reduction <minimumf>, %select_n3A, %reduce_min3A [1] : vector<400x1024xf32> to vector<400xf32>
      %broadcast_in_dim3A_808 = vector.shape_cast %reduce_min3A_807 : vector<400xf32> to vector<400x1xf32>
      %eq3A = vector.broadcast %broadcast_in_dim3A_808 : vector<400x1xf32> to vector<400x1024xf32>
      %eq3A_809 = arith.cmpf oeq, %select_n3A, %eq3A : vector<400x1024xf32>
      %broadcast_in_dim3A_810 = vector.shape_cast %add3A_801 : vector<1x1024xi32> to vector<1x1024xi32>
      %broadcast_in_dim3A_811 = vector.broadcast %broadcast_in_dim3A_810 : vector<1x1024xi32> to vector<400x1024xi32>
      %broadcast_in_dim3A_812 = vector.broadcast %while3A_534 : i32 to vector<400x1024xi32>
      %select_n3A_813 = arith.select %eq3A_809, %broadcast_in_dim3A_811, %broadcast_in_dim3A_812 : vector<400x1024xi1>, vector<400x1024xi32>
      %reduce_min3A_814 = arith.constant dense<2147483647> : vector<400xi32>
      %reduce_min3A_815 = vector.multi_reduction <minsi>, %select_n3A_813, %reduce_min3A_814 [1] : vector<400x1024xi32> to vector<400xi32>
      %broadcast_in_dim3A_816 = vector.shape_cast %reduce_min3A_815 : vector<400xi32> to vector<400x1xi32>
      %lt3A = arith.cmpf olt, %broadcast_in_dim3A_808, %while3A_794 : vector<400x1xf32>
      %select_n3A_817 = arith.select %lt3A, %broadcast_in_dim3A_808, %while3A_794 : vector<400x1xi1>, vector<400x1xf32>
      %select_n3A_818 = arith.select %lt3A, %broadcast_in_dim3A_816, %while3A_795 : vector<400x1xi1>, vector<400x1xi32>
      scf.yield %select_n3A_817, %select_n3A_818 : vector<400x1xf32>, vector<400x1xi32>
    }
    %mul3A_546 = arith.constant 1024 : i32
    %mul3A_547 = arith.muli %get3A_0, %mul3A_546 : i32
    %add3A_548 = vector.broadcast %mul3A_547 : i32 to vector<400x1xi32>
    %add3A_549 = arith.addi %while3A_545#1, %add3A_548 : vector<400x1xi32>
    %swap3A_550 = arith.constant 0 : index
    %swap3A_551 = arith.constant 21 : index
    %swap3A_552 = vector.load %arg7[%swap3A_550, %swap3A_551] : memref<400x32xi32, #tpu.memory_space<vmem>>, vector<400x1xi32>
    tpu.vector_store %arg7[%swap3A_550, %swap3A_551], %add3A_549 {strides = array<i32>} : memref<400x32xi32, #tpu.memory_space<vmem>>, vector<400x1xi32>,
    %broadcast_in_dim3A_553 = arith.constant 0x7F800000 : f32
    %broadcast_in_dim3A_554 = vector.broadcast %broadcast_in_dim3A_553 : f32 to vector<400x1xf32>
    %broadcast_in_dim3A_555 = arith.constant 0 : i32
    %broadcast_in_dim3A_556 = vector.broadcast %broadcast_in_dim3A_555 : i32 to vector<400x1xi32>
    %while3A_557 = arith.constant 0x7F800000 : f32
    %while3A_558 = arith.constant 1073741824 : i32
    %while3A_559 = arith.constant 0 : i32
    %while3A_560 = arith.subi %get3A_2, %while3A_559 : i32
    %while3A_561 = arith.addi %while3A_559, %while3A_560 : i32
    %while3A_562 = arith.constant 1 : i32
    %while3A_563 = arith.divsi %while3A_560, %while3A_562 : i32
    %while3A_564 = arith.muli %while3A_563, %while3A_562 : i32
    %while3A_565 = arith.addi %while3A_559, %while3A_564 : i32
    %while3A_566 = arith.constant 1 : i32
    %while3A_567:2 = scf.for %while3A_793 = %while3A_559 to %while3A_565 step %while3A_566 iter_args(%while3A_794 = %broadcast_in_dim3A_554, %while3A_795 = %broadcast_in_dim3A_556) -> (vector<400x1xf32>, vector<400x1xi32>)  : i32 {
      %mul3A_796 = arith.constant 1024 : i32
      %mul3A_797 = arith.muli %while3A_793, %mul3A_796 : i32
      %multiple_of3A = tpu.assume_multiple %mul3A_797, 1024 : i32
      %mul3A_798 = arith.constant 1024 : i32
      %mul3A_799 = arith.muli %while3A_793, %mul3A_798 : i32
      %add3A_800 = vector.broadcast %mul3A_799 : i32 to vector<1x1024xi32>
      %add3A_801 = arith.addi %iota3A, %add3A_800 : vector<1x1024xi32>
      %get3A_802 = arith.constant 0 : index
      %get3A_803 = arith.index_cast %multiple_of3A : i32 to index
      %get3A_804 = vector.load %arg8[%get3A_802, %get3A_803] : memref<400x10240xf32, #tpu.memory_space<vmem>>, vector<400x1024xf32>
      %gt3A = vector.broadcast %while3A_545#0 : vector<400x1xf32> to vector<400x1024xf32>
      %gt3A_805 = arith.cmpf ogt, %get3A_804, %gt3A : vector<400x1024xf32>
      %broadcast_in_dim3A_806 = vector.broadcast %while3A_557 : f32 to vector<400x1024xf32>
      %select_n3A = arith.select %gt3A_805, %get3A_804, %broadcast_in_dim3A_806 : vector<400x1024xi1>, vector<400x1024xf32>
      %reduce_min3A = arith.constant dense<0x7F800000> : vector<400xf32>
      %reduce_min3A_807 = vector.multi_reduction <minimumf>, %select_n3A, %reduce_min3A [1] : vector<400x1024xf32> to vector<400xf32>
      %broadcast_in_dim3A_808 = vector.shape_cast %reduce_min3A_807 : vector<400xf32> to vector<400x1xf32>
      %eq3A = vector.broadcast %broadcast_in_dim3A_808 : vector<400x1xf32> to vector<400x1024xf32>
      %eq3A_809 = arith.cmpf oeq, %select_n3A, %eq3A : vector<400x1024xf32>
      %broadcast_in_dim3A_810 = vector.shape_cast %add3A_801 : vector<1x1024xi32> to vector<1x1024xi32>
      %broadcast_in_dim3A_811 = vector.broadcast %broadcast_in_dim3A_810 : vector<1x1024xi32> to vector<400x1024xi32>
      %broadcast_in_dim3A_812 = vector.broadcast %while3A_558 : i32 to vector<400x1024xi32>
      %select_n3A_813 = arith.select %eq3A_809, %broadcast_in_dim3A_811, %broadcast_in_dim3A_812 : vector<400x1024xi1>, vector<400x1024xi32>
      %reduce_min3A_814 = arith.constant dense<2147483647> : vector<400xi32>
      %reduce_min3A_815 = vector.multi_reduction <minsi>, %select_n3A_813, %reduce_min3A_814 [1] : vector<400x1024xi32> to vector<400xi32>
      %broadcast_in_dim3A_816 = vector.shape_cast %reduce_min3A_815 : vector<400xi32> to vector<400x1xi32>
      %lt3A = arith.cmpf olt, %broadcast_in_dim3A_808, %while3A_794 : vector<400x1xf32>
      %select_n3A_817 = arith.select %lt3A, %broadcast_in_dim3A_808, %while3A_794 : vector<400x1xi1>, vector<400x1xf32>
      %select_n3A_818 = arith.select %lt3A, %broadcast_in_dim3A_816, %while3A_795 : vector<400x1xi1>, vector<400x1xi32>
      scf.yield %select_n3A_817, %select_n3A_818 : vector<400x1xf32>, vector<400x1xi32>
    }
    %while3A_568 = arith.constant 1 : i32
    %while3A_569:2 = scf.for %while3A_793 = %while3A_565 to %while3A_561 step %while3A_568 iter_args(%while3A_794 = %while3A_567#0, %while3A_795 = %while3A_567#1) -> (vector<400x1xf32>, vector<400x1xi32>)  : i32 {
      %mul3A_796 = arith.constant 1024 : i32
      %mul3A_797 = arith.muli %while3A_793, %mul3A_796 : i32
      %multiple_of3A = tpu.assume_multiple %mul3A_797, 1024 : i32
      %mul3A_798 = arith.constant 1024 : i32
      %mul3A_799 = arith.muli %while3A_793, %mul3A_798 : i32
      %add3A_800 = vector.broadcast %mul3A_799 : i32 to vector<1x1024xi32>
      %add3A_801 = arith.addi %iota3A, %add3A_800 : vector<1x1024xi32>
      %get3A_802 = arith.constant 0 : index
      %get3A_803 = arith.index_cast %multiple_of3A : i32 to index
      %get3A_804 = vector.load %arg8[%get3A_802, %get3A_803] : memref<400x10240xf32, #tpu.memory_space<vmem>>, vector<400x1024xf32>
      %gt3A = vector.broadcast %while3A_545#0 : vector<400x1xf32> to vector<400x1024xf32>
      %gt3A_805 = arith.cmpf ogt, %get3A_804, %gt3A : vector<400x1024xf32>
      %broadcast_in_dim3A_806 = vector.broadcast %while3A_557 : f32 to vector<400x1024xf32>
      %select_n3A = arith.select %gt3A_805, %get3A_804, %broadcast_in_dim3A_806 : vector<400x1024xi1>, vector<400x1024xf32>
      %reduce_min3A = arith.constant dense<0x7F800000> : vector<400xf32>
      %reduce_min3A_807 = vector.multi_reduction <minimumf>, %select_n3A, %reduce_min3A [1] : vector<400x1024xf32> to vector<400xf32>
      %broadcast_in_dim3A_808 = vector.shape_cast %reduce_min3A_807 : vector<400xf32> to vector<400x1xf32>
      %eq3A = vector.broadcast %broadcast_in_dim3A_808 : vector<400x1xf32> to vector<400x1024xf32>
      %eq3A_809 = arith.cmpf oeq, %select_n3A, %eq3A : vector<400x1024xf32>
      %broadcast_in_dim3A_810 = vector.shape_cast %add3A_801 : vector<1x1024xi32> to vector<1x1024xi32>
      %broadcast_in_dim3A_811 = vector.broadcast %broadcast_in_dim3A_810 : vector<1x1024xi32> to vector<400x1024xi32>
      %broadcast_in_dim3A_812 = vector.broadcast %while3A_558 : i32 to vector<400x1024xi32>
      %select_n3A_813 = arith.select %eq3A_809, %broadcast_in_dim3A_811, %broadcast_in_dim3A_812 : vector<400x1024xi1>, vector<400x1024xi32>
      %reduce_min3A_814 = arith.constant dense<2147483647> : vector<400xi32>
      %reduce_min3A_815 = vector.multi_reduction <minsi>, %select_n3A_813, %reduce_min3A_814 [1] : vector<400x1024xi32> to vector<400xi32>
      %broadcast_in_dim3A_816 = vector.shape_cast %reduce_min3A_815 : vector<400xi32> to vector<400x1xi32>
      %lt3A = arith.cmpf olt, %broadcast_in_dim3A_808, %while3A_794 : vector<400x1xf32>
      %select_n3A_817 = arith.select %lt3A, %broadcast_in_dim3A_808, %while3A_794 : vector<400x1xi1>, vector<400x1xf32>
      %select_n3A_818 = arith.select %lt3A, %broadcast_in_dim3A_816, %while3A_795 : vector<400x1xi1>, vector<400x1xi32>
      scf.yield %select_n3A_817, %select_n3A_818 : vector<400x1xf32>, vector<400x1xi32>
    }
    %mul3A_570 = arith.constant 1024 : i32
    %mul3A_571 = arith.muli %get3A_0, %mul3A_570 : i32
    %add3A_572 = vector.broadcast %mul3A_571 : i32 to vector<400x1xi32>
    %add3A_573 = arith.addi %while3A_569#1, %add3A_572 : vector<400x1xi32>
    %swap3A_574 = arith.constant 0 : index
    %swap3A_575 = arith.constant 22 : index
    %swap3A_576 = vector.load %arg7[%swap3A_574, %swap3A_575] : memref<400x32xi32, #tpu.memory_space<vmem>>, vector<400x1xi32>
    tpu.vector_store %arg7[%swap3A_574, %swap3A_575], %add3A_573 {strides = array<i32>} : memref<400x32xi32, #tpu.memory_space<vmem>>, vector<400x1xi32>,
    %broadcast_in_dim3A_577 = arith.constant 0x7F800000 : f32
    %broadcast_in_dim3A_578 = vector.broadcast %broadcast_in_dim3A_577 : f32 to vector<400x1xf32>
    %broadcast_in_dim3A_579 = arith.constant 0 : i32
    %broadcast_in_dim3A_580 = vector.broadcast %broadcast_in_dim3A_579 : i32 to vector<400x1xi32>
    %while3A_581 = arith.constant 0x7F800000 : f32
    %while3A_582 = arith.constant 1073741824 : i32
    %while3A_583 = arith.constant 0 : i32
    %while3A_584 = arith.subi %get3A_2, %while3A_583 : i32
    %while3A_585 = arith.addi %while3A_583, %while3A_584 : i32
    %while3A_586 = arith.constant 1 : i32
    %while3A_587 = arith.divsi %while3A_584, %while3A_586 : i32
    %while3A_588 = arith.muli %while3A_587, %while3A_586 : i32
    %while3A_589 = arith.addi %while3A_583, %while3A_588 : i32
    %while3A_590 = arith.constant 1 : i32
    %while3A_591:2 = scf.for %while3A_793 = %while3A_583 to %while3A_589 step %while3A_590 iter_args(%while3A_794 = %broadcast_in_dim3A_578, %while3A_795 = %broadcast_in_dim3A_580) -> (vector<400x1xf32>, vector<400x1xi32>)  : i32 {
      %mul3A_796 = arith.constant 1024 : i32
      %mul3A_797 = arith.muli %while3A_793, %mul3A_796 : i32
      %multiple_of3A = tpu.assume_multiple %mul3A_797, 1024 : i32
      %mul3A_798 = arith.constant 1024 : i32
      %mul3A_799 = arith.muli %while3A_793, %mul3A_798 : i32
      %add3A_800 = vector.broadcast %mul3A_799 : i32 to vector<1x1024xi32>
      %add3A_801 = arith.addi %iota3A, %add3A_800 : vector<1x1024xi32>
      %get3A_802 = arith.constant 0 : index
      %get3A_803 = arith.index_cast %multiple_of3A : i32 to index
      %get3A_804 = vector.load %arg8[%get3A_802, %get3A_803] : memref<400x10240xf32, #tpu.memory_space<vmem>>, vector<400x1024xf32>
      %gt3A = vector.broadcast %while3A_569#0 : vector<400x1xf32> to vector<400x1024xf32>
      %gt3A_805 = arith.cmpf ogt, %get3A_804, %gt3A : vector<400x1024xf32>
      %broadcast_in_dim3A_806 = vector.broadcast %while3A_581 : f32 to vector<400x1024xf32>
      %select_n3A = arith.select %gt3A_805, %get3A_804, %broadcast_in_dim3A_806 : vector<400x1024xi1>, vector<400x1024xf32>
      %reduce_min3A = arith.constant dense<0x7F800000> : vector<400xf32>
      %reduce_min3A_807 = vector.multi_reduction <minimumf>, %select_n3A, %reduce_min3A [1] : vector<400x1024xf32> to vector<400xf32>
      %broadcast_in_dim3A_808 = vector.shape_cast %reduce_min3A_807 : vector<400xf32> to vector<400x1xf32>
      %eq3A = vector.broadcast %broadcast_in_dim3A_808 : vector<400x1xf32> to vector<400x1024xf32>
      %eq3A_809 = arith.cmpf oeq, %select_n3A, %eq3A : vector<400x1024xf32>
      %broadcast_in_dim3A_810 = vector.shape_cast %add3A_801 : vector<1x1024xi32> to vector<1x1024xi32>
      %broadcast_in_dim3A_811 = vector.broadcast %broadcast_in_dim3A_810 : vector<1x1024xi32> to vector<400x1024xi32>
      %broadcast_in_dim3A_812 = vector.broadcast %while3A_582 : i32 to vector<400x1024xi32>
      %select_n3A_813 = arith.select %eq3A_809, %broadcast_in_dim3A_811, %broadcast_in_dim3A_812 : vector<400x1024xi1>, vector<400x1024xi32>
      %reduce_min3A_814 = arith.constant dense<2147483647> : vector<400xi32>
      %reduce_min3A_815 = vector.multi_reduction <minsi>, %select_n3A_813, %reduce_min3A_814 [1] : vector<400x1024xi32> to vector<400xi32>
      %broadcast_in_dim3A_816 = vector.shape_cast %reduce_min3A_815 : vector<400xi32> to vector<400x1xi32>
      %lt3A = arith.cmpf olt, %broadcast_in_dim3A_808, %while3A_794 : vector<400x1xf32>
      %select_n3A_817 = arith.select %lt3A, %broadcast_in_dim3A_808, %while3A_794 : vector<400x1xi1>, vector<400x1xf32>
      %select_n3A_818 = arith.select %lt3A, %broadcast_in_dim3A_816, %while3A_795 : vector<400x1xi1>, vector<400x1xi32>
      scf.yield %select_n3A_817, %select_n3A_818 : vector<400x1xf32>, vector<400x1xi32>
    }
    %while3A_592 = arith.constant 1 : i32
    %while3A_593:2 = scf.for %while3A_793 = %while3A_589 to %while3A_585 step %while3A_592 iter_args(%while3A_794 = %while3A_591#0, %while3A_795 = %while3A_591#1) -> (vector<400x1xf32>, vector<400x1xi32>)  : i32 {
      %mul3A_796 = arith.constant 1024 : i32
      %mul3A_797 = arith.muli %while3A_793, %mul3A_796 : i32
      %multiple_of3A = tpu.assume_multiple %mul3A_797, 1024 : i32
      %mul3A_798 = arith.constant 1024 : i32
      %mul3A_799 = arith.muli %while3A_793, %mul3A_798 : i32
      %add3A_800 = vector.broadcast %mul3A_799 : i32 to vector<1x1024xi32>
      %add3A_801 = arith.addi %iota3A, %add3A_800 : vector<1x1024xi32>
      %get3A_802 = arith.constant 0 : index
      %get3A_803 = arith.index_cast %multiple_of3A : i32 to index
      %get3A_804 = vector.load %arg8[%get3A_802, %get3A_803] : memref<400x10240xf32, #tpu.memory_space<vmem>>, vector<400x1024xf32>
      %gt3A = vector.broadcast %while3A_569#0 : vector<400x1xf32> to vector<400x1024xf32>
      %gt3A_805 = arith.cmpf ogt, %get3A_804, %gt3A : vector<400x1024xf32>
      %broadcast_in_dim3A_806 = vector.broadcast %while3A_581 : f32 to vector<400x1024xf32>
      %select_n3A = arith.select %gt3A_805, %get3A_804, %broadcast_in_dim3A_806 : vector<400x1024xi1>, vector<400x1024xf32>
      %reduce_min3A = arith.constant dense<0x7F800000> : vector<400xf32>
      %reduce_min3A_807 = vector.multi_reduction <minimumf>, %select_n3A, %reduce_min3A [1] : vector<400x1024xf32> to vector<400xf32>
      %broadcast_in_dim3A_808 = vector.shape_cast %reduce_min3A_807 : vector<400xf32> to vector<400x1xf32>
      %eq3A = vector.broadcast %broadcast_in_dim3A_808 : vector<400x1xf32> to vector<400x1024xf32>
      %eq3A_809 = arith.cmpf oeq, %select_n3A, %eq3A : vector<400x1024xf32>
      %broadcast_in_dim3A_810 = vector.shape_cast %add3A_801 : vector<1x1024xi32> to vector<1x1024xi32>
      %broadcast_in_dim3A_811 = vector.broadcast %broadcast_in_dim3A_810 : vector<1x1024xi32> to vector<400x1024xi32>
      %broadcast_in_dim3A_812 = vector.broadcast %while3A_582 : i32 to vector<400x1024xi32>
      %select_n3A_813 = arith.select %eq3A_809, %broadcast_in_dim3A_811, %broadcast_in_dim3A_812 : vector<400x1024xi1>, vector<400x1024xi32>
      %reduce_min3A_814 = arith.constant dense<2147483647> : vector<400xi32>
      %reduce_min3A_815 = vector.multi_reduction <minsi>, %select_n3A_813, %reduce_min3A_814 [1] : vector<400x1024xi32> to vector<400xi32>
      %broadcast_in_dim3A_816 = vector.shape_cast %reduce_min3A_815 : vector<400xi32> to vector<400x1xi32>
      %lt3A = arith.cmpf olt, %broadcast_in_dim3A_808, %while3A_794 : vector<400x1xf32>
      %select_n3A_817 = arith.select %lt3A, %broadcast_in_dim3A_808, %while3A_794 : vector<400x1xi1>, vector<400x1xf32>
      %select_n3A_818 = arith.select %lt3A, %broadcast_in_dim3A_816, %while3A_795 : vector<400x1xi1>, vector<400x1xi32>
      scf.yield %select_n3A_817, %select_n3A_818 : vector<400x1xf32>, vector<400x1xi32>
    }
    %mul3A_594 = arith.constant 1024 : i32
    %mul3A_595 = arith.muli %get3A_0, %mul3A_594 : i32
    %add3A_596 = vector.broadcast %mul3A_595 : i32 to vector<400x1xi32>
    %add3A_597 = arith.addi %while3A_593#1, %add3A_596 : vector<400x1xi32>
    %swap3A_598 = arith.constant 0 : index
    %swap3A_599 = arith.constant 23 : index
    %swap3A_600 = vector.load %arg7[%swap3A_598, %swap3A_599] : memref<400x32xi32, #tpu.memory_space<vmem>>, vector<400x1xi32>
    tpu.vector_store %arg7[%swap3A_598, %swap3A_599], %add3A_597 {strides = array<i32>} : memref<400x32xi32, #tpu.memory_space<vmem>>, vector<400x1xi32>,
    %broadcast_in_dim3A_601 = arith.constant 0x7F800000 : f32
    %broadcast_in_dim3A_602 = vector.broadcast %broadcast_in_dim3A_601 : f32 to vector<400x1xf32>
    %broadcast_in_dim3A_603 = arith.constant 0 : i32
    %broadcast_in_dim3A_604 = vector.broadcast %broadcast_in_dim3A_603 : i32 to vector<400x1xi32>
    %while3A_605 = arith.constant 0x7F800000 : f32
    %while3A_606 = arith.constant 1073741824 : i32
    %while3A_607 = arith.constant 0 : i32
    %while3A_608 = arith.subi %get3A_2, %while3A_607 : i32
    %while3A_609 = arith.addi %while3A_607, %while3A_608 : i32
    %while3A_610 = arith.constant 1 : i32
    %while3A_611 = arith.divsi %while3A_608, %while3A_610 : i32
    %while3A_612 = arith.muli %while3A_611, %while3A_610 : i32
    %while3A_613 = arith.addi %while3A_607, %while3A_612 : i32
    %while3A_614 = arith.constant 1 : i32
    %while3A_615:2 = scf.for %while3A_793 = %while3A_607 to %while3A_613 step %while3A_614 iter_args(%while3A_794 = %broadcast_in_dim3A_602, %while3A_795 = %broadcast_in_dim3A_604) -> (vector<400x1xf32>, vector<400x1xi32>)  : i32 {
      %mul3A_796 = arith.constant 1024 : i32
      %mul3A_797 = arith.muli %while3A_793, %mul3A_796 : i32
      %multiple_of3A = tpu.assume_multiple %mul3A_797, 1024 : i32
      %mul3A_798 = arith.constant 1024 : i32
      %mul3A_799 = arith.muli %while3A_793, %mul3A_798 : i32
      %add3A_800 = vector.broadcast %mul3A_799 : i32 to vector<1x1024xi32>
      %add3A_801 = arith.addi %iota3A, %add3A_800 : vector<1x1024xi32>
      %get3A_802 = arith.constant 0 : index
      %get3A_803 = arith.index_cast %multiple_of3A : i32 to index
      %get3A_804 = vector.load %arg8[%get3A_802, %get3A_803] : memref<400x10240xf32, #tpu.memory_space<vmem>>, vector<400x1024xf32>
      %gt3A = vector.broadcast %while3A_593#0 : vector<400x1xf32> to vector<400x1024xf32>
      %gt3A_805 = arith.cmpf ogt, %get3A_804, %gt3A : vector<400x1024xf32>
      %broadcast_in_dim3A_806 = vector.broadcast %while3A_605 : f32 to vector<400x1024xf32>
      %select_n3A = arith.select %gt3A_805, %get3A_804, %broadcast_in_dim3A_806 : vector<400x1024xi1>, vector<400x1024xf32>
      %reduce_min3A = arith.constant dense<0x7F800000> : vector<400xf32>
      %reduce_min3A_807 = vector.multi_reduction <minimumf>, %select_n3A, %reduce_min3A [1] : vector<400x1024xf32> to vector<400xf32>
      %broadcast_in_dim3A_808 = vector.shape_cast %reduce_min3A_807 : vector<400xf32> to vector<400x1xf32>
      %eq3A = vector.broadcast %broadcast_in_dim3A_808 : vector<400x1xf32> to vector<400x1024xf32>
      %eq3A_809 = arith.cmpf oeq, %select_n3A, %eq3A : vector<400x1024xf32>
      %broadcast_in_dim3A_810 = vector.shape_cast %add3A_801 : vector<1x1024xi32> to vector<1x1024xi32>
      %broadcast_in_dim3A_811 = vector.broadcast %broadcast_in_dim3A_810 : vector<1x1024xi32> to vector<400x1024xi32>
      %broadcast_in_dim3A_812 = vector.broadcast %while3A_606 : i32 to vector<400x1024xi32>
      %select_n3A_813 = arith.select %eq3A_809, %broadcast_in_dim3A_811, %broadcast_in_dim3A_812 : vector<400x1024xi1>, vector<400x1024xi32>
      %reduce_min3A_814 = arith.constant dense<2147483647> : vector<400xi32>
      %reduce_min3A_815 = vector.multi_reduction <minsi>, %select_n3A_813, %reduce_min3A_814 [1] : vector<400x1024xi32> to vector<400xi32>
      %broadcast_in_dim3A_816 = vector.shape_cast %reduce_min3A_815 : vector<400xi32> to vector<400x1xi32>
      %lt3A = arith.cmpf olt, %broadcast_in_dim3A_808, %while3A_794 : vector<400x1xf32>
      %select_n3A_817 = arith.select %lt3A, %broadcast_in_dim3A_808, %while3A_794 : vector<400x1xi1>, vector<400x1xf32>
      %select_n3A_818 = arith.select %lt3A, %broadcast_in_dim3A_816, %while3A_795 : vector<400x1xi1>, vector<400x1xi32>
      scf.yield %select_n3A_817, %select_n3A_818 : vector<400x1xf32>, vector<400x1xi32>
    }
    %while3A_616 = arith.constant 1 : i32
    %while3A_617:2 = scf.for %while3A_793 = %while3A_613 to %while3A_609 step %while3A_616 iter_args(%while3A_794 = %while3A_615#0, %while3A_795 = %while3A_615#1) -> (vector<400x1xf32>, vector<400x1xi32>)  : i32 {
      %mul3A_796 = arith.constant 1024 : i32
      %mul3A_797 = arith.muli %while3A_793, %mul3A_796 : i32
      %multiple_of3A = tpu.assume_multiple %mul3A_797, 1024 : i32
      %mul3A_798 = arith.constant 1024 : i32
      %mul3A_799 = arith.muli %while3A_793, %mul3A_798 : i32
      %add3A_800 = vector.broadcast %mul3A_799 : i32 to vector<1x1024xi32>
      %add3A_801 = arith.addi %iota3A, %add3A_800 : vector<1x1024xi32>
      %get3A_802 = arith.constant 0 : index
      %get3A_803 = arith.index_cast %multiple_of3A : i32 to index
      %get3A_804 = vector.load %arg8[%get3A_802, %get3A_803] : memref<400x10240xf32, #tpu.memory_space<vmem>>, vector<400x1024xf32>
      %gt3A = vector.broadcast %while3A_593#0 : vector<400x1xf32> to vector<400x1024xf32>
      %gt3A_805 = arith.cmpf ogt, %get3A_804, %gt3A : vector<400x1024xf32>
      %broadcast_in_dim3A_806 = vector.broadcast %while3A_605 : f32 to vector<400x1024xf32>
      %select_n3A = arith.select %gt3A_805, %get3A_804, %broadcast_in_dim3A_806 : vector<400x1024xi1>, vector<400x1024xf32>
      %reduce_min3A = arith.constant dense<0x7F800000> : vector<400xf32>
      %reduce_min3A_807 = vector.multi_reduction <minimumf>, %select_n3A, %reduce_min3A [1] : vector<400x1024xf32> to vector<400xf32>
      %broadcast_in_dim3A_808 = vector.shape_cast %reduce_min3A_807 : vector<400xf32> to vector<400x1xf32>
      %eq3A = vector.broadcast %broadcast_in_dim3A_808 : vector<400x1xf32> to vector<400x1024xf32>
      %eq3A_809 = arith.cmpf oeq, %select_n3A, %eq3A : vector<400x1024xf32>
      %broadcast_in_dim3A_810 = vector.shape_cast %add3A_801 : vector<1x1024xi32> to vector<1x1024xi32>
      %broadcast_in_dim3A_811 = vector.broadcast %broadcast_in_dim3A_810 : vector<1x1024xi32> to vector<400x1024xi32>
      %broadcast_in_dim3A_812 = vector.broadcast %while3A_606 : i32 to vector<400x1024xi32>
      %select_n3A_813 = arith.select %eq3A_809, %broadcast_in_dim3A_811, %broadcast_in_dim3A_812 : vector<400x1024xi1>, vector<400x1024xi32>
      %reduce_min3A_814 = arith.constant dense<2147483647> : vector<400xi32>
      %reduce_min3A_815 = vector.multi_reduction <minsi>, %select_n3A_813, %reduce_min3A_814 [1] : vector<400x1024xi32> to vector<400xi32>
      %broadcast_in_dim3A_816 = vector.shape_cast %reduce_min3A_815 : vector<400xi32> to vector<400x1xi32>
      %lt3A = arith.cmpf olt, %broadcast_in_dim3A_808, %while3A_794 : vector<400x1xf32>
      %select_n3A_817 = arith.select %lt3A, %broadcast_in_dim3A_808, %while3A_794 : vector<400x1xi1>, vector<400x1xf32>
      %select_n3A_818 = arith.select %lt3A, %broadcast_in_dim3A_816, %while3A_795 : vector<400x1xi1>, vector<400x1xi32>
      scf.yield %select_n3A_817, %select_n3A_818 : vector<400x1xf32>, vector<400x1xi32>
    }
    %mul3A_618 = arith.constant 1024 : i32
    %mul3A_619 = arith.muli %get3A_0, %mul3A_618 : i32
    %add3A_620 = vector.broadcast %mul3A_619 : i32 to vector<400x1xi32>
    %add3A_621 = arith.addi %while3A_617#1, %add3A_620 : vector<400x1xi32>
    %swap3A_622 = arith.constant 0 : index
    %swap3A_623 = arith.constant 24 : index
    %swap3A_624 = vector.load %arg7[%swap3A_622, %swap3A_623] : memref<400x32xi32, #tpu.memory_space<vmem>>, vector<400x1xi32>
    tpu.vector_store %arg7[%swap3A_622, %swap3A_623], %add3A_621 {strides = array<i32>} : memref<400x32xi32, #tpu.memory_space<vmem>>, vector<400x1xi32>,
    %broadcast_in_dim3A_625 = arith.constant 0x7F800000 : f32
    %broadcast_in_dim3A_626 = vector.broadcast %broadcast_in_dim3A_625 : f32 to vector<400x1xf32>
    %broadcast_in_dim3A_627 = arith.constant 0 : i32
    %broadcast_in_dim3A_628 = vector.broadcast %broadcast_in_dim3A_627 : i32 to vector<400x1xi32>
    %while3A_629 = arith.constant 0x7F800000 : f32
    %while3A_630 = arith.constant 1073741824 : i32
    %while3A_631 = arith.constant 0 : i32
    %while3A_632 = arith.subi %get3A_2, %while3A_631 : i32
    %while3A_633 = arith.addi %while3A_631, %while3A_632 : i32
    %while3A_634 = arith.constant 1 : i32
    %while3A_635 = arith.divsi %while3A_632, %while3A_634 : i32
    %while3A_636 = arith.muli %while3A_635, %while3A_634 : i32
    %while3A_637 = arith.addi %while3A_631, %while3A_636 : i32
    %while3A_638 = arith.constant 1 : i32
    %while3A_639:2 = scf.for %while3A_793 = %while3A_631 to %while3A_637 step %while3A_638 iter_args(%while3A_794 = %broadcast_in_dim3A_626, %while3A_795 = %broadcast_in_dim3A_628) -> (vector<400x1xf32>, vector<400x1xi32>)  : i32 {
      %mul3A_796 = arith.constant 1024 : i32
      %mul3A_797 = arith.muli %while3A_793, %mul3A_796 : i32
      %multiple_of3A = tpu.assume_multiple %mul3A_797, 1024 : i32
      %mul3A_798 = arith.constant 1024 : i32
      %mul3A_799 = arith.muli %while3A_793, %mul3A_798 : i32
      %add3A_800 = vector.broadcast %mul3A_799 : i32 to vector<1x1024xi32>
      %add3A_801 = arith.addi %iota3A, %add3A_800 : vector<1x1024xi32>
      %get3A_802 = arith.constant 0 : index
      %get3A_803 = arith.index_cast %multiple_of3A : i32 to index
      %get3A_804 = vector.load %arg8[%get3A_802, %get3A_803] : memref<400x10240xf32, #tpu.memory_space<vmem>>, vector<400x1024xf32>
      %gt3A = vector.broadcast %while3A_617#0 : vector<400x1xf32> to vector<400x1024xf32>
      %gt3A_805 = arith.cmpf ogt, %get3A_804, %gt3A : vector<400x1024xf32>
      %broadcast_in_dim3A_806 = vector.broadcast %while3A_629 : f32 to vector<400x1024xf32>
      %select_n3A = arith.select %gt3A_805, %get3A_804, %broadcast_in_dim3A_806 : vector<400x1024xi1>, vector<400x1024xf32>
      %reduce_min3A = arith.constant dense<0x7F800000> : vector<400xf32>
      %reduce_min3A_807 = vector.multi_reduction <minimumf>, %select_n3A, %reduce_min3A [1] : vector<400x1024xf32> to vector<400xf32>
      %broadcast_in_dim3A_808 = vector.shape_cast %reduce_min3A_807 : vector<400xf32> to vector<400x1xf32>
      %eq3A = vector.broadcast %broadcast_in_dim3A_808 : vector<400x1xf32> to vector<400x1024xf32>
      %eq3A_809 = arith.cmpf oeq, %select_n3A, %eq3A : vector<400x1024xf32>
      %broadcast_in_dim3A_810 = vector.shape_cast %add3A_801 : vector<1x1024xi32> to vector<1x1024xi32>
      %broadcast_in_dim3A_811 = vector.broadcast %broadcast_in_dim3A_810 : vector<1x1024xi32> to vector<400x1024xi32>
      %broadcast_in_dim3A_812 = vector.broadcast %while3A_630 : i32 to vector<400x1024xi32>
      %select_n3A_813 = arith.select %eq3A_809, %broadcast_in_dim3A_811, %broadcast_in_dim3A_812 : vector<400x1024xi1>, vector<400x1024xi32>
      %reduce_min3A_814 = arith.constant dense<2147483647> : vector<400xi32>
      %reduce_min3A_815 = vector.multi_reduction <minsi>, %select_n3A_813, %reduce_min3A_814 [1] : vector<400x1024xi32> to vector<400xi32>
      %broadcast_in_dim3A_816 = vector.shape_cast %reduce_min3A_815 : vector<400xi32> to vector<400x1xi32>
      %lt3A = arith.cmpf olt, %broadcast_in_dim3A_808, %while3A_794 : vector<400x1xf32>
      %select_n3A_817 = arith.select %lt3A, %broadcast_in_dim3A_808, %while3A_794 : vector<400x1xi1>, vector<400x1xf32>
      %select_n3A_818 = arith.select %lt3A, %broadcast_in_dim3A_816, %while3A_795 : vector<400x1xi1>, vector<400x1xi32>
      scf.yield %select_n3A_817, %select_n3A_818 : vector<400x1xf32>, vector<400x1xi32>
    }
    %while3A_640 = arith.constant 1 : i32
    %while3A_641:2 = scf.for %while3A_793 = %while3A_637 to %while3A_633 step %while3A_640 iter_args(%while3A_794 = %while3A_639#0, %while3A_795 = %while3A_639#1) -> (vector<400x1xf32>, vector<400x1xi32>)  : i32 {
      %mul3A_796 = arith.constant 1024 : i32
      %mul3A_797 = arith.muli %while3A_793, %mul3A_796 : i32
      %multiple_of3A = tpu.assume_multiple %mul3A_797, 1024 : i32
      %mul3A_798 = arith.constant 1024 : i32
      %mul3A_799 = arith.muli %while3A_793, %mul3A_798 : i32
      %add3A_800 = vector.broadcast %mul3A_799 : i32 to vector<1x1024xi32>
      %add3A_801 = arith.addi %iota3A, %add3A_800 : vector<1x1024xi32>
      %get3A_802 = arith.constant 0 : index
      %get3A_803 = arith.index_cast %multiple_of3A : i32 to index
      %get3A_804 = vector.load %arg8[%get3A_802, %get3A_803] : memref<400x10240xf32, #tpu.memory_space<vmem>>, vector<400x1024xf32>
      %gt3A = vector.broadcast %while3A_617#0 : vector<400x1xf32> to vector<400x1024xf32>
      %gt3A_805 = arith.cmpf ogt, %get3A_804, %gt3A : vector<400x1024xf32>
      %broadcast_in_dim3A_806 = vector.broadcast %while3A_629 : f32 to vector<400x1024xf32>
      %select_n3A = arith.select %gt3A_805, %get3A_804, %broadcast_in_dim3A_806 : vector<400x1024xi1>, vector<400x1024xf32>
      %reduce_min3A = arith.constant dense<0x7F800000> : vector<400xf32>
      %reduce_min3A_807 = vector.multi_reduction <minimumf>, %select_n3A, %reduce_min3A [1] : vector<400x1024xf32> to vector<400xf32>
      %broadcast_in_dim3A_808 = vector.shape_cast %reduce_min3A_807 : vector<400xf32> to vector<400x1xf32>
      %eq3A = vector.broadcast %broadcast_in_dim3A_808 : vector<400x1xf32> to vector<400x1024xf32>
      %eq3A_809 = arith.cmpf oeq, %select_n3A, %eq3A : vector<400x1024xf32>
      %broadcast_in_dim3A_810 = vector.shape_cast %add3A_801 : vector<1x1024xi32> to vector<1x1024xi32>
      %broadcast_in_dim3A_811 = vector.broadcast %broadcast_in_dim3A_810 : vector<1x1024xi32> to vector<400x1024xi32>
      %broadcast_in_dim3A_812 = vector.broadcast %while3A_630 : i32 to vector<400x1024xi32>
      %select_n3A_813 = arith.select %eq3A_809, %broadcast_in_dim3A_811, %broadcast_in_dim3A_812 : vector<400x1024xi1>, vector<400x1024xi32>
      %reduce_min3A_814 = arith.constant dense<2147483647> : vector<400xi32>
      %reduce_min3A_815 = vector.multi_reduction <minsi>, %select_n3A_813, %reduce_min3A_814 [1] : vector<400x1024xi32> to vector<400xi32>
      %broadcast_in_dim3A_816 = vector.shape_cast %reduce_min3A_815 : vector<400xi32> to vector<400x1xi32>
      %lt3A = arith.cmpf olt, %broadcast_in_dim3A_808, %while3A_794 : vector<400x1xf32>
      %select_n3A_817 = arith.select %lt3A, %broadcast_in_dim3A_808, %while3A_794 : vector<400x1xi1>, vector<400x1xf32>
      %select_n3A_818 = arith.select %lt3A, %broadcast_in_dim3A_816, %while3A_795 : vector<400x1xi1>, vector<400x1xi32>
      scf.yield %select_n3A_817, %select_n3A_818 : vector<400x1xf32>, vector<400x1xi32>
    }
    %mul3A_642 = arith.constant 1024 : i32
    %mul3A_643 = arith.muli %get3A_0, %mul3A_642 : i32
    %add3A_644 = vector.broadcast %mul3A_643 : i32 to vector<400x1xi32>
    %add3A_645 = arith.addi %while3A_641#1, %add3A_644 : vector<400x1xi32>
    %swap3A_646 = arith.constant 0 : index
    %swap3A_647 = arith.constant 25 : index
    %swap3A_648 = vector.load %arg7[%swap3A_646, %swap3A_647] : memref<400x32xi32, #tpu.memory_space<vmem>>, vector<400x1xi32>
    tpu.vector_store %arg7[%swap3A_646, %swap3A_647], %add3A_645 {strides = array<i32>} : memref<400x32xi32, #tpu.memory_space<vmem>>, vector<400x1xi32>,
    %broadcast_in_dim3A_649 = arith.constant 0x7F800000 : f32
    %broadcast_in_dim3A_650 = vector.broadcast %broadcast_in_dim3A_649 : f32 to vector<400x1xf32>
    %broadcast_in_dim3A_651 = arith.constant 0 : i32
    %broadcast_in_dim3A_652 = vector.broadcast %broadcast_in_dim3A_651 : i32 to vector<400x1xi32>
    %while3A_653 = arith.constant 0x7F800000 : f32
    %while3A_654 = arith.constant 1073741824 : i32
    %while3A_655 = arith.constant 0 : i32
    %while3A_656 = arith.subi %get3A_2, %while3A_655 : i32
    %while3A_657 = arith.addi %while3A_655, %while3A_656 : i32
    %while3A_658 = arith.constant 1 : i32
    %while3A_659 = arith.divsi %while3A_656, %while3A_658 : i32
    %while3A_660 = arith.muli %while3A_659, %while3A_658 : i32
    %while3A_661 = arith.addi %while3A_655, %while3A_660 : i32
    %while3A_662 = arith.constant 1 : i32
    %while3A_663:2 = scf.for %while3A_793 = %while3A_655 to %while3A_661 step %while3A_662 iter_args(%while3A_794 = %broadcast_in_dim3A_650, %while3A_795 = %broadcast_in_dim3A_652) -> (vector<400x1xf32>, vector<400x1xi32>)  : i32 {
      %mul3A_796 = arith.constant 1024 : i32
      %mul3A_797 = arith.muli %while3A_793, %mul3A_796 : i32
      %multiple_of3A = tpu.assume_multiple %mul3A_797, 1024 : i32
      %mul3A_798 = arith.constant 1024 : i32
      %mul3A_799 = arith.muli %while3A_793, %mul3A_798 : i32
      %add3A_800 = vector.broadcast %mul3A_799 : i32 to vector<1x1024xi32>
      %add3A_801 = arith.addi %iota3A, %add3A_800 : vector<1x1024xi32>
      %get3A_802 = arith.constant 0 : index
      %get3A_803 = arith.index_cast %multiple_of3A : i32 to index
      %get3A_804 = vector.load %arg8[%get3A_802, %get3A_803] : memref<400x10240xf32, #tpu.memory_space<vmem>>, vector<400x1024xf32>
      %gt3A = vector.broadcast %while3A_641#0 : vector<400x1xf32> to vector<400x1024xf32>
      %gt3A_805 = arith.cmpf ogt, %get3A_804, %gt3A : vector<400x1024xf32>
      %broadcast_in_dim3A_806 = vector.broadcast %while3A_653 : f32 to vector<400x1024xf32>
      %select_n3A = arith.select %gt3A_805, %get3A_804, %broadcast_in_dim3A_806 : vector<400x1024xi1>, vector<400x1024xf32>
      %reduce_min3A = arith.constant dense<0x7F800000> : vector<400xf32>
      %reduce_min3A_807 = vector.multi_reduction <minimumf>, %select_n3A, %reduce_min3A [1] : vector<400x1024xf32> to vector<400xf32>
      %broadcast_in_dim3A_808 = vector.shape_cast %reduce_min3A_807 : vector<400xf32> to vector<400x1xf32>
      %eq3A = vector.broadcast %broadcast_in_dim3A_808 : vector<400x1xf32> to vector<400x1024xf32>
      %eq3A_809 = arith.cmpf oeq, %select_n3A, %eq3A : vector<400x1024xf32>
      %broadcast_in_dim3A_810 = vector.shape_cast %add3A_801 : vector<1x1024xi32> to vector<1x1024xi32>
      %broadcast_in_dim3A_811 = vector.broadcast %broadcast_in_dim3A_810 : vector<1x1024xi32> to vector<400x1024xi32>
      %broadcast_in_dim3A_812 = vector.broadcast %while3A_654 : i32 to vector<400x1024xi32>
      %select_n3A_813 = arith.select %eq3A_809, %broadcast_in_dim3A_811, %broadcast_in_dim3A_812 : vector<400x1024xi1>, vector<400x1024xi32>
      %reduce_min3A_814 = arith.constant dense<2147483647> : vector<400xi32>
      %reduce_min3A_815 = vector.multi_reduction <minsi>, %select_n3A_813, %reduce_min3A_814 [1] : vector<400x1024xi32> to vector<400xi32>
      %broadcast_in_dim3A_816 = vector.shape_cast %reduce_min3A_815 : vector<400xi32> to vector<400x1xi32>
      %lt3A = arith.cmpf olt, %broadcast_in_dim3A_808, %while3A_794 : vector<400x1xf32>
      %select_n3A_817 = arith.select %lt3A, %broadcast_in_dim3A_808, %while3A_794 : vector<400x1xi1>, vector<400x1xf32>
      %select_n3A_818 = arith.select %lt3A, %broadcast_in_dim3A_816, %while3A_795 : vector<400x1xi1>, vector<400x1xi32>
      scf.yield %select_n3A_817, %select_n3A_818 : vector<400x1xf32>, vector<400x1xi32>
    }
    %while3A_664 = arith.constant 1 : i32
    %while3A_665:2 = scf.for %while3A_793 = %while3A_661 to %while3A_657 step %while3A_664 iter_args(%while3A_794 = %while3A_663#0, %while3A_795 = %while3A_663#1) -> (vector<400x1xf32>, vector<400x1xi32>)  : i32 {
      %mul3A_796 = arith.constant 1024 : i32
      %mul3A_797 = arith.muli %while3A_793, %mul3A_796 : i32
      %multiple_of3A = tpu.assume_multiple %mul3A_797, 1024 : i32
      %mul3A_798 = arith.constant 1024 : i32
      %mul3A_799 = arith.muli %while3A_793, %mul3A_798 : i32
      %add3A_800 = vector.broadcast %mul3A_799 : i32 to vector<1x1024xi32>
      %add3A_801 = arith.addi %iota3A, %add3A_800 : vector<1x1024xi32>
      %get3A_802 = arith.constant 0 : index
      %get3A_803 = arith.index_cast %multiple_of3A : i32 to index
      %get3A_804 = vector.load %arg8[%get3A_802, %get3A_803] : memref<400x10240xf32, #tpu.memory_space<vmem>>, vector<400x1024xf32>
      %gt3A = vector.broadcast %while3A_641#0 : vector<400x1xf32> to vector<400x1024xf32>
      %gt3A_805 = arith.cmpf ogt, %get3A_804, %gt3A : vector<400x1024xf32>
      %broadcast_in_dim3A_806 = vector.broadcast %while3A_653 : f32 to vector<400x1024xf32>
      %select_n3A = arith.select %gt3A_805, %get3A_804, %broadcast_in_dim3A_806 : vector<400x1024xi1>, vector<400x1024xf32>
      %reduce_min3A = arith.constant dense<0x7F800000> : vector<400xf32>
      %reduce_min3A_807 = vector.multi_reduction <minimumf>, %select_n3A, %reduce_min3A [1] : vector<400x1024xf32> to vector<400xf32>
      %broadcast_in_dim3A_808 = vector.shape_cast %reduce_min3A_807 : vector<400xf32> to vector<400x1xf32>
      %eq3A = vector.broadcast %broadcast_in_dim3A_808 : vector<400x1xf32> to vector<400x1024xf32>
      %eq3A_809 = arith.cmpf oeq, %select_n3A, %eq3A : vector<400x1024xf32>
      %broadcast_in_dim3A_810 = vector.shape_cast %add3A_801 : vector<1x1024xi32> to vector<1x1024xi32>
      %broadcast_in_dim3A_811 = vector.broadcast %broadcast_in_dim3A_810 : vector<1x1024xi32> to vector<400x1024xi32>
      %broadcast_in_dim3A_812 = vector.broadcast %while3A_654 : i32 to vector<400x1024xi32>
      %select_n3A_813 = arith.select %eq3A_809, %broadcast_in_dim3A_811, %broadcast_in_dim3A_812 : vector<400x1024xi1>, vector<400x1024xi32>
      %reduce_min3A_814 = arith.constant dense<2147483647> : vector<400xi32>
      %reduce_min3A_815 = vector.multi_reduction <minsi>, %select_n3A_813, %reduce_min3A_814 [1] : vector<400x1024xi32> to vector<400xi32>
      %broadcast_in_dim3A_816 = vector.shape_cast %reduce_min3A_815 : vector<400xi32> to vector<400x1xi32>
      %lt3A = arith.cmpf olt, %broadcast_in_dim3A_808, %while3A_794 : vector<400x1xf32>
      %select_n3A_817 = arith.select %lt3A, %broadcast_in_dim3A_808, %while3A_794 : vector<400x1xi1>, vector<400x1xf32>
      %select_n3A_818 = arith.select %lt3A, %broadcast_in_dim3A_816, %while3A_795 : vector<400x1xi1>, vector<400x1xi32>
      scf.yield %select_n3A_817, %select_n3A_818 : vector<400x1xf32>, vector<400x1xi32>
    }
    %mul3A_666 = arith.constant 1024 : i32
    %mul3A_667 = arith.muli %get3A_0, %mul3A_666 : i32
    %add3A_668 = vector.broadcast %mul3A_667 : i32 to vector<400x1xi32>
    %add3A_669 = arith.addi %while3A_665#1, %add3A_668 : vector<400x1xi32>
    %swap3A_670 = arith.constant 0 : index
    %swap3A_671 = arith.constant 26 : index
    %swap3A_672 = vector.load %arg7[%swap3A_670, %swap3A_671] : memref<400x32xi32, #tpu.memory_space<vmem>>, vector<400x1xi32>
    tpu.vector_store %arg7[%swap3A_670, %swap3A_671], %add3A_669 {strides = array<i32>} : memref<400x32xi32, #tpu.memory_space<vmem>>, vector<400x1xi32>,
    %broadcast_in_dim3A_673 = arith.constant 0x7F800000 : f32
    %broadcast_in_dim3A_674 = vector.broadcast %broadcast_in_dim3A_673 : f32 to vector<400x1xf32>
    %broadcast_in_dim3A_675 = arith.constant 0 : i32
    %broadcast_in_dim3A_676 = vector.broadcast %broadcast_in_dim3A_675 : i32 to vector<400x1xi32>
    %while3A_677 = arith.constant 0x7F800000 : f32
    %while3A_678 = arith.constant 1073741824 : i32
    %while3A_679 = arith.constant 0 : i32
    %while3A_680 = arith.subi %get3A_2, %while3A_679 : i32
    %while3A_681 = arith.addi %while3A_679, %while3A_680 : i32
    %while3A_682 = arith.constant 1 : i32
    %while3A_683 = arith.divsi %while3A_680, %while3A_682 : i32
    %while3A_684 = arith.muli %while3A_683, %while3A_682 : i32
    %while3A_685 = arith.addi %while3A_679, %while3A_684 : i32
    %while3A_686 = arith.constant 1 : i32
    %while3A_687:2 = scf.for %while3A_793 = %while3A_679 to %while3A_685 step %while3A_686 iter_args(%while3A_794 = %broadcast_in_dim3A_674, %while3A_795 = %broadcast_in_dim3A_676) -> (vector<400x1xf32>, vector<400x1xi32>)  : i32 {
      %mul3A_796 = arith.constant 1024 : i32
      %mul3A_797 = arith.muli %while3A_793, %mul3A_796 : i32
      %multiple_of3A = tpu.assume_multiple %mul3A_797, 1024 : i32
      %mul3A_798 = arith.constant 1024 : i32
      %mul3A_799 = arith.muli %while3A_793, %mul3A_798 : i32
      %add3A_800 = vector.broadcast %mul3A_799 : i32 to vector<1x1024xi32>
      %add3A_801 = arith.addi %iota3A, %add3A_800 : vector<1x1024xi32>
      %get3A_802 = arith.constant 0 : index
      %get3A_803 = arith.index_cast %multiple_of3A : i32 to index
      %get3A_804 = vector.load %arg8[%get3A_802, %get3A_803] : memref<400x10240xf32, #tpu.memory_space<vmem>>, vector<400x1024xf32>
      %gt3A = vector.broadcast %while3A_665#0 : vector<400x1xf32> to vector<400x1024xf32>
      %gt3A_805 = arith.cmpf ogt, %get3A_804, %gt3A : vector<400x1024xf32>
      %broadcast_in_dim3A_806 = vector.broadcast %while3A_677 : f32 to vector<400x1024xf32>
      %select_n3A = arith.select %gt3A_805, %get3A_804, %broadcast_in_dim3A_806 : vector<400x1024xi1>, vector<400x1024xf32>
      %reduce_min3A = arith.constant dense<0x7F800000> : vector<400xf32>
      %reduce_min3A_807 = vector.multi_reduction <minimumf>, %select_n3A, %reduce_min3A [1] : vector<400x1024xf32> to vector<400xf32>
      %broadcast_in_dim3A_808 = vector.shape_cast %reduce_min3A_807 : vector<400xf32> to vector<400x1xf32>
      %eq3A = vector.broadcast %broadcast_in_dim3A_808 : vector<400x1xf32> to vector<400x1024xf32>
      %eq3A_809 = arith.cmpf oeq, %select_n3A, %eq3A : vector<400x1024xf32>
      %broadcast_in_dim3A_810 = vector.shape_cast %add3A_801 : vector<1x1024xi32> to vector<1x1024xi32>
      %broadcast_in_dim3A_811 = vector.broadcast %broadcast_in_dim3A_810 : vector<1x1024xi32> to vector<400x1024xi32>
      %broadcast_in_dim3A_812 = vector.broadcast %while3A_678 : i32 to vector<400x1024xi32>
      %select_n3A_813 = arith.select %eq3A_809, %broadcast_in_dim3A_811, %broadcast_in_dim3A_812 : vector<400x1024xi1>, vector<400x1024xi32>
      %reduce_min3A_814 = arith.constant dense<2147483647> : vector<400xi32>
      %reduce_min3A_815 = vector.multi_reduction <minsi>, %select_n3A_813, %reduce_min3A_814 [1] : vector<400x1024xi32> to vector<400xi32>
      %broadcast_in_dim3A_816 = vector.shape_cast %reduce_min3A_815 : vector<400xi32> to vector<400x1xi32>
      %lt3A = arith.cmpf olt, %broadcast_in_dim3A_808, %while3A_794 : vector<400x1xf32>
      %select_n3A_817 = arith.select %lt3A, %broadcast_in_dim3A_808, %while3A_794 : vector<400x1xi1>, vector<400x1xf32>
      %select_n3A_818 = arith.select %lt3A, %broadcast_in_dim3A_816, %while3A_795 : vector<400x1xi1>, vector<400x1xi32>
      scf.yield %select_n3A_817, %select_n3A_818 : vector<400x1xf32>, vector<400x1xi32>
    }
    %while3A_688 = arith.constant 1 : i32
    %while3A_689:2 = scf.for %while3A_793 = %while3A_685 to %while3A_681 step %while3A_688 iter_args(%while3A_794 = %while3A_687#0, %while3A_795 = %while3A_687#1) -> (vector<400x1xf32>, vector<400x1xi32>)  : i32 {
      %mul3A_796 = arith.constant 1024 : i32
      %mul3A_797 = arith.muli %while3A_793, %mul3A_796 : i32
      %multiple_of3A = tpu.assume_multiple %mul3A_797, 1024 : i32
      %mul3A_798 = arith.constant 1024 : i32
      %mul3A_799 = arith.muli %while3A_793, %mul3A_798 : i32
      %add3A_800 = vector.broadcast %mul3A_799 : i32 to vector<1x1024xi32>
      %add3A_801 = arith.addi %iota3A, %add3A_800 : vector<1x1024xi32>
      %get3A_802 = arith.constant 0 : index
      %get3A_803 = arith.index_cast %multiple_of3A : i32 to index
      %get3A_804 = vector.load %arg8[%get3A_802, %get3A_803] : memref<400x10240xf32, #tpu.memory_space<vmem>>, vector<400x1024xf32>
      %gt3A = vector.broadcast %while3A_665#0 : vector<400x1xf32> to vector<400x1024xf32>
      %gt3A_805 = arith.cmpf ogt, %get3A_804, %gt3A : vector<400x1024xf32>
      %broadcast_in_dim3A_806 = vector.broadcast %while3A_677 : f32 to vector<400x1024xf32>
      %select_n3A = arith.select %gt3A_805, %get3A_804, %broadcast_in_dim3A_806 : vector<400x1024xi1>, vector<400x1024xf32>
      %reduce_min3A = arith.constant dense<0x7F800000> : vector<400xf32>
      %reduce_min3A_807 = vector.multi_reduction <minimumf>, %select_n3A, %reduce_min3A [1] : vector<400x1024xf32> to vector<400xf32>
      %broadcast_in_dim3A_808 = vector.shape_cast %reduce_min3A_807 : vector<400xf32> to vector<400x1xf32>
      %eq3A = vector.broadcast %broadcast_in_dim3A_808 : vector<400x1xf32> to vector<400x1024xf32>
      %eq3A_809 = arith.cmpf oeq, %select_n3A, %eq3A : vector<400x1024xf32>
      %broadcast_in_dim3A_810 = vector.shape_cast %add3A_801 : vector<1x1024xi32> to vector<1x1024xi32>
      %broadcast_in_dim3A_811 = vector.broadcast %broadcast_in_dim3A_810 : vector<1x1024xi32> to vector<400x1024xi32>
      %broadcast_in_dim3A_812 = vector.broadcast %while3A_678 : i32 to vector<400x1024xi32>
      %select_n3A_813 = arith.select %eq3A_809, %broadcast_in_dim3A_811, %broadcast_in_dim3A_812 : vector<400x1024xi1>, vector<400x1024xi32>
      %reduce_min3A_814 = arith.constant dense<2147483647> : vector<400xi32>
      %reduce_min3A_815 = vector.multi_reduction <minsi>, %select_n3A_813, %reduce_min3A_814 [1] : vector<400x1024xi32> to vector<400xi32>
      %broadcast_in_dim3A_816 = vector.shape_cast %reduce_min3A_815 : vector<400xi32> to vector<400x1xi32>
      %lt3A = arith.cmpf olt, %broadcast_in_dim3A_808, %while3A_794 : vector<400x1xf32>
      %select_n3A_817 = arith.select %lt3A, %broadcast_in_dim3A_808, %while3A_794 : vector<400x1xi1>, vector<400x1xf32>
      %select_n3A_818 = arith.select %lt3A, %broadcast_in_dim3A_816, %while3A_795 : vector<400x1xi1>, vector<400x1xi32>
      scf.yield %select_n3A_817, %select_n3A_818 : vector<400x1xf32>, vector<400x1xi32>
    }
    %mul3A_690 = arith.constant 1024 : i32
    %mul3A_691 = arith.muli %get3A_0, %mul3A_690 : i32
    %add3A_692 = vector.broadcast %mul3A_691 : i32 to vector<400x1xi32>
    %add3A_693 = arith.addi %while3A_689#1, %add3A_692 : vector<400x1xi32>
    %swap3A_694 = arith.constant 0 : index
    %swap3A_695 = arith.constant 27 : index
    %swap3A_696 = vector.load %arg7[%swap3A_694, %swap3A_695] : memref<400x32xi32, #tpu.memory_space<vmem>>, vector<400x1xi32>
    tpu.vector_store %arg7[%swap3A_694, %swap3A_695], %add3A_693 {strides = array<i32>} : memref<400x32xi32, #tpu.memory_space<vmem>>, vector<400x1xi32>,
    %broadcast_in_dim3A_697 = arith.constant 0x7F800000 : f32
    %broadcast_in_dim3A_698 = vector.broadcast %broadcast_in_dim3A_697 : f32 to vector<400x1xf32>
    %broadcast_in_dim3A_699 = arith.constant 0 : i32
    %broadcast_in_dim3A_700 = vector.broadcast %broadcast_in_dim3A_699 : i32 to vector<400x1xi32>
    %while3A_701 = arith.constant 0x7F800000 : f32
    %while3A_702 = arith.constant 1073741824 : i32
    %while3A_703 = arith.constant 0 : i32
    %while3A_704 = arith.subi %get3A_2, %while3A_703 : i32
    %while3A_705 = arith.addi %while3A_703, %while3A_704 : i32
    %while3A_706 = arith.constant 1 : i32
    %while3A_707 = arith.divsi %while3A_704, %while3A_706 : i32
    %while3A_708 = arith.muli %while3A_707, %while3A_706 : i32
    %while3A_709 = arith.addi %while3A_703, %while3A_708 : i32
    %while3A_710 = arith.constant 1 : i32
    %while3A_711:2 = scf.for %while3A_793 = %while3A_703 to %while3A_709 step %while3A_710 iter_args(%while3A_794 = %broadcast_in_dim3A_698, %while3A_795 = %broadcast_in_dim3A_700) -> (vector<400x1xf32>, vector<400x1xi32>)  : i32 {
      %mul3A_796 = arith.constant 1024 : i32
      %mul3A_797 = arith.muli %while3A_793, %mul3A_796 : i32
      %multiple_of3A = tpu.assume_multiple %mul3A_797, 1024 : i32
      %mul3A_798 = arith.constant 1024 : i32
      %mul3A_799 = arith.muli %while3A_793, %mul3A_798 : i32
      %add3A_800 = vector.broadcast %mul3A_799 : i32 to vector<1x1024xi32>
      %add3A_801 = arith.addi %iota3A, %add3A_800 : vector<1x1024xi32>
      %get3A_802 = arith.constant 0 : index
      %get3A_803 = arith.index_cast %multiple_of3A : i32 to index
      %get3A_804 = vector.load %arg8[%get3A_802, %get3A_803] : memref<400x10240xf32, #tpu.memory_space<vmem>>, vector<400x1024xf32>
      %gt3A = vector.broadcast %while3A_689#0 : vector<400x1xf32> to vector<400x1024xf32>
      %gt3A_805 = arith.cmpf ogt, %get3A_804, %gt3A : vector<400x1024xf32>
      %broadcast_in_dim3A_806 = vector.broadcast %while3A_701 : f32 to vector<400x1024xf32>
      %select_n3A = arith.select %gt3A_805, %get3A_804, %broadcast_in_dim3A_806 : vector<400x1024xi1>, vector<400x1024xf32>
      %reduce_min3A = arith.constant dense<0x7F800000> : vector<400xf32>
      %reduce_min3A_807 = vector.multi_reduction <minimumf>, %select_n3A, %reduce_min3A [1] : vector<400x1024xf32> to vector<400xf32>
      %broadcast_in_dim3A_808 = vector.shape_cast %reduce_min3A_807 : vector<400xf32> to vector<400x1xf32>
      %eq3A = vector.broadcast %broadcast_in_dim3A_808 : vector<400x1xf32> to vector<400x1024xf32>
      %eq3A_809 = arith.cmpf oeq, %select_n3A, %eq3A : vector<400x1024xf32>
      %broadcast_in_dim3A_810 = vector.shape_cast %add3A_801 : vector<1x1024xi32> to vector<1x1024xi32>
      %broadcast_in_dim3A_811 = vector.broadcast %broadcast_in_dim3A_810 : vector<1x1024xi32> to vector<400x1024xi32>
      %broadcast_in_dim3A_812 = vector.broadcast %while3A_702 : i32 to vector<400x1024xi32>
      %select_n3A_813 = arith.select %eq3A_809, %broadcast_in_dim3A_811, %broadcast_in_dim3A_812 : vector<400x1024xi1>, vector<400x1024xi32>
      %reduce_min3A_814 = arith.constant dense<2147483647> : vector<400xi32>
      %reduce_min3A_815 = vector.multi_reduction <minsi>, %select_n3A_813, %reduce_min3A_814 [1] : vector<400x1024xi32> to vector<400xi32>
      %broadcast_in_dim3A_816 = vector.shape_cast %reduce_min3A_815 : vector<400xi32> to vector<400x1xi32>
      %lt3A = arith.cmpf olt, %broadcast_in_dim3A_808, %while3A_794 : vector<400x1xf32>
      %select_n3A_817 = arith.select %lt3A, %broadcast_in_dim3A_808, %while3A_794 : vector<400x1xi1>, vector<400x1xf32>
      %select_n3A_818 = arith.select %lt3A, %broadcast_in_dim3A_816, %while3A_795 : vector<400x1xi1>, vector<400x1xi32>
      scf.yield %select_n3A_817, %select_n3A_818 : vector<400x1xf32>, vector<400x1xi32>
    }
    %while3A_712 = arith.constant 1 : i32
    %while3A_713:2 = scf.for %while3A_793 = %while3A_709 to %while3A_705 step %while3A_712 iter_args(%while3A_794 = %while3A_711#0, %while3A_795 = %while3A_711#1) -> (vector<400x1xf32>, vector<400x1xi32>)  : i32 {
      %mul3A_796 = arith.constant 1024 : i32
      %mul3A_797 = arith.muli %while3A_793, %mul3A_796 : i32
      %multiple_of3A = tpu.assume_multiple %mul3A_797, 1024 : i32
      %mul3A_798 = arith.constant 1024 : i32
      %mul3A_799 = arith.muli %while3A_793, %mul3A_798 : i32
      %add3A_800 = vector.broadcast %mul3A_799 : i32 to vector<1x1024xi32>
      %add3A_801 = arith.addi %iota3A, %add3A_800 : vector<1x1024xi32>
      %get3A_802 = arith.constant 0 : index
      %get3A_803 = arith.index_cast %multiple_of3A : i32 to index
      %get3A_804 = vector.load %arg8[%get3A_802, %get3A_803] : memref<400x10240xf32, #tpu.memory_space<vmem>>, vector<400x1024xf32>
      %gt3A = vector.broadcast %while3A_689#0 : vector<400x1xf32> to vector<400x1024xf32>
      %gt3A_805 = arith.cmpf ogt, %get3A_804, %gt3A : vector<400x1024xf32>
      %broadcast_in_dim3A_806 = vector.broadcast %while3A_701 : f32 to vector<400x1024xf32>
      %select_n3A = arith.select %gt3A_805, %get3A_804, %broadcast_in_dim3A_806 : vector<400x1024xi1>, vector<400x1024xf32>
      %reduce_min3A = arith.constant dense<0x7F800000> : vector<400xf32>
      %reduce_min3A_807 = vector.multi_reduction <minimumf>, %select_n3A, %reduce_min3A [1] : vector<400x1024xf32> to vector<400xf32>
      %broadcast_in_dim3A_808 = vector.shape_cast %reduce_min3A_807 : vector<400xf32> to vector<400x1xf32>
      %eq3A = vector.broadcast %broadcast_in_dim3A_808 : vector<400x1xf32> to vector<400x1024xf32>
      %eq3A_809 = arith.cmpf oeq, %select_n3A, %eq3A : vector<400x1024xf32>
      %broadcast_in_dim3A_810 = vector.shape_cast %add3A_801 : vector<1x1024xi32> to vector<1x1024xi32>
      %broadcast_in_dim3A_811 = vector.broadcast %broadcast_in_dim3A_810 : vector<1x1024xi32> to vector<400x1024xi32>
      %broadcast_in_dim3A_812 = vector.broadcast %while3A_702 : i32 to vector<400x1024xi32>
      %select_n3A_813 = arith.select %eq3A_809, %broadcast_in_dim3A_811, %broadcast_in_dim3A_812 : vector<400x1024xi1>, vector<400x1024xi32>
      %reduce_min3A_814 = arith.constant dense<2147483647> : vector<400xi32>
      %reduce_min3A_815 = vector.multi_reduction <minsi>, %select_n3A_813, %reduce_min3A_814 [1] : vector<400x1024xi32> to vector<400xi32>
      %broadcast_in_dim3A_816 = vector.shape_cast %reduce_min3A_815 : vector<400xi32> to vector<400x1xi32>
      %lt3A = arith.cmpf olt, %broadcast_in_dim3A_808, %while3A_794 : vector<400x1xf32>
      %select_n3A_817 = arith.select %lt3A, %broadcast_in_dim3A_808, %while3A_794 : vector<400x1xi1>, vector<400x1xf32>
      %select_n3A_818 = arith.select %lt3A, %broadcast_in_dim3A_816, %while3A_795 : vector<400x1xi1>, vector<400x1xi32>
      scf.yield %select_n3A_817, %select_n3A_818 : vector<400x1xf32>, vector<400x1xi32>
    }
    %mul3A_714 = arith.constant 1024 : i32
    %mul3A_715 = arith.muli %get3A_0, %mul3A_714 : i32
    %add3A_716 = vector.broadcast %mul3A_715 : i32 to vector<400x1xi32>
    %add3A_717 = arith.addi %while3A_713#1, %add3A_716 : vector<400x1xi32>
    %swap3A_718 = arith.constant 0 : index
    %swap3A_719 = arith.constant 28 : index
    %swap3A_720 = vector.load %arg7[%swap3A_718, %swap3A_719] : memref<400x32xi32, #tpu.memory_space<vmem>>, vector<400x1xi32>
    tpu.vector_store %arg7[%swap3A_718, %swap3A_719], %add3A_717 {strides = array<i32>} : memref<400x32xi32, #tpu.memory_space<vmem>>, vector<400x1xi32>,
    %broadcast_in_dim3A_721 = arith.constant 0x7F800000 : f32
    %broadcast_in_dim3A_722 = vector.broadcast %broadcast_in_dim3A_721 : f32 to vector<400x1xf32>
    %broadcast_in_dim3A_723 = arith.constant 0 : i32
    %broadcast_in_dim3A_724 = vector.broadcast %broadcast_in_dim3A_723 : i32 to vector<400x1xi32>
    %while3A_725 = arith.constant 0x7F800000 : f32
    %while3A_726 = arith.constant 1073741824 : i32
    %while3A_727 = arith.constant 0 : i32
    %while3A_728 = arith.subi %get3A_2, %while3A_727 : i32
    %while3A_729 = arith.addi %while3A_727, %while3A_728 : i32
    %while3A_730 = arith.constant 1 : i32
    %while3A_731 = arith.divsi %while3A_728, %while3A_730 : i32
    %while3A_732 = arith.muli %while3A_731, %while3A_730 : i32
    %while3A_733 = arith.addi %while3A_727, %while3A_732 : i32
    %while3A_734 = arith.constant 1 : i32
    %while3A_735:2 = scf.for %while3A_793 = %while3A_727 to %while3A_733 step %while3A_734 iter_args(%while3A_794 = %broadcast_in_dim3A_722, %while3A_795 = %broadcast_in_dim3A_724) -> (vector<400x1xf32>, vector<400x1xi32>)  : i32 {
      %mul3A_796 = arith.constant 1024 : i32
      %mul3A_797 = arith.muli %while3A_793, %mul3A_796 : i32
      %multiple_of3A = tpu.assume_multiple %mul3A_797, 1024 : i32
      %mul3A_798 = arith.constant 1024 : i32
      %mul3A_799 = arith.muli %while3A_793, %mul3A_798 : i32
      %add3A_800 = vector.broadcast %mul3A_799 : i32 to vector<1x1024xi32>
      %add3A_801 = arith.addi %iota3A, %add3A_800 : vector<1x1024xi32>
      %get3A_802 = arith.constant 0 : index
      %get3A_803 = arith.index_cast %multiple_of3A : i32 to index
      %get3A_804 = vector.load %arg8[%get3A_802, %get3A_803] : memref<400x10240xf32, #tpu.memory_space<vmem>>, vector<400x1024xf32>
      %gt3A = vector.broadcast %while3A_713#0 : vector<400x1xf32> to vector<400x1024xf32>
      %gt3A_805 = arith.cmpf ogt, %get3A_804, %gt3A : vector<400x1024xf32>
      %broadcast_in_dim3A_806 = vector.broadcast %while3A_725 : f32 to vector<400x1024xf32>
      %select_n3A = arith.select %gt3A_805, %get3A_804, %broadcast_in_dim3A_806 : vector<400x1024xi1>, vector<400x1024xf32>
      %reduce_min3A = arith.constant dense<0x7F800000> : vector<400xf32>
      %reduce_min3A_807 = vector.multi_reduction <minimumf>, %select_n3A, %reduce_min3A [1] : vector<400x1024xf32> to vector<400xf32>
      %broadcast_in_dim3A_808 = vector.shape_cast %reduce_min3A_807 : vector<400xf32> to vector<400x1xf32>
      %eq3A = vector.broadcast %broadcast_in_dim3A_808 : vector<400x1xf32> to vector<400x1024xf32>
      %eq3A_809 = arith.cmpf oeq, %select_n3A, %eq3A : vector<400x1024xf32>
      %broadcast_in_dim3A_810 = vector.shape_cast %add3A_801 : vector<1x1024xi32> to vector<1x1024xi32>
      %broadcast_in_dim3A_811 = vector.broadcast %broadcast_in_dim3A_810 : vector<1x1024xi32> to vector<400x1024xi32>
      %broadcast_in_dim3A_812 = vector.broadcast %while3A_726 : i32 to vector<400x1024xi32>
      %select_n3A_813 = arith.select %eq3A_809, %broadcast_in_dim3A_811, %broadcast_in_dim3A_812 : vector<400x1024xi1>, vector<400x1024xi32>
      %reduce_min3A_814 = arith.constant dense<2147483647> : vector<400xi32>
      %reduce_min3A_815 = vector.multi_reduction <minsi>, %select_n3A_813, %reduce_min3A_814 [1] : vector<400x1024xi32> to vector<400xi32>
      %broadcast_in_dim3A_816 = vector.shape_cast %reduce_min3A_815 : vector<400xi32> to vector<400x1xi32>
      %lt3A = arith.cmpf olt, %broadcast_in_dim3A_808, %while3A_794 : vector<400x1xf32>
      %select_n3A_817 = arith.select %lt3A, %broadcast_in_dim3A_808, %while3A_794 : vector<400x1xi1>, vector<400x1xf32>
      %select_n3A_818 = arith.select %lt3A, %broadcast_in_dim3A_816, %while3A_795 : vector<400x1xi1>, vector<400x1xi32>
      scf.yield %select_n3A_817, %select_n3A_818 : vector<400x1xf32>, vector<400x1xi32>
    }
    %while3A_736 = arith.constant 1 : i32
    %while3A_737:2 = scf.for %while3A_793 = %while3A_733 to %while3A_729 step %while3A_736 iter_args(%while3A_794 = %while3A_735#0, %while3A_795 = %while3A_735#1) -> (vector<400x1xf32>, vector<400x1xi32>)  : i32 {
      %mul3A_796 = arith.constant 1024 : i32
      %mul3A_797 = arith.muli %while3A_793, %mul3A_796 : i32
      %multiple_of3A = tpu.assume_multiple %mul3A_797, 1024 : i32
      %mul3A_798 = arith.constant 1024 : i32
      %mul3A_799 = arith.muli %while3A_793, %mul3A_798 : i32
      %add3A_800 = vector.broadcast %mul3A_799 : i32 to vector<1x1024xi32>
      %add3A_801 = arith.addi %iota3A, %add3A_800 : vector<1x1024xi32>
      %get3A_802 = arith.constant 0 : index
      %get3A_803 = arith.index_cast %multiple_of3A : i32 to index
      %get3A_804 = vector.load %arg8[%get3A_802, %get3A_803] : memref<400x10240xf32, #tpu.memory_space<vmem>>, vector<400x1024xf32>
      %gt3A = vector.broadcast %while3A_713#0 : vector<400x1xf32> to vector<400x1024xf32>
      %gt3A_805 = arith.cmpf ogt, %get3A_804, %gt3A : vector<400x1024xf32>
      %broadcast_in_dim3A_806 = vector.broadcast %while3A_725 : f32 to vector<400x1024xf32>
      %select_n3A = arith.select %gt3A_805, %get3A_804, %broadcast_in_dim3A_806 : vector<400x1024xi1>, vector<400x1024xf32>
      %reduce_min3A = arith.constant dense<0x7F800000> : vector<400xf32>
      %reduce_min3A_807 = vector.multi_reduction <minimumf>, %select_n3A, %reduce_min3A [1] : vector<400x1024xf32> to vector<400xf32>
      %broadcast_in_dim3A_808 = vector.shape_cast %reduce_min3A_807 : vector<400xf32> to vector<400x1xf32>
      %eq3A = vector.broadcast %broadcast_in_dim3A_808 : vector<400x1xf32> to vector<400x1024xf32>
      %eq3A_809 = arith.cmpf oeq, %select_n3A, %eq3A : vector<400x1024xf32>
      %broadcast_in_dim3A_810 = vector.shape_cast %add3A_801 : vector<1x1024xi32> to vector<1x1024xi32>
      %broadcast_in_dim3A_811 = vector.broadcast %broadcast_in_dim3A_810 : vector<1x1024xi32> to vector<400x1024xi32>
      %broadcast_in_dim3A_812 = vector.broadcast %while3A_726 : i32 to vector<400x1024xi32>
      %select_n3A_813 = arith.select %eq3A_809, %broadcast_in_dim3A_811, %broadcast_in_dim3A_812 : vector<400x1024xi1>, vector<400x1024xi32>
      %reduce_min3A_814 = arith.constant dense<2147483647> : vector<400xi32>
      %reduce_min3A_815 = vector.multi_reduction <minsi>, %select_n3A_813, %reduce_min3A_814 [1] : vector<400x1024xi32> to vector<400xi32>
      %broadcast_in_dim3A_816 = vector.shape_cast %reduce_min3A_815 : vector<400xi32> to vector<400x1xi32>
      %lt3A = arith.cmpf olt, %broadcast_in_dim3A_808, %while3A_794 : vector<400x1xf32>
      %select_n3A_817 = arith.select %lt3A, %broadcast_in_dim3A_808, %while3A_794 : vector<400x1xi1>, vector<400x1xf32>
      %select_n3A_818 = arith.select %lt3A, %broadcast_in_dim3A_816, %while3A_795 : vector<400x1xi1>, vector<400x1xi32>
      scf.yield %select_n3A_817, %select_n3A_818 : vector<400x1xf32>, vector<400x1xi32>
    }
    %mul3A_738 = arith.constant 1024 : i32
    %mul3A_739 = arith.muli %get3A_0, %mul3A_738 : i32
    %add3A_740 = vector.broadcast %mul3A_739 : i32 to vector<400x1xi32>
    %add3A_741 = arith.addi %while3A_737#1, %add3A_740 : vector<400x1xi32>
    %swap3A_742 = arith.constant 0 : index
    %swap3A_743 = arith.constant 29 : index
    %swap3A_744 = vector.load %arg7[%swap3A_742, %swap3A_743] : memref<400x32xi32, #tpu.memory_space<vmem>>, vector<400x1xi32>
    tpu.vector_store %arg7[%swap3A_742, %swap3A_743], %add3A_741 {strides = array<i32>} : memref<400x32xi32, #tpu.memory_space<vmem>>, vector<400x1xi32>,
    %broadcast_in_dim3A_745 = arith.constant 0x7F800000 : f32
    %broadcast_in_dim3A_746 = vector.broadcast %broadcast_in_dim3A_745 : f32 to vector<400x1xf32>
    %broadcast_in_dim3A_747 = arith.constant 0 : i32
    %broadcast_in_dim3A_748 = vector.broadcast %broadcast_in_dim3A_747 : i32 to vector<400x1xi32>
    %while3A_749 = arith.constant 0x7F800000 : f32
    %while3A_750 = arith.constant 1073741824 : i32
    %while3A_751 = arith.constant 0 : i32
    %while3A_752 = arith.subi %get3A_2, %while3A_751 : i32
    %while3A_753 = arith.addi %while3A_751, %while3A_752 : i32
    %while3A_754 = arith.constant 1 : i32
    %while3A_755 = arith.divsi %while3A_752, %while3A_754 : i32
    %while3A_756 = arith.muli %while3A_755, %while3A_754 : i32
    %while3A_757 = arith.addi %while3A_751, %while3A_756 : i32
    %while3A_758 = arith.constant 1 : i32
    %while3A_759:2 = scf.for %while3A_793 = %while3A_751 to %while3A_757 step %while3A_758 iter_args(%while3A_794 = %broadcast_in_dim3A_746, %while3A_795 = %broadcast_in_dim3A_748) -> (vector<400x1xf32>, vector<400x1xi32>)  : i32 {
      %mul3A_796 = arith.constant 1024 : i32
      %mul3A_797 = arith.muli %while3A_793, %mul3A_796 : i32
      %multiple_of3A = tpu.assume_multiple %mul3A_797, 1024 : i32
      %mul3A_798 = arith.constant 1024 : i32
      %mul3A_799 = arith.muli %while3A_793, %mul3A_798 : i32
      %add3A_800 = vector.broadcast %mul3A_799 : i32 to vector<1x1024xi32>
      %add3A_801 = arith.addi %iota3A, %add3A_800 : vector<1x1024xi32>
      %get3A_802 = arith.constant 0 : index
      %get3A_803 = arith.index_cast %multiple_of3A : i32 to index
      %get3A_804 = vector.load %arg8[%get3A_802, %get3A_803] : memref<400x10240xf32, #tpu.memory_space<vmem>>, vector<400x1024xf32>
      %gt3A = vector.broadcast %while3A_737#0 : vector<400x1xf32> to vector<400x1024xf32>
      %gt3A_805 = arith.cmpf ogt, %get3A_804, %gt3A : vector<400x1024xf32>
      %broadcast_in_dim3A_806 = vector.broadcast %while3A_749 : f32 to vector<400x1024xf32>
      %select_n3A = arith.select %gt3A_805, %get3A_804, %broadcast_in_dim3A_806 : vector<400x1024xi1>, vector<400x1024xf32>
      %reduce_min3A = arith.constant dense<0x7F800000> : vector<400xf32>
      %reduce_min3A_807 = vector.multi_reduction <minimumf>, %select_n3A, %reduce_min3A [1] : vector<400x1024xf32> to vector<400xf32>
      %broadcast_in_dim3A_808 = vector.shape_cast %reduce_min3A_807 : vector<400xf32> to vector<400x1xf32>
      %eq3A = vector.broadcast %broadcast_in_dim3A_808 : vector<400x1xf32> to vector<400x1024xf32>
      %eq3A_809 = arith.cmpf oeq, %select_n3A, %eq3A : vector<400x1024xf32>
      %broadcast_in_dim3A_810 = vector.shape_cast %add3A_801 : vector<1x1024xi32> to vector<1x1024xi32>
      %broadcast_in_dim3A_811 = vector.broadcast %broadcast_in_dim3A_810 : vector<1x1024xi32> to vector<400x1024xi32>
      %broadcast_in_dim3A_812 = vector.broadcast %while3A_750 : i32 to vector<400x1024xi32>
      %select_n3A_813 = arith.select %eq3A_809, %broadcast_in_dim3A_811, %broadcast_in_dim3A_812 : vector<400x1024xi1>, vector<400x1024xi32>
      %reduce_min3A_814 = arith.constant dense<2147483647> : vector<400xi32>
      %reduce_min3A_815 = vector.multi_reduction <minsi>, %select_n3A_813, %reduce_min3A_814 [1] : vector<400x1024xi32> to vector<400xi32>
      %broadcast_in_dim3A_816 = vector.shape_cast %reduce_min3A_815 : vector<400xi32> to vector<400x1xi32>
      %lt3A = arith.cmpf olt, %broadcast_in_dim3A_808, %while3A_794 : vector<400x1xf32>
      %select_n3A_817 = arith.select %lt3A, %broadcast_in_dim3A_808, %while3A_794 : vector<400x1xi1>, vector<400x1xf32>
      %select_n3A_818 = arith.select %lt3A, %broadcast_in_dim3A_816, %while3A_795 : vector<400x1xi1>, vector<400x1xi32>
      scf.yield %select_n3A_817, %select_n3A_818 : vector<400x1xf32>, vector<400x1xi32>
    }
    %while3A_760 = arith.constant 1 : i32
    %while3A_761:2 = scf.for %while3A_793 = %while3A_757 to %while3A_753 step %while3A_760 iter_args(%while3A_794 = %while3A_759#0, %while3A_795 = %while3A_759#1) -> (vector<400x1xf32>, vector<400x1xi32>)  : i32 {
      %mul3A_796 = arith.constant 1024 : i32
      %mul3A_797 = arith.muli %while3A_793, %mul3A_796 : i32
      %multiple_of3A = tpu.assume_multiple %mul3A_797, 1024 : i32
      %mul3A_798 = arith.constant 1024 : i32
      %mul3A_799 = arith.muli %while3A_793, %mul3A_798 : i32
      %add3A_800 = vector.broadcast %mul3A_799 : i32 to vector<1x1024xi32>
      %add3A_801 = arith.addi %iota3A, %add3A_800 : vector<1x1024xi32>
      %get3A_802 = arith.constant 0 : index
      %get3A_803 = arith.index_cast %multiple_of3A : i32 to index
      %get3A_804 = vector.load %arg8[%get3A_802, %get3A_803] : memref<400x10240xf32, #tpu.memory_space<vmem>>, vector<400x1024xf32>
      %gt3A = vector.broadcast %while3A_737#0 : vector<400x1xf32> to vector<400x1024xf32>
      %gt3A_805 = arith.cmpf ogt, %get3A_804, %gt3A : vector<400x1024xf32>
      %broadcast_in_dim3A_806 = vector.broadcast %while3A_749 : f32 to vector<400x1024xf32>
      %select_n3A = arith.select %gt3A_805, %get3A_804, %broadcast_in_dim3A_806 : vector<400x1024xi1>, vector<400x1024xf32>
      %reduce_min3A = arith.constant dense<0x7F800000> : vector<400xf32>
      %reduce_min3A_807 = vector.multi_reduction <minimumf>, %select_n3A, %reduce_min3A [1] : vector<400x1024xf32> to vector<400xf32>
      %broadcast_in_dim3A_808 = vector.shape_cast %reduce_min3A_807 : vector<400xf32> to vector<400x1xf32>
      %eq3A = vector.broadcast %broadcast_in_dim3A_808 : vector<400x1xf32> to vector<400x1024xf32>
      %eq3A_809 = arith.cmpf oeq, %select_n3A, %eq3A : vector<400x1024xf32>
      %broadcast_in_dim3A_810 = vector.shape_cast %add3A_801 : vector<1x1024xi32> to vector<1x1024xi32>
      %broadcast_in_dim3A_811 = vector.broadcast %broadcast_in_dim3A_810 : vector<1x1024xi32> to vector<400x1024xi32>
      %broadcast_in_dim3A_812 = vector.broadcast %while3A_750 : i32 to vector<400x1024xi32>
      %select_n3A_813 = arith.select %eq3A_809, %broadcast_in_dim3A_811, %broadcast_in_dim3A_812 : vector<400x1024xi1>, vector<400x1024xi32>
      %reduce_min3A_814 = arith.constant dense<2147483647> : vector<400xi32>
      %reduce_min3A_815 = vector.multi_reduction <minsi>, %select_n3A_813, %reduce_min3A_814 [1] : vector<400x1024xi32> to vector<400xi32>
      %broadcast_in_dim3A_816 = vector.shape_cast %reduce_min3A_815 : vector<400xi32> to vector<400x1xi32>
      %lt3A = arith.cmpf olt, %broadcast_in_dim3A_808, %while3A_794 : vector<400x1xf32>
      %select_n3A_817 = arith.select %lt3A, %broadcast_in_dim3A_808, %while3A_794 : vector<400x1xi1>, vector<400x1xf32>
      %select_n3A_818 = arith.select %lt3A, %broadcast_in_dim3A_816, %while3A_795 : vector<400x1xi1>, vector<400x1xi32>
      scf.yield %select_n3A_817, %select_n3A_818 : vector<400x1xf32>, vector<400x1xi32>
    }
    %mul3A_762 = arith.constant 1024 : i32
    %mul3A_763 = arith.muli %get3A_0, %mul3A_762 : i32
    %add3A_764 = vector.broadcast %mul3A_763 : i32 to vector<400x1xi32>
    %add3A_765 = arith.addi %while3A_761#1, %add3A_764 : vector<400x1xi32>
    %swap3A_766 = arith.constant 0 : index
    %swap3A_767 = arith.constant 30 : index
    %swap3A_768 = vector.load %arg7[%swap3A_766, %swap3A_767] : memref<400x32xi32, #tpu.memory_space<vmem>>, vector<400x1xi32>
    tpu.vector_store %arg7[%swap3A_766, %swap3A_767], %add3A_765 {strides = array<i32>} : memref<400x32xi32, #tpu.memory_space<vmem>>, vector<400x1xi32>,
    %broadcast_in_dim3A_769 = arith.constant 0x7F800000 : f32
    %broadcast_in_dim3A_770 = vector.broadcast %broadcast_in_dim3A_769 : f32 to vector<400x1xf32>
    %broadcast_in_dim3A_771 = arith.constant 0 : i32
    %broadcast_in_dim3A_772 = vector.broadcast %broadcast_in_dim3A_771 : i32 to vector<400x1xi32>
    %while3A_773 = arith.constant 0x7F800000 : f32
    %while3A_774 = arith.constant 1073741824 : i32
    %while3A_775 = arith.constant 0 : i32
    %while3A_776 = arith.subi %get3A_2, %while3A_775 : i32
    %while3A_777 = arith.addi %while3A_775, %while3A_776 : i32
    %while3A_778 = arith.constant 1 : i32
    %while3A_779 = arith.divsi %while3A_776, %while3A_778 : i32
    %while3A_780 = arith.muli %while3A_779, %while3A_778 : i32
    %while3A_781 = arith.addi %while3A_775, %while3A_780 : i32
    %while3A_782 = arith.constant 1 : i32
    %while3A_783:2 = scf.for %while3A_793 = %while3A_775 to %while3A_781 step %while3A_782 iter_args(%while3A_794 = %broadcast_in_dim3A_770, %while3A_795 = %broadcast_in_dim3A_772) -> (vector<400x1xf32>, vector<400x1xi32>)  : i32 {
      %mul3A_796 = arith.constant 1024 : i32
      %mul3A_797 = arith.muli %while3A_793, %mul3A_796 : i32
      %multiple_of3A = tpu.assume_multiple %mul3A_797, 1024 : i32
      %mul3A_798 = arith.constant 1024 : i32
      %mul3A_799 = arith.muli %while3A_793, %mul3A_798 : i32
      %add3A_800 = vector.broadcast %mul3A_799 : i32 to vector<1x1024xi32>
      %add3A_801 = arith.addi %iota3A, %add3A_800 : vector<1x1024xi32>
      %get3A_802 = arith.constant 0 : index
      %get3A_803 = arith.index_cast %multiple_of3A : i32 to index
      %get3A_804 = vector.load %arg8[%get3A_802, %get3A_803] : memref<400x10240xf32, #tpu.memory_space<vmem>>, vector<400x1024xf32>
      %gt3A = vector.broadcast %while3A_761#0 : vector<400x1xf32> to vector<400x1024xf32>
      %gt3A_805 = arith.cmpf ogt, %get3A_804, %gt3A : vector<400x1024xf32>
      %broadcast_in_dim3A_806 = vector.broadcast %while3A_773 : f32 to vector<400x1024xf32>
      %select_n3A = arith.select %gt3A_805, %get3A_804, %broadcast_in_dim3A_806 : vector<400x1024xi1>, vector<400x1024xf32>
      %reduce_min3A = arith.constant dense<0x7F800000> : vector<400xf32>
      %reduce_min3A_807 = vector.multi_reduction <minimumf>, %select_n3A, %reduce_min3A [1] : vector<400x1024xf32> to vector<400xf32>
      %broadcast_in_dim3A_808 = vector.shape_cast %reduce_min3A_807 : vector<400xf32> to vector<400x1xf32>
      %eq3A = vector.broadcast %broadcast_in_dim3A_808 : vector<400x1xf32> to vector<400x1024xf32>
      %eq3A_809 = arith.cmpf oeq, %select_n3A, %eq3A : vector<400x1024xf32>
      %broadcast_in_dim3A_810 = vector.shape_cast %add3A_801 : vector<1x1024xi32> to vector<1x1024xi32>
      %broadcast_in_dim3A_811 = vector.broadcast %broadcast_in_dim3A_810 : vector<1x1024xi32> to vector<400x1024xi32>
      %broadcast_in_dim3A_812 = vector.broadcast %while3A_774 : i32 to vector<400x1024xi32>
      %select_n3A_813 = arith.select %eq3A_809, %broadcast_in_dim3A_811, %broadcast_in_dim3A_812 : vector<400x1024xi1>, vector<400x1024xi32>
      %reduce_min3A_814 = arith.constant dense<2147483647> : vector<400xi32>
      %reduce_min3A_815 = vector.multi_reduction <minsi>, %select_n3A_813, %reduce_min3A_814 [1] : vector<400x1024xi32> to vector<400xi32>
      %broadcast_in_dim3A_816 = vector.shape_cast %reduce_min3A_815 : vector<400xi32> to vector<400x1xi32>
      %lt3A = arith.cmpf olt, %broadcast_in_dim3A_808, %while3A_794 : vector<400x1xf32>
      %select_n3A_817 = arith.select %lt3A, %broadcast_in_dim3A_808, %while3A_794 : vector<400x1xi1>, vector<400x1xf32>
      %select_n3A_818 = arith.select %lt3A, %broadcast_in_dim3A_816, %while3A_795 : vector<400x1xi1>, vector<400x1xi32>
      scf.yield %select_n3A_817, %select_n3A_818 : vector<400x1xf32>, vector<400x1xi32>
    }
    %while3A_784 = arith.constant 1 : i32
    %while3A_785:2 = scf.for %while3A_793 = %while3A_781 to %while3A_777 step %while3A_784 iter_args(%while3A_794 = %while3A_783#0, %while3A_795 = %while3A_783#1) -> (vector<400x1xf32>, vector<400x1xi32>)  : i32 {
      %mul3A_796 = arith.constant 1024 : i32
      %mul3A_797 = arith.muli %while3A_793, %mul3A_796 : i32
      %multiple_of3A = tpu.assume_multiple %mul3A_797, 1024 : i32
      %mul3A_798 = arith.constant 1024 : i32
      %mul3A_799 = arith.muli %while3A_793, %mul3A_798 : i32
      %add3A_800 = vector.broadcast %mul3A_799 : i32 to vector<1x1024xi32>
      %add3A_801 = arith.addi %iota3A, %add3A_800 : vector<1x1024xi32>
      %get3A_802 = arith.constant 0 : index
      %get3A_803 = arith.index_cast %multiple_of3A : i32 to index
      %get3A_804 = vector.load %arg8[%get3A_802, %get3A_803] : memref<400x10240xf32, #tpu.memory_space<vmem>>, vector<400x1024xf32>
      %gt3A = vector.broadcast %while3A_761#0 : vector<400x1xf32> to vector<400x1024xf32>
      %gt3A_805 = arith.cmpf ogt, %get3A_804, %gt3A : vector<400x1024xf32>
      %broadcast_in_dim3A_806 = vector.broadcast %while3A_773 : f32 to vector<400x1024xf32>
      %select_n3A = arith.select %gt3A_805, %get3A_804, %broadcast_in_dim3A_806 : vector<400x1024xi1>, vector<400x1024xf32>
      %reduce_min3A = arith.constant dense<0x7F800000> : vector<400xf32>
      %reduce_min3A_807 = vector.multi_reduction <minimumf>, %select_n3A, %reduce_min3A [1] : vector<400x1024xf32> to vector<400xf32>
      %broadcast_in_dim3A_808 = vector.shape_cast %reduce_min3A_807 : vector<400xf32> to vector<400x1xf32>
      %eq3A = vector.broadcast %broadcast_in_dim3A_808 : vector<400x1xf32> to vector<400x1024xf32>
      %eq3A_809 = arith.cmpf oeq, %select_n3A, %eq3A : vector<400x1024xf32>
      %broadcast_in_dim3A_810 = vector.shape_cast %add3A_801 : vector<1x1024xi32> to vector<1x1024xi32>
      %broadcast_in_dim3A_811 = vector.broadcast %broadcast_in_dim3A_810 : vector<1x1024xi32> to vector<400x1024xi32>
      %broadcast_in_dim3A_812 = vector.broadcast %while3A_774 : i32 to vector<400x1024xi32>
      %select_n3A_813 = arith.select %eq3A_809, %broadcast_in_dim3A_811, %broadcast_in_dim3A_812 : vector<400x1024xi1>, vector<400x1024xi32>
      %reduce_min3A_814 = arith.constant dense<2147483647> : vector<400xi32>
      %reduce_min3A_815 = vector.multi_reduction <minsi>, %select_n3A_813, %reduce_min3A_814 [1] : vector<400x1024xi32> to vector<400xi32>
      %broadcast_in_dim3A_816 = vector.shape_cast %reduce_min3A_815 : vector<400xi32> to vector<400x1xi32>
      %lt3A = arith.cmpf olt, %broadcast_in_dim3A_808, %while3A_794 : vector<400x1xf32>
      %select_n3A_817 = arith.select %lt3A, %broadcast_in_dim3A_808, %while3A_794 : vector<400x1xi1>, vector<400x1xf32>
      %select_n3A_818 = arith.select %lt3A, %broadcast_in_dim3A_816, %while3A_795 : vector<400x1xi1>, vector<400x1xi32>
      scf.yield %select_n3A_817, %select_n3A_818 : vector<400x1xf32>, vector<400x1xi32>
    }
    %mul3A_786 = arith.constant 1024 : i32
    %mul3A_787 = arith.muli %get3A_0, %mul3A_786 : i32
    %add3A_788 = vector.broadcast %mul3A_787 : i32 to vector<400x1xi32>
    %add3A_789 = arith.addi %while3A_785#1, %add3A_788 : vector<400x1xi32>
    %swap3A_790 = arith.constant 0 : index
    %swap3A_791 = arith.constant 31 : index
    %swap3A_792 = vector.load %arg7[%swap3A_790, %swap3A_791] : memref<400x32xi32, #tpu.memory_space<vmem>>, vector<400x1xi32>
    tpu.vector_store %arg7[%swap3A_790, %swap3A_791], %add3A_789 {strides = array<i32>} : memref<400x32xi32, #tpu.memory_space<vmem>>, vector<400x1xi32>,
    return
  }
  func.func @transform_0(%arg0: i32, %arg1: memref<25xi32, #tpu.memory_space<smem>>, %arg2: memref<25xi32, #tpu.memory_space<smem>>) -> (i32, i32) {
    %c0_i32 = arith.constant 0 : i32
    %c0_i32_0 = arith.constant 0 : i32
    return %arg0, %c0_i32 : i32, i32
  }
  func.func @transform_1(%arg0: i32, %arg1: memref<25xi32, #tpu.memory_space<smem>>, %arg2: memref<25xi32, #tpu.memory_space<smem>>) -> (i32, i32) {
    %c0_i32 = arith.constant 0 : i32
    %c0_i32_0 = arith.constant 0 : i32
    return %arg0, %c0_i32 : i32, i32
  }
  func.func @transform_2(%arg0: i32, %arg1: memref<25xi32, #tpu.memory_space<smem>>, %arg2: memref<25xi32, #tpu.memory_space<smem>>) -> (i32, i32) {
    %c0_i32 = arith.constant 0 : i32
    %c0_i32_0 = arith.constant 0 : i32
    %c0_i32_1 = arith.constant 0 : i32
    return %c0_i32, %c0_i32_0 : i32, i32
  }
  func.func @transform_3(%arg0: i32, %arg1: memref<25xi32, #tpu.memory_space<smem>>, %arg2: memref<25xi32, #tpu.memory_space<smem>>) -> (i32, i32) {
    %c0_i32 = arith.constant 0 : i32
    %c0_i32_0 = arith.constant 0 : i32
    %c0_i32_1 = arith.constant 0 : i32
    return %c0_i32, %c0_i32_0 : i32, i32
  }
  func.func @transform_4(%arg0: i32, %arg1: memref<25xi32, #tpu.memory_space<smem>>, %arg2: memref<25xi32, #tpu.memory_space<smem>>) -> (i32, i32) {
    %c0_i32 = arith.constant 0 : i32
    %c0_i32_0 = arith.constant 0 : i32
    return %arg0, %c0_i32 : i32, i32
  }
}

module attributes {stable_mosaic.version = 14 : i64} {
  func.func @_proj_body(%arg0: memref<10000x3xf32, #tpu.memory_space<vmem>>, %arg1: memref<10000x128xf32, #tpu.memory_space<vmem>>, %arg2: memref<3x128xf32, #tpu.memory_space<vmem>>, %arg3: memref<128x128xf32, #tpu.memory_space<vmem>>, %arg4: memref<1x128xf32, #tpu.memory_space<vmem>>, %arg5: memref<10000x128xf32, #tpu.memory_space<vmem>>, %arg6: memref<10000x128xf32, #tpu.memory_space<vmem>>) attributes {dimension_semantics = [], scalar_prefetch = 0 : i64, scratch_operands = 0 : i64, tpu.core_type = #tpu.core_type<tc>} {
    %get3A = arith.constant 0 : index
    %get3A_0 = arith.constant 0 : index
    %get3A_1 = vector.load %arg0[%get3A, %get3A_0] : memref<10000x3xf32, #tpu.memory_space<vmem>>, vector<10000x3xf32>
    %slice3A = vector.extract_strided_slice %get3A_1 {offsets = [0, 0], sizes = [10000, 1], strides = [1, 1]} : vector<10000x3xf32> to vector<10000x1xf32>
    %get3A_2 = arith.constant 0 : index
    %get3A_3 = arith.constant 0 : index
    %get3A_4 = vector.load %arg2[%get3A_2, %get3A_3] : memref<3x128xf32, #tpu.memory_space<vmem>>, vector<1x128xf32>
    %mul3A = vector.broadcast %slice3A : vector<10000x1xf32> to vector<10000x128xf32>
    %mul3A_5 = vector.broadcast %get3A_4 : vector<1x128xf32> to vector<10000x128xf32>
    %mul3A_6 = arith.mulf %mul3A, %mul3A_5 : vector<10000x128xf32>
    %slice3A_7 = vector.extract_strided_slice %get3A_1 {offsets = [0, 1], sizes = [10000, 1], strides = [1, 1]} : vector<10000x3xf32> to vector<10000x1xf32>
    %get3A_8 = arith.constant 1 : index
    %get3A_9 = arith.constant 0 : index
    %get3A_10 = vector.load %arg2[%get3A_8, %get3A_9] : memref<3x128xf32, #tpu.memory_space<vmem>>, vector<1x128xf32>
    %mul3A_11 = vector.broadcast %slice3A_7 : vector<10000x1xf32> to vector<10000x128xf32>
    %mul3A_12 = vector.broadcast %get3A_10 : vector<1x128xf32> to vector<10000x128xf32>
    %mul3A_13 = arith.mulf %mul3A_11, %mul3A_12 : vector<10000x128xf32>
    %add3A = arith.addf %mul3A_6, %mul3A_13 : vector<10000x128xf32>
    %slice3A_14 = vector.extract_strided_slice %get3A_1 {offsets = [0, 2], sizes = [10000, 1], strides = [1, 1]} : vector<10000x3xf32> to vector<10000x1xf32>
    %get3A_15 = arith.constant 2 : index
    %get3A_16 = arith.constant 0 : index
    %get3A_17 = vector.load %arg2[%get3A_15, %get3A_16] : memref<3x128xf32, #tpu.memory_space<vmem>>, vector<1x128xf32>
    %mul3A_18 = vector.broadcast %slice3A_14 : vector<10000x1xf32> to vector<10000x128xf32>
    %mul3A_19 = vector.broadcast %get3A_17 : vector<1x128xf32> to vector<10000x128xf32>
    %mul3A_20 = arith.mulf %mul3A_18, %mul3A_19 : vector<10000x128xf32>
    %add3A_21 = arith.addf %add3A, %mul3A_20 : vector<10000x128xf32>
    %get3A_22 = arith.constant 0 : index
    %get3A_23 = arith.constant 0 : index
    %get3A_24 = vector.load %arg1[%get3A_22, %get3A_23] : memref<10000x128xf32, #tpu.memory_space<vmem>>, vector<10000x128xf32>
    %get3A_25 = arith.constant 0 : index
    %get3A_26 = arith.constant 0 : index
    %get3A_27 = vector.load %arg3[%get3A_25, %get3A_26] : memref<128x128xf32, #tpu.memory_space<vmem>>, vector<128x128xf32>
    %dot_general3A = arith.constant dense<0.000000e+00> : vector<10000x128xf32>
    %dot_general3A_28 = tpu.matmul %get3A_24, %get3A_27, %dot_general3A {dimension_numbers = #tpu.dot_dimension_numbers<[1], [0], [0], [1], [0, 0, 1, 1], [], []>, transpose_lhs_hint = false} : vector<10000x128xf32>, vector<128x128xf32>, vector<10000x128xf32> -> vector<10000x128xf32>
    %add3A_29 = arith.addf %add3A_21, %dot_general3A_28 : vector<10000x128xf32>
    %get3A_30 = arith.constant 0 : index
    %get3A_31 = arith.constant 0 : index
    %get3A_32 = vector.load %arg4[%get3A_30, %get3A_31] : memref<1x128xf32, #tpu.memory_space<vmem>>, vector<1x128xf32>
    %add3A_33 = vector.broadcast %get3A_32 : vector<1x128xf32> to vector<10000x128xf32>
    %add3A_34 = arith.addf %add3A_29, %add3A_33 : vector<10000x128xf32>
    %swap3A = arith.constant 0 : index
    %swap3A_35 = arith.constant 0 : index
    %swap3A_36 = vector.load %arg5[%swap3A, %swap3A_35] : memref<10000x128xf32, #tpu.memory_space<vmem>>, vector<10000x128xf32>
    tpu.vector_store %arg5[%swap3A, %swap3A_35], %add3A_34 {strides = array<i32>} : memref<10000x128xf32, #tpu.memory_space<vmem>>, vector<10000x128xf32>,
    %swap3A_37 = arith.constant 0 : index
    %swap3A_38 = arith.constant 0 : index
    %swap3A_39 = vector.load %arg6[%swap3A_37, %swap3A_38] : memref<10000x128xf32, #tpu.memory_space<vmem>>, vector<10000x128xf32>
    tpu.vector_store %arg6[%swap3A_37, %swap3A_38], %add3A_21 {strides = array<i32>} : memref<10000x128xf32, #tpu.memory_space<vmem>>, vector<10000x128xf32>,
    return
  }
}

module attributes {stable_mosaic.version = 14 : i64} {
  func.func @_stats1_body(%arg0: i32, %arg1: memref<6400x128xf32, #tpu.memory_space<vmem>>, %arg2: memref<200x128xf32, #tpu.memory_space<vmem>>, %arg3: memref<8x128xf32, #tpu.memory_space<vmem>>) attributes {dimension_semantics = [#tpu.dimension_semantics<arbitrary>], iteration_bounds = array<i64: 50>, scalar_prefetch = 0 : i64, scratch_operands = 0 : i64, tpu.core_type = #tpu.core_type<tc>, window_params = [{transform_indices = @transform_0, window_bounds = array<i64: 6400, 128>}, {transform_indices = @transform_1, window_bounds = array<i64: 200, 128>}, {pipeline_mode = #tpu.pipeline_mode<synchronous>, transform_indices = @transform_2, window_bounds = array<i64: 8, 128>}]} {
    %get3A = arith.constant 0 : index
    %get3A_0 = arith.constant 0 : index
    %get3A_1 = vector.load %arg1[%get3A, %get3A_0] : memref<6400x128xf32, #tpu.memory_space<vmem>>, vector<6400x128xf32>
    %reshape3A = vector.shape_cast %get3A_1 : vector<6400x128xf32> to vector<200x32x128xf32>
    %get3A_2 = arith.constant 0 : index
    %get3A_3 = arith.constant 0 : index
    %get3A_4 = vector.load %arg2[%get3A_2, %get3A_3] : memref<200x128xf32, #tpu.memory_space<vmem>>, vector<200x128xf32>
    %broadcast_in_dim3A = vector.shape_cast %get3A_4 : vector<200x128xf32> to vector<200x1x128xf32>
    %sub3A = vector.broadcast %broadcast_in_dim3A : vector<200x1x128xf32> to vector<200x32x128xf32>
    %sub3A_5 = arith.subf %reshape3A, %sub3A : vector<200x32x128xf32>
    %reduce_sum3A = arith.constant dense<0.000000e+00> : vector<128xf32>
    %reduce_sum3A_6 = vector.multi_reduction <add>, %sub3A_5, %reduce_sum3A [0, 1] : vector<200x32x128xf32> to vector<128xf32>
    %mul3A = arith.mulf %sub3A_5, %sub3A_5 : vector<200x32x128xf32>
    %reduce_sum3A_7 = arith.constant dense<0.000000e+00> : vector<128xf32>
    %reduce_sum3A_8 = vector.multi_reduction <add>, %mul3A, %reduce_sum3A_7 [0, 1] : vector<200x32x128xf32> to vector<128xf32>
    %broadcast_in_dim3A_9 = vector.shape_cast %reduce_sum3A_6 : vector<128xf32> to vector<1x128xf32>
    %broadcast_in_dim3A_10 = vector.shape_cast %reduce_sum3A_8 : vector<128xf32> to vector<1x128xf32>
    %broadcast_in_dim3A_11 = arith.constant 0.000000e+00 : f32
    %broadcast_in_dim3A_12 = vector.broadcast %broadcast_in_dim3A_11 : f32 to vector<6x128xf32>
    %concatenate3A = tpu.concatenate %broadcast_in_dim3A_9, %broadcast_in_dim3A_10, %broadcast_in_dim3A_12 in 0 : vector<1x128xf32>, vector<1x128xf32>, vector<6x128xf32> -> vector<8x128xf32>
    %eq3A = arith.constant 0 : i32
    %eq3A_13 = arith.cmpi eq, %arg0, %eq3A : i32
    %convert_element_type3A = arith.extui %eq3A_13 : i1 to i32
    %cond3A = arith.constant 0 : i32
    %cond3A_14 = arith.cmpi ne, %convert_element_type3A, %cond3A : i32
    scf.if %cond3A_14 {
      %broadcast_in_dim3A_20 = arith.constant 0.000000e+00 : f32
      %broadcast_in_dim3A_21 = vector.broadcast %broadcast_in_dim3A_20 : f32 to vector<8x128xf32>
      %swap3A_22 = arith.constant 0 : index
      %swap3A_23 = arith.constant 0 : index
      %swap3A_24 = vector.load %arg3[%swap3A_22, %swap3A_23] : memref<8x128xf32, #tpu.memory_space<vmem>>, vector<8x128xf32>
      tpu.vector_store %arg3[%swap3A_22, %swap3A_23], %broadcast_in_dim3A_21 {strides = array<i32>} : memref<8x128xf32, #tpu.memory_space<vmem>>, vector<8x128xf32>,
    } else {
    }
    %get3A_15 = arith.constant 0 : index
    %get3A_16 = arith.constant 0 : index
    %get3A_17 = vector.load %arg3[%get3A_15, %get3A_16] : memref<8x128xf32, #tpu.memory_space<vmem>>, vector<8x128xf32>
    %add3A = arith.addf %get3A_17, %concatenate3A : vector<8x128xf32>
    %swap3A = arith.constant 0 : index
    %swap3A_18 = arith.constant 0 : index
    %swap3A_19 = vector.load %arg3[%swap3A, %swap3A_18] : memref<8x128xf32, #tpu.memory_space<vmem>>, vector<8x128xf32>
    tpu.vector_store %arg3[%swap3A, %swap3A_18], %add3A {strides = array<i32>} : memref<8x128xf32, #tpu.memory_space<vmem>>, vector<8x128xf32>,
    return
  }
  func.func @transform_0(%arg0: i32) -> (i32, i32) {
    %c0_i32 = arith.constant 0 : i32
    %c0_i32_0 = arith.constant 0 : i32
    return %arg0, %c0_i32 : i32, i32
  }
  func.func @transform_1(%arg0: i32) -> (i32, i32) {
    %c0_i32 = arith.constant 0 : i32
    %c0_i32_0 = arith.constant 0 : i32
    return %arg0, %c0_i32 : i32, i32
  }
  func.func @transform_2(%arg0: i32) -> (i32, i32) {
    %c0_i32 = arith.constant 0 : i32
    %c0_i32_0 = arith.constant 0 : i32
    %c0_i32_1 = arith.constant 0 : i32
    return %c0_i32, %c0_i32_0 : i32, i32
  }
}

module attributes {stable_mosaic.version = 14 : i64} {
  func.func @_pass2_body(%arg0: i32, %arg1: memref<6400x128xf32, #tpu.memory_space<vmem>>, %arg2: memref<200x128xf32, #tpu.memory_space<vmem>>, %arg3: memref<8x128xf32, #tpu.memory_space<vmem>>, %arg4: memref<128x128xf32, #tpu.memory_space<vmem>>, %arg5: memref<1x128xf32, #tpu.memory_space<vmem>>, %arg6: memref<1x128xf32, #tpu.memory_space<vmem>>, %arg7: memref<1x128xf32, #tpu.memory_space<vmem>>, %arg8: memref<200x128xf32, #tpu.memory_space<vmem>>, %arg9: memref<8x128xf32, #tpu.memory_space<vmem>>) attributes {dimension_semantics = [#tpu.dimension_semantics<arbitrary>], iteration_bounds = array<i64: 50>, scalar_prefetch = 0 : i64, scratch_operands = 0 : i64, tpu.core_type = #tpu.core_type<tc>, window_params = [{transform_indices = @transform_0, window_bounds = array<i64: 6400, 128>}, {transform_indices = @transform_1, window_bounds = array<i64: 200, 128>}, {pipeline_mode = #tpu.pipeline_mode<synchronous>, transform_indices = @transform_2, window_bounds = array<i64: 8, 128>}, {pipeline_mode = #tpu.pipeline_mode<synchronous>, transform_indices = @transform_3, window_bounds = array<i64: 128, 128>}, {pipeline_mode = #tpu.pipeline_mode<synchronous>, transform_indices = @transform_4, window_bounds = array<i64: 1, 128>}, {pipeline_mode = #tpu.pipeline_mode<synchronous>, transform_indices = @transform_5, window_bounds = array<i64: 1, 128>}, {pipeline_mode = #tpu.pipeline_mode<synchronous>, transform_indices = @transform_6, window_bounds = array<i64: 1, 128>}, {transform_indices = @transform_7, window_bounds = array<i64: 200, 128>}, {pipeline_mode = #tpu.pipeline_mode<synchronous>, transform_indices = @transform_8, window_bounds = array<i64: 8, 128>}]} {
    %get3A = arith.constant 0 : index
    %get3A_0 = arith.constant 0 : index
    %get3A_1 = vector.load %arg3[%get3A, %get3A_0] : memref<8x128xf32, #tpu.memory_space<vmem>>, vector<1x128xf32>
    %mul3A = arith.constant 3.125000e-06 : f32
    %mul3A_2 = vector.broadcast %mul3A : f32 to vector<1x128xf32>
    %mul3A_3 = arith.mulf %get3A_1, %mul3A_2 : vector<1x128xf32>
    %get3A_4 = arith.constant 1 : index
    %get3A_5 = arith.constant 0 : index
    %get3A_6 = vector.load %arg3[%get3A_4, %get3A_5] : memref<8x128xf32, #tpu.memory_space<vmem>>, vector<1x128xf32>
    %mul3A_7 = arith.constant 3.125000e-06 : f32
    %mul3A_8 = vector.broadcast %mul3A_7 : f32 to vector<1x128xf32>
    %mul3A_9 = arith.mulf %get3A_6, %mul3A_8 : vector<1x128xf32>
    %mul3A_10 = arith.mulf %mul3A_3, %mul3A_3 : vector<1x128xf32>
    %sub3A = arith.subf %mul3A_9, %mul3A_10 : vector<1x128xf32>
    %get3A_11 = arith.constant 0 : index
    %get3A_12 = arith.constant 0 : index
    %get3A_13 = vector.load %arg6[%get3A_11, %get3A_12] : memref<1x128xf32, #tpu.memory_space<vmem>>, vector<1x128xf32>
    %add3A = arith.constant 9.99999974E-6 : f32
    %add3A_14 = vector.broadcast %add3A : f32 to vector<1x128xf32>
    %add3A_15 = arith.addf %sub3A, %add3A_14 : vector<1x128xf32>
    %rsqrt3A = math.rsqrt %add3A_15 : vector<1x128xf32>
    %mul3A_16 = arith.mulf %get3A_13, %rsqrt3A : vector<1x128xf32>
    %get3A_17 = arith.constant 0 : index
    %get3A_18 = arith.constant 0 : index
    %get3A_19 = vector.load %arg7[%get3A_17, %get3A_18] : memref<1x128xf32, #tpu.memory_space<vmem>>, vector<1x128xf32>
    %mul3A_20 = arith.mulf %mul3A_3, %mul3A_16 : vector<1x128xf32>
    %sub3A_21 = arith.subf %get3A_19, %mul3A_20 : vector<1x128xf32>
    %get3A_22 = arith.constant 0 : index
    %get3A_23 = arith.constant 0 : index
    %get3A_24 = vector.load %arg1[%get3A_22, %get3A_23] : memref<6400x128xf32, #tpu.memory_space<vmem>>, vector<6400x128xf32>
    %reshape3A = vector.shape_cast %get3A_24 : vector<6400x128xf32> to vector<200x32x128xf32>
    %get3A_25 = arith.constant 0 : index
    %get3A_26 = arith.constant 0 : index
    %get3A_27 = vector.load %arg2[%get3A_25, %get3A_26] : memref<200x128xf32, #tpu.memory_space<vmem>>, vector<200x128xf32>
    %broadcast_in_dim3A = vector.shape_cast %get3A_27 : vector<200x128xf32> to vector<200x1x128xf32>
    %sub3A_28 = vector.broadcast %broadcast_in_dim3A : vector<200x1x128xf32> to vector<200x32x128xf32>
    %sub3A_29 = arith.subf %reshape3A, %sub3A_28 : vector<200x32x128xf32>
    %broadcast_in_dim3A_30 = vector.shape_cast %mul3A_16 : vector<1x128xf32> to vector<1x1x128xf32>
    %mul3A_31 = vector.broadcast %broadcast_in_dim3A_30 : vector<1x1x128xf32> to vector<200x32x128xf32>
    %mul3A_32 = arith.mulf %sub3A_29, %mul3A_31 : vector<200x32x128xf32>
    %broadcast_in_dim3A_33 = vector.shape_cast %sub3A_21 : vector<1x128xf32> to vector<1x1x128xf32>
    %add3A_34 = vector.broadcast %broadcast_in_dim3A_33 : vector<1x1x128xf32> to vector<200x32x128xf32>
    %add3A_35 = arith.addf %mul3A_32, %add3A_34 : vector<200x32x128xf32>
    %max3A = arith.constant 0.000000e+00 : f32
    %max3A_36 = vector.broadcast %max3A : f32 to vector<200x32x128xf32>
    %max3A_37 = arith.maximumf %add3A_35, %max3A_36 : vector<200x32x128xf32>
    %reshape3A_38 = vector.shape_cast %max3A_37 : vector<200x32x128xf32> to vector<6400x128xf32>
    %get3A_39 = arith.constant 0 : index
    %get3A_40 = arith.constant 0 : index
    %get3A_41 = vector.load %arg4[%get3A_39, %get3A_40] : memref<128x128xf32, #tpu.memory_space<vmem>>, vector<128x128xf32>
    %dot_general3A = arith.constant dense<0.000000e+00> : vector<6400x128xf32>
    %dot_general3A_42 = tpu.matmul %reshape3A_38, %get3A_41, %dot_general3A {dimension_numbers = #tpu.dot_dimension_numbers<[1], [0], [0], [1], [0, 0, 1, 1], [], []>, transpose_lhs_hint = false} : vector<6400x128xf32>, vector<128x128xf32>, vector<6400x128xf32> -> vector<6400x128xf32>
    %get3A_43 = arith.constant 0 : index
    %get3A_44 = arith.constant 0 : index
    %get3A_45 = vector.load %arg5[%get3A_43, %get3A_44] : memref<1x128xf32, #tpu.memory_space<vmem>>, vector<1x128xf32>
    %add3A_46 = vector.broadcast %get3A_45 : vector<1x128xf32> to vector<6400x128xf32>
    %add3A_47 = arith.addf %dot_general3A_42, %add3A_46 : vector<6400x128xf32>
    %reduce_sum3A = arith.constant dense<0.000000e+00> : vector<128xf32>
    %reduce_sum3A_48 = vector.multi_reduction <add>, %add3A_47, %reduce_sum3A [0] : vector<6400x128xf32> to vector<128xf32>
    %mul3A_49 = arith.mulf %add3A_47, %add3A_47 : vector<6400x128xf32>
    %reduce_sum3A_50 = arith.constant dense<0.000000e+00> : vector<128xf32>
    %reduce_sum3A_51 = vector.multi_reduction <add>, %mul3A_49, %reduce_sum3A_50 [0] : vector<6400x128xf32> to vector<128xf32>
    %broadcast_in_dim3A_52 = vector.shape_cast %reduce_sum3A_48 : vector<128xf32> to vector<1x128xf32>
    %broadcast_in_dim3A_53 = vector.shape_cast %reduce_sum3A_51 : vector<128xf32> to vector<1x128xf32>
    %broadcast_in_dim3A_54 = arith.constant 0.000000e+00 : f32
    %broadcast_in_dim3A_55 = vector.broadcast %broadcast_in_dim3A_54 : f32 to vector<6x128xf32>
    %concatenate3A = tpu.concatenate %broadcast_in_dim3A_52, %broadcast_in_dim3A_53, %broadcast_in_dim3A_55 in 0 : vector<1x128xf32>, vector<1x128xf32>, vector<6x128xf32> -> vector<8x128xf32>
    %reshape3A_56 = vector.shape_cast %add3A_47 : vector<6400x128xf32> to vector<200x32x128xf32>
    %reduce_max3A = arith.constant dense<0xFF800000> : vector<200x128xf32>
    %reduce_max3A_57 = vector.multi_reduction <maximumf>, %reshape3A_56, %reduce_max3A [1] : vector<200x32x128xf32> to vector<200x128xf32>
    %swap3A = arith.constant 0 : index
    %swap3A_58 = arith.constant 0 : index
    %swap3A_59 = vector.load %arg8[%swap3A, %swap3A_58] : memref<200x128xf32, #tpu.memory_space<vmem>>, vector<200x128xf32>
    tpu.vector_store %arg8[%swap3A, %swap3A_58], %reduce_max3A_57 {strides = array<i32>} : memref<200x128xf32, #tpu.memory_space<vmem>>, vector<200x128xf32>,
    %eq3A = arith.constant 0 : i32
    %eq3A_60 = arith.cmpi eq, %arg0, %eq3A : i32
    %convert_element_type3A = arith.extui %eq3A_60 : i1 to i32
    %cond3A = arith.constant 0 : i32
    %cond3A_61 = arith.cmpi ne, %convert_element_type3A, %cond3A : i32
    scf.if %cond3A_61 {
      %broadcast_in_dim3A_69 = arith.constant 0.000000e+00 : f32
      %broadcast_in_dim3A_70 = vector.broadcast %broadcast_in_dim3A_69 : f32 to vector<8x128xf32>
      %swap3A_71 = arith.constant 0 : index
      %swap3A_72 = arith.constant 0 : index
      %swap3A_73 = vector.load %arg9[%swap3A_71, %swap3A_72] : memref<8x128xf32, #tpu.memory_space<vmem>>, vector<8x128xf32>
      tpu.vector_store %arg9[%swap3A_71, %swap3A_72], %broadcast_in_dim3A_70 {strides = array<i32>} : memref<8x128xf32, #tpu.memory_space<vmem>>, vector<8x128xf32>,
    } else {
    }
    %get3A_62 = arith.constant 0 : index
    %get3A_63 = arith.constant 0 : index
    %get3A_64 = vector.load %arg9[%get3A_62, %get3A_63] : memref<8x128xf32, #tpu.memory_space<vmem>>, vector<8x128xf32>
    %add3A_65 = arith.addf %get3A_64, %concatenate3A : vector<8x128xf32>
    %swap3A_66 = arith.constant 0 : index
    %swap3A_67 = arith.constant 0 : index
    %swap3A_68 = vector.load %arg9[%swap3A_66, %swap3A_67] : memref<8x128xf32, #tpu.memory_space<vmem>>, vector<8x128xf32>
    tpu.vector_store %arg9[%swap3A_66, %swap3A_67], %add3A_65 {strides = array<i32>} : memref<8x128xf32, #tpu.memory_space<vmem>>, vector<8x128xf32>,
    return
  }
  func.func @transform_0(%arg0: i32) -> (i32, i32) {
    %c0_i32 = arith.constant 0 : i32
    %c0_i32_0 = arith.constant 0 : i32
    return %arg0, %c0_i32 : i32, i32
  }
  func.func @transform_1(%arg0: i32) -> (i32, i32) {
    %c0_i32 = arith.constant 0 : i32
    %c0_i32_0 = arith.constant 0 : i32
    return %arg0, %c0_i32 : i32, i32
  }
  func.func @transform_2(%arg0: i32) -> (i32, i32) {
    %c0_i32 = arith.constant 0 : i32
    %c0_i32_0 = arith.constant 0 : i32
    %c0_i32_1 = arith.constant 0 : i32
    return %c0_i32, %c0_i32_0 : i32, i32
  }
  func.func @transform_3(%arg0: i32) -> (i32, i32) {
    %c0_i32 = arith.constant 0 : i32
    %c0_i32_0 = arith.constant 0 : i32
    %c0_i32_1 = arith.constant 0 : i32
    return %c0_i32, %c0_i32_0 : i32, i32
  }
  func.func @transform_4(%arg0: i32) -> (i32, i32) {
    %c0_i32 = arith.constant 0 : i32
    %c0_i32_0 = arith.constant 0 : i32
    %c0_i32_1 = arith.constant 0 : i32
    return %c0_i32, %c0_i32_0 : i32, i32
  }
  func.func @transform_5(%arg0: i32) -> (i32, i32) {
    %c0_i32 = arith.constant 0 : i32
    %c0_i32_0 = arith.constant 0 : i32
    %c0_i32_1 = arith.constant 0 : i32
    return %c0_i32, %c0_i32_0 : i32, i32
  }
  func.func @transform_6(%arg0: i32) -> (i32, i32) {
    %c0_i32 = arith.constant 0 : i32
    %c0_i32_0 = arith.constant 0 : i32
    %c0_i32_1 = arith.constant 0 : i32
    return %c0_i32, %c0_i32_0 : i32, i32
  }
  func.func @transform_7(%arg0: i32) -> (i32, i32) {
    %c0_i32 = arith.constant 0 : i32
    %c0_i32_0 = arith.constant 0 : i32
    return %arg0, %c0_i32 : i32, i32
  }
  func.func @transform_8(%arg0: i32) -> (i32, i32) {
    %c0_i32 = arith.constant 0 : i32
    %c0_i32_0 = arith.constant 0 : i32
    %c0_i32_1 = arith.constant 0 : i32
    return %c0_i32, %c0_i32_0 : i32, i32
  }
}

module attributes {stable_mosaic.version = 14 : i64} {
  func.func @_final_body(%arg0: memref<10000x128xf32, #tpu.memory_space<vmem>>, %arg1: memref<8x128xf32, #tpu.memory_space<vmem>>, %arg2: memref<1x128xf32, #tpu.memory_space<vmem>>, %arg3: memref<1x128xf32, #tpu.memory_space<vmem>>, %arg4: memref<10000x128xf32, #tpu.memory_space<vmem>>) attributes {dimension_semantics = [], scalar_prefetch = 0 : i64, scratch_operands = 0 : i64, tpu.core_type = #tpu.core_type<tc>} {
    %get3A = arith.constant 0 : index
    %get3A_0 = arith.constant 0 : index
    %get3A_1 = vector.load %arg1[%get3A, %get3A_0] : memref<8x128xf32, #tpu.memory_space<vmem>>, vector<1x128xf32>
    %mul3A = arith.constant 3.125000e-06 : f32
    %mul3A_2 = vector.broadcast %mul3A : f32 to vector<1x128xf32>
    %mul3A_3 = arith.mulf %get3A_1, %mul3A_2 : vector<1x128xf32>
    %get3A_4 = arith.constant 1 : index
    %get3A_5 = arith.constant 0 : index
    %get3A_6 = vector.load %arg1[%get3A_4, %get3A_5] : memref<8x128xf32, #tpu.memory_space<vmem>>, vector<1x128xf32>
    %mul3A_7 = arith.constant 3.125000e-06 : f32
    %mul3A_8 = vector.broadcast %mul3A_7 : f32 to vector<1x128xf32>
    %mul3A_9 = arith.mulf %get3A_6, %mul3A_8 : vector<1x128xf32>
    %mul3A_10 = arith.mulf %mul3A_3, %mul3A_3 : vector<1x128xf32>
    %sub3A = arith.subf %mul3A_9, %mul3A_10 : vector<1x128xf32>
    %get3A_11 = arith.constant 0 : index
    %get3A_12 = arith.constant 0 : index
    %get3A_13 = vector.load %arg2[%get3A_11, %get3A_12] : memref<1x128xf32, #tpu.memory_space<vmem>>, vector<1x128xf32>
    %add3A = arith.constant 9.99999974E-6 : f32
    %add3A_14 = vector.broadcast %add3A : f32 to vector<1x128xf32>
    %add3A_15 = arith.addf %sub3A, %add3A_14 : vector<1x128xf32>
    %rsqrt3A = math.rsqrt %add3A_15 : vector<1x128xf32>
    %mul3A_16 = arith.mulf %get3A_13, %rsqrt3A : vector<1x128xf32>
    %get3A_17 = arith.constant 0 : index
    %get3A_18 = arith.constant 0 : index
    %get3A_19 = vector.load %arg3[%get3A_17, %get3A_18] : memref<1x128xf32, #tpu.memory_space<vmem>>, vector<1x128xf32>
    %mul3A_20 = arith.mulf %mul3A_3, %mul3A_16 : vector<1x128xf32>
    %sub3A_21 = arith.subf %get3A_19, %mul3A_20 : vector<1x128xf32>
    %get3A_22 = arith.constant 0 : index
    %get3A_23 = arith.constant 0 : index
    %get3A_24 = vector.load %arg0[%get3A_22, %get3A_23] : memref<10000x128xf32, #tpu.memory_space<vmem>>, vector<10000x128xf32>
    %mul3A_25 = vector.broadcast %mul3A_16 : vector<1x128xf32> to vector<10000x128xf32>
    %mul3A_26 = arith.mulf %get3A_24, %mul3A_25 : vector<10000x128xf32>
    %add3A_27 = vector.broadcast %sub3A_21 : vector<1x128xf32> to vector<10000x128xf32>
    %add3A_28 = arith.addf %mul3A_26, %add3A_27 : vector<10000x128xf32>
    %max3A = arith.constant 0.000000e+00 : f32
    %max3A_29 = vector.broadcast %max3A : f32 to vector<10000x128xf32>
    %max3A_30 = arith.maximumf %add3A_28, %max3A_29 : vector<10000x128xf32>
    %swap3A = arith.constant 0 : index
    %swap3A_31 = arith.constant 0 : index
    %swap3A_32 = vector.load %arg4[%swap3A, %swap3A_31] : memref<10000x128xf32, #tpu.memory_space<vmem>>, vector<10000x128xf32>
    tpu.vector_store %arg4[%swap3A, %swap3A_31], %max3A_30 {strides = array<i32>} : memref<10000x128xf32, #tpu.memory_space<vmem>>, vector<10000x128xf32>,
    return
  }
}

</mosaic_0001>

<sc_bundles>
// kernel: kernel.8.cloned.1.call-start
scs
__scs_entry_jumppad:
0x0: {  	(pc) =	sbr.rel $0x88, $3  }
0x1: {  	(tag) =	ssettag $0x0;
	lr =	simm.s32 $0x1  }
0x2: {  	[smem:$0x3F96] =	sst lr;
	_ =	strace $0xD0000000  }
0x3: {  	_ = 	snop  }
0x4: {  	_ = 	snop  }
0x5: {  	_ = 	snop  }
0x6: {  	_ = 	snop  }
0x7: {  	_ = 	snop  }
__scs_overlays_trampoline_lowered:
0x8: {  	[smem:$0x3FA5] =	sst s0  }
0x9: {  	[smem:$0x3FA6] =	sst s1  }
0xa: {  	[smem:$0x3FA7] =	sst s2  }
0xb: {  	[smem:$0x3FA8] =	sst s3  }
0xc: {  	[smem:$0x3FA9] =	sst s4  }
0xd: {  	[smem:$0x3FAA] =	sst s5  }
0xe: {  	[smem:$0x3FAB] =	sst s6  }
0xf: {  	[smem:$0x3FAC] =	sst s7  }
0x10: {  	[smem:$0x3FAD] =	sst s8  }
0x11: {  	[smem:$0x3FAE] =	sst s9;
	s0 =	simm.s32 @!p0 $0x0  }
0x12: {  	s1 =	sld [smem:$0x3F94];
	s0 =	simm.s32 @p0 $0x1  }
0x13: {  	[smem:$0x3FAF] =	sst s0;
	s0 =	simm.s32 @!p1 $0x0  }
0x14: {  	s2 =	sld [smem:$0x3F93];
	s0 =	simm.s32 @p1 $0x1  }
0x15: {  	[smem:$0x3FB0] =	sst s0;
	s0 =	simm.s32 @!p2 $0x0  }
0x16: {  	s3 =	sld [smem:$0x3FDB];
	s0 =	simm.s32 @p2 $0x1  }
0x17: {  	s4 =	simm.s32 $0x1BF5;
	[smem:$0x3FB2] =	sst s0  }
0x18: {  	s0 =	sld [smem:$0x3F95];
	_ =	swait.ge [sflag:s4], $0x0  }
0x19: {  	s7 =	sld [smem:$0x3F96]  }
0x1a: {  	s8 =	sadd.s32 $0xFFFFE003, lr  }
0x1b: {  	s9 =	sadd.s32 $0xFFFFFEF7, lr;
	s5 =	simm.s32 $0xFFFFFFFF;
	p2 =	slt.u32 s8, $0xFFFFF086  }
0x1c: {  	p1 =	slt.u32 s9, $0xF7A;
	s5 =	simm.s32 @!p2 $0x0  }
0x1d: {  	s5 =	simm.s32 @p1 $0x1;
	p0 =	seq.s32 s7, s2  }
0x1e: {  	s7 =	smul.u32 @!p0 $0xF7A, s2;
	p2 =	seq.s32 @!p0 s5, $0x0  }
0x1f: {  	s9 =	smul.u32 $0xF7A, s1;
	s8 =	simm.s32 @!p0 $0x1BF5;
	p2 =	por !p2, p0  }
0x20: {  	[sflag:s8] =	ssyncset.s32 @!p0 $0xFFFFF086;
	s6 =	sadd.s32 @!p0 s3, s7;
	s7 =	simm.s32 @!p0 $0x108  }
0x21: {  	s3 =	sadd.s32 s3, s9;
	s6 =	sadd.s32 @!p0 $0x88, s6;
	s7 =	simm.s32 @p2 $0x1082  }
0x22: {  	[simem:s7], [sflag:s8] =	dma.local @!p0 [hbm:s6], $0xF7A  }
0x23: {  	s9 =	sor.u32 $0xD0000000, s2;
	s6 =	simm.s32 $0x108;
	_ =	swait.ge @!p0 [sflag:s8], $0x0  }
0x24: {  	s3 =	sadd.s32 $0x88, s3;
	s6 =	simm.s32 @!p1 $0x1082;
	[sflag:s4] =	ssyncset.s32 $0xFFFFF086  }
0x25: {  	[simem:s6], [sflag:s4] =	dma.local [hbm:s3], $0xF7A  }
0x26: {  	[smem:$0x3F96] =	sst s1;
	(tag) =	ssettag s2;
	_ =	strace s9  }
0x27: {  	s1 =	sld [smem:$0x3FA6]  }
0x28: {  	s2 =	sld [smem:$0x3FA7]  }
0x29: {  	s4 =	sld [smem:$0x3FA9]  }
0x2a: {  	p0 =	seq.s32 s5, $0x0;
	s5 =	sld [smem:$0x3FAA]  }
0x2b: {  	s6 =	sld [smem:$0x3FAB]  }
0x2c: {  	s7 =	sld [smem:$0x3FAC]  }
0x2d: {  	s3 =	simm.s32 $0x108;
	s8 =	sld [smem:$0x3FAD]  }
0x2e: {  	s3 =	simm.s32 @!p0 $0x1082;
	s9 =	sld [smem:$0x3FAE]  }
0x2f: {  	lr =	sadd.s32 s0, s3;
	s0 =	sld [smem:$0x3FA5]  }
0x30: {  	s3 =	sld [smem:$0x3FA8]  }
0x31: {  	[smem:$0x3FB1] =	sst s10  }
0x32: {  	s10 =	sld [smem:$0x3FAF];
	_ =	sdelay $0x3  }
0x33: {  	p0 =	seq.s32 s10, $0x1;
	s10 =	sld [smem:$0x3FB1];
	_ =	sdelay $0x3  }
0x34: {  	[smem:$0x3FB1] =	sst s10  }
0x35: {  	s10 =	sld [smem:$0x3FB0];
	_ =	sdelay $0x3  }
0x36: {  	p1 =	seq.s32 s10, $0x1;
	s10 =	sld [smem:$0x3FB1];
	_ =	sdelay $0x3  }
0x37: {  	[smem:$0x3FB1] =	sst s10  }
0x38: {  	s10 =	sld [smem:$0x3FB2]  }
0x39: {  	_ = 	snop;
	(pc) =	sbr.ind lr, $3  }
0x3a: {  	_ = 	snop  }
0x3b: {  	_ = 	snop  }
0x3c: {  	p2 =	seq.s32 s10, $0x1;
	s10 =	sld [smem:$0x3FB1]  }
0x3d: {  	_ =	shalt  }
0x3e: {  	_ =	shalt  }
0x3f: {  	_ =	shalt  }
0x40: {  	_ =	shalt  }
0x41: {  	_ =	shalt  }
0x42: {  	_ =	shalt  }
0x43: {  	_ =	shalt  }
0x44: {  	_ =	shalt  }
0x45: {  	_ =	shalt  }
0x46: {  	_ =	shalt  }
0x47: {  	_ =	shalt  }
0x48: {  	_ =	shalt  }
0x49: {  	_ =	shalt  }
0x4a: {  	_ =	shalt  }
0x4b: {  	_ =	shalt  }
0x4c: {  	_ =	shalt  }
0x4d: {  	_ =	shalt  }
0x4e: {  	_ =	shalt  }
0x4f: {  	_ =	shalt  }
0x50: {  	_ =	shalt  }
0x51: {  	_ =	shalt  }
0x52: {  	_ =	shalt  }
0x53: {  	_ =	shalt  }
0x54: {  	_ =	shalt  }
0x55: {  	_ =	shalt  }
0x56: {  	_ =	shalt  }
0x57: {  	_ =	shalt  }
0x58: {  	_ =	shalt  }
0x59: {  	_ =	shalt  }
0x5a: {  	_ =	shalt  }
0x5b: {  	_ =	shalt  }
0x5c: {  	_ =	shalt  }
0x5d: {  	_ =	shalt  }
0x5e: {  	_ =	shalt  }
0x5f: {  	_ =	shalt  }
0x60: {  	_ =	shalt  }
0x61: {  	_ =	shalt  }
0x62: {  	_ =	shalt  }
0x63: {  	_ =	shalt  }
0x64: {  	_ =	shalt  }
0x65: {  	_ =	shalt  }
0x66: {  	_ =	shalt  }
0x67: {  	_ =	shalt  }
0x68: {  	_ =	shalt  }
0x69: {  	_ =	shalt  }
0x6a: {  	_ =	shalt  }
0x6b: {  	_ =	shalt  }
0x6c: {  	_ =	shalt  }
0x6d: {  	_ =	shalt  }
0x6e: {  	_ =	shalt  }
0x6f: {  	_ =	shalt  }
0x70: {  	_ =	shalt  }
0x71: {  	_ =	shalt  }
0x72: {  	_ =	shalt  }
0x73: {  	_ =	shalt  }
0x74: {  	_ =	shalt  }
0x75: {  	_ =	shalt  }
0x76: {  	_ =	shalt  }
0x77: {  	_ =	shalt  }
0x78: {  	_ =	shalt  }
0x79: {  	_ =	shalt  }
0x7a: {  	_ =	shalt  }
0x7b: {  	_ =	shalt  }
0x7c: {  	_ =	shalt  }
0x7d: {  	_ =	shalt  }
0x7e: {  	_ =	shalt  }
0x7f: {  	_ =	shalt  }
0x80: {  	_ =	shalt  }
0x81: {  	_ =	shalt  }
0x82: {  	_ =	shalt  }
0x83: {  	_ =	shalt  }
0x84: {  	_ =	shalt  }
0x85: {  	_ =	shalt  }
0x86: {  	_ =	shalt  }
0x87: {  	_ =	shalt  }
.Lfunc_end0:
.L_simem_size_0:
called_computation_lowered:
.L_overlay_start_0:
0x88: {  	s2 =	sld [smem:$0x3FD9]  }
0x89: {  	s3 =	sld [smem:$0x3FFE];
	_ =	sdelay $0x1  }
0x8a: {  	s1 =	srdreg.scid  }
0x8b: {  	s0 =	sand.u32 $0x1, s1  }
0x8c: {  	s14 =	sshll.u32 s0, $0xA;
	s2 =	sadd.s32 s3, s2  }
0x8d: {  	s2 =	sadd.s32 s2, s14  }
0x8e: {  	[smem:$0x3FBD] =	sst s2  }
0x8f: {  	_ = 	snop  }
0x90: {  	s2 =	sld [smem:$0x3FD0];
	_ =	sdelay $0x2  }
0x91: {  	s15 =	simm.s32 $0xA;
	s4 =	simm.s32 $0x10  }
0x92: {  	[smem:s4], [sflag:s15] =	dma.local [hbm:s2], $0x1  }
0x93: {  	_ =	swait.eq [sflag:s15], $0x1  }
0x94: {  	[sflag:s15] =	ssyncset.done $0x0  }
0x95: {  	[sflag:s15] =	ssyncadd.s32 $0xFFFFFFFF  }
0x96: {  	s16 =	sld [smem:$0x11];
	(tm) =	ssettm $0x1  }
0x97: {  	s17 =	sld [smem:$0x3FFB];
	_ =	sdelay $0x3  }
0x98: {  	_ =	strace s17  }
0x99: {  	s3 =	sld [smem:$0x3FFC];
	_ =	sdelay $0x3  }
0x9a: {  	_ =	strace s3  }
0x9b: {  	s3 =	sld [smem:$0x3FFD];
	_ =	sdelay $0x3  }
0x9c: {  	_ =	strace s3  }
0x9d: {  	_ =	strace $0x8FFFFFFF  }
0x9e: {  	s18 =	sld [smem:$0x3FDB];
	_ =	sdelay $0x1  }
0x9f: {  	s19 =	simm.s32 $_scs_section_size  }
0xa0: {  	s5 =	simm.s32 $_size__tile_overlayer_lowered;
	s6 =	simm.s32 $_tile_overlayer_lowered  }
0xa1: {  	s22 =	simm.s32 $0x1BFF;
	s21 =	sshll.u32 s6, $0x1;
	s3 =	sadd.s32 s19, s18  }
0xa2: {  	s7 =	simm.s32 $0x0;
	s20 =	sshll.u32 s5, $0x1;
	s5 =	sadd.s32 s21, s3  }
0xa3: {  	[timem:s7], [sflag:s22] =	dma.local [hbm:s5], s20  }
0xa4: {  	_ =	swait.ge [sflag:s22], s20  }
0xa5: {  	s4 =	ssub.s32 $0x0, s20;
	[sflag:s22] =	ssyncset.done $0x0  }
0xa6: {  	[sflag:s22] =	ssyncadd.s32 s4;
	_ =	sdelay $0x1  }
0xa7: {  	s23 =	simm.s32 $0x1B8B  }
0xa8: {  	_ =	swait.ge [sflag:s23], $0x1  }
0xa9: {  	[sflag:s23] =	ssyncset.done $0x0  }
0xaa: {  	s25 =	simm.s32 $0x1B8E;
	s24 =	sld [smem:$0x3FFE];
	[sflag:s23] =	ssyncadd.s32 $0xFFFFFFFF  }
0xab: {  	s26 =	simm.s32 $execute0_lowered;
	[smem:$0x3FD2] =	sst s25  }
0xac: {  	s5 =	sshll.u32 s26, $0x1;
	_ =	strace $0x80000046;
	[dreg:$0x1] =	wrdreg $0xFFFFFFFF  }
0xad: {  	s28 =	simm.s32 $_size_execute0_lowered;
	s3 =	sadd.s32 s3, s5;
	[dreg:$0x0] =	wrdreg $0x0  }
0xae: {  	s5 =	sshll.u32 s28, $0x1;
	[dreg:$0x2] =	wrdreg s3  }
0xaf: {  	[dreg:$0x3] =	wrdreg s5  }
0xb0: {  	[dreg:$0x4] =	wrdreg $0xC0  }
0xb1: {  	_ =	task [dreg:s7], $0x5FFFF  }
0xb2: {  	[dreg:$0x1] =	wrdreg $0xFFFFFFFF  }
0xb3: {  	[dreg:$0x0] =	wrdreg $0x60  }
0xb4: {  	[dreg:$0x2] =	wrdreg s16  }
0xb5: {  	[dreg:$0x3] =	wrdreg s24  }
0xb6: {  	[dreg:$0x4] =	wrdreg $0x9  }
0xb7: {  	_ =	task.clear_ibuf [dreg:s7], $0x5FFFF;
	_ =	strace $0x90000046  }
0xb8: {  	s29 =	simm.s32 $0x9;
	_ =	strace $0x80000048  }
0xb9: {  	_ =	swait.ge [sflag:s29], $0x1  }
0xba: {  	[sflag:s29] =	ssyncadd.s32 $0xFFFFFFFF  }
0xbb: {  	_ =	strace $0x90000048  }
0xbc: {  	_ =	sfence  }
0xbd: {  	s30 =	sld [smem:$0x0];
	_ =	sdelay $0x2  }
0xbe: {  	s31 =	sshll.u32 s1, $0xD;
	s1 =	sshrl.u32 s1, $0x2  }
0xbf: {  	s3 =	sand.u32 $0x4000, s31;
	s1 =	sadd.s32 s1, s30  }
0xc0: {  	s0 =	sor.u32 s3, s0;
	s1 =	sshll.u32 s1, $0x11  }
0xc1: {  	s0 =	sor.u32 s1, s0  }
0xc2: {  	s0 =	sadd.s32 $0x8F2B, s0  }
0xc3: {  	[sflag:s0] =	ssyncadd.remote.s32 $0x1  }
0xc4: {  	_ =	sfence.sel $0xFFFF  }
0xc5: {  	[dreg:$0x0] =	wrdreg $0xFFFFFFFF;
	(pc) =	sbr.abs _section_cstart, $3  }
0xc6: {  	[dreg:$0x1] =	wrdreg $0xFFFFFFFF  }
0xc7: {  	_ =	task.clear_ibuf [dreg:s7], $0x2FFFF;
	_ =	strace $0x9FFFFFFF  }
0xc8: {  	(tm) =	ssettm $0x7FFFFFFF  }
0xc9: {  	_ =	shalt  }
tec
execute0_lowered:
.L_overlay_start_1:
0x0: {  	(tag) =	ssettag $0x1  }
0x1: {  	s2 =	rddreg [dreg:$0x0];
	s1 =	srdreg.scid  }
0x2: {  	s0 =	stileid.u32;
	s4 =	rddreg [dreg:$0x1];
	s3 =	simm.s32 $0x0  }
0x3: {  	s13 =	simm.s32 $0x5;
	s14 =	simm.s32 $0x80;
	s15 =	simm.s32 $0x4  }
0x4: {  	s16 =	simm.s32 $0x1;
	s17 =	simm.s32 $0x2;
	s18 =	simm.s32 $0x0  }
0x5: {  	s7 =	sand.u32 $0x1, s1;
	s1 =	rddreg [dreg:$0x2];
	s8 =	smul.u32 $0x5000, s0  }
0x6: {  	s5 =	sshll.u32 s0, $0x1;
	[smem:$0x7FF] =	sst s3;
	s30 =	smul.u32 $0x50000, s0  }
0x7: {  	s9 =	sadd.s32 $0x35000, s4;
	s12 =	sadd.s32 $0x3E00, s4;
	s11 =	smul.u32 $0x2800, s7  }
0x8: {  	s5 =	sor.u32 s7, s5;
	s6 =	ssub.s32 $0x2, s7;
	s7 =	smul.u32 $0x28000, s7  }
0x9: {  	_ =	strace $0x80000047;
	s5 =	smul.u32 $0x28000, s5;
	s10 =	sshrl.u32 s6, $0x1  }
0xa: {  	s6 =	ssub.s32 s6, s10;
	s8 =	sadd.s32 s11, s8;
	s10 =	simm.s32 $0x100  }
0xb: {  	s4 =	sadd.s32 s9, s5;
	s6 =	smax.u32 s6, $0x1;
	s11 =	sor.u32 $0x80, s8  }
0xc: {  	s9 =	sadd.s32 s30, s9;
	s8 =	sshrl.u32 s8, $0x3;
	s5 =	sadd.s32 $0x800, s4  }
0xd: {  	s31 =	sshrl.u32 s11, $0x3;
	s7 =	sadd.s32 s7, s9;
	s8 =	sadd.s32 s8, s12  }
0xe: {  	s11 =	simm.s32 $0x4100;
	s9 =	sadd.s32 s31, s12;
	s12 =	simm.s32 $0x3  }
.LBB2_1:
0xf: {  	[hbm4b:s4+s3] =	stream.linear.scatter [tilespmem:s10], [sflag:$0x3], $0x4000, $0x38;
	[tilespmem:$0x8100] =	vst v63  }
0x10: {  	_ = 	snop  }
0x11: {  	[hbm4b:s5+s3] =	stream.linear.scatter [tilespmem:s11], [sflag:$0x4], $0x4000, $0x38;
	[tilespmem:$0x8100] =	vst v63  }
0x12: {  	_ =	swait.ge [sflag:s12], $0x4000  }
0x13: {  	[sflag:s12] =	ssyncset.done $0x0  }
0x14: {  	s19 =	sadd.s32 $0x0, s8;
	[sflag:s12] =	ssyncadd.s32 $0xFFFFC000  }
0x15: {  	[tilespmem:s3], [sflag:$0x5] =	stream.linear.gather [hbm4b:s19+s3], $0x80, $0x38;
	[tilespmem:$0x8100] =	vst v63  }
0x16: {  	_ =	swait.ge [sflag:s13], $0x80  }
0x17: {  	[sflag:s13] =	ssyncset.done $0x0  }
0x18: {  	[sflag:s13] =	ssyncadd.s32 $0xFFFFFF80  }
0x19: {  	[tilespmem:s10], [sflag:$0x1] =	stream.indirect.gather [hbm4b:s2+s14], $0x80, s3, s14, $0xb8;
	[tilespmem:$0x8100] =	vst v63  }
0x1a: {  	_ =	swait.ge [sflag:s15], $0x4000  }
0x1b: {  	[sflag:s15] =	ssyncset.done $0x0  }
0x1c: {  	s31 =	sadd.s32 $0x0, s9;
	[sflag:s15] =	ssyncadd.s32 $0xFFFFC000  }
0x1d: {  	[tilespmem:s14], [sflag:$0x5] =	stream.linear.gather [hbm4b:s31+s3], $0x80, $0x38;
	[tilespmem:$0x8100] =	vst v63  }
0x1e: {  	_ =	swait.ge [sflag:s13], $0x80  }
0x1f: {  	[sflag:s13] =	ssyncset.done $0x0  }
0x20: {  	[sflag:s13] =	ssyncadd.s32 $0xFFFFFF80  }
0x21: {  	[tilespmem:s11], [sflag:$0x2] =	stream.indirect.gather [hbm4b:s2+s14], $0x80, s14, s14, $0xb8;
	[tilespmem:$0x8100] =	vst v63  }
0x22: {  	_ =	swait.ge [sflag:s16], $0x4000  }
0x23: {  	[sflag:s16] =	ssyncset.done $0x0  }
0x24: {  	[sflag:s16] =	ssyncadd.s32 $0xFFFFC000  }
0x25: {  	[hbm4b:s7+s3] =	stream.linear.scatter [tilespmem:s10], [sflag:$0x3], $0x4000, $0x38;
	[tilespmem:$0x8100] =	vst v63  }
0x26: {  	_ =	swait.ge [sflag:s17], $0x4000  }
0x27: {  	s21 =	sadd.s32 $0x800, s7;
	[sflag:s17] =	ssyncset.done $0x0  }
0x28: {  	s20 =	sadd.s32 $0x1000, s7;
	s19 =	simm.s32 $0x20;
	[sflag:s17] =	ssyncadd.s32 $0xFFFFC000  }
.LBB2_2:
0x29: {  	[hbm4b:s21+s3] =	stream.linear.scatter [tilespmem:s11], [sflag:$0x4], $0x4000, $0x38;
	[tilespmem:$0x8100] =	vst v63  }
0x2a: {  	s21 =	smov.u32 s19  }
0x2b: {  	p0 =	sne.s32 s19, $0x4E0;
	s19 =	sadd.s32 $0x20, s19;
	_ =	swait.ge [sflag:s12], $0x4000  }
0x2c: {  	[sflag:s12] =	ssyncset.done $0x0  }
0x2d: {  	s22 =	sadd.s32 s21, s8;
	[sflag:s12] =	ssyncadd.s32 $0xFFFFC000  }
0x2e: {  	[tilespmem:s3], [sflag:$0x5] =	stream.linear.gather [hbm4b:s22+s3], $0x80, $0x38;
	[tilespmem:$0x8100] =	vst v63  }
0x2f: {  	_ =	swait.ge [sflag:s13], $0x80  }
0x30: {  	[sflag:s13] =	ssyncset.done $0x0  }
0x31: {  	[sflag:s13] =	ssyncadd.s32 $0xFFFFFF80  }
0x32: {  	[tilespmem:s10], [sflag:$0x1] =	stream.indirect.gather [hbm4b:s2+s14], $0x80, s3, s14, $0xb8;
	[tilespmem:$0x8100] =	vst v63  }
0x33: {  	_ =	swait.ge [sflag:s15], $0x4000  }
0x34: {  	[sflag:s15] =	ssyncset.done $0x0  }
0x35: {  	s21 =	sadd.s32 s21, s9;
	[sflag:s15] =	ssyncadd.s32 $0xFFFFC000  }
0x36: {  	[tilespmem:s14], [sflag:$0x5] =	stream.linear.gather [hbm4b:s21+s3], $0x80, $0x38;
	[tilespmem:$0x8100] =	vst v63  }
0x37: {  	_ =	swait.ge [sflag:s13], $0x80  }
0x38: {  	[sflag:s13] =	ssyncset.done $0x0  }
0x39: {  	[sflag:s13] =	ssyncadd.s32 $0xFFFFFF80  }
0x3a: {  	[tilespmem:s11], [sflag:$0x2] =	stream.indirect.gather [hbm4b:s2+s14], $0x80, s14, s14, $0xb8;
	[tilespmem:$0x8100] =	vst v63  }
0x3b: {  	_ =	swait.ge [sflag:s16], $0x4000  }
0x3c: {  	[sflag:s16] =	ssyncset.done $0x0  }
.Ltmp0:
0x3d: {  	[sflag:s16] =	ssyncadd.s32 $0xFFFFC000;
	(pc) =	sbr.rel @p0 .LBB2_2-.Ltmp0, $4  }
0x3e: {  	[hbm4b:s20+s3] =	stream.linear.scatter [tilespmem:s10], [sflag:$0x3], $0x4000, $0x38;
	[tilespmem:$0x8100] =	vst v63  }
0x3f: {  	_ =	swait.ge [sflag:s17], $0x4000  }
0x40: {  	[sflag:s17] =	ssyncset.done $0x0  }
0x41: {  	s21 =	sadd.s32 $0x800, s20;
	s20 =	sadd.s32 $0x1000, s20;
	[sflag:s17] =	ssyncadd.s32 $0xFFFFC000  }
0x42: {  	[hbm4b:s21+s3] =	stream.linear.scatter [tilespmem:s11], [sflag:$0x4], $0x4000, $0x38;
	[tilespmem:$0x8100] =	vst v63  }
0x43: {  	s18 =	sadd.s32 $0x1, s18  }
0x44: {  	_ =	swait.ge [sflag:s12], $0x4000;
	p0 =	sne.s32 s18, s6  }
.Ltmp1:
0x45: {  	[sflag:s12] =	ssyncset.done $0x0;
	(pc) =	sbr.rel @p0 .LBB2_1-.Ltmp1, $4  }
0x46: {  	[sflag:s12] =	ssyncadd.s32 $0xFFFFC000  }
0x47: {  	_ =	swait.ge [sflag:s15], $0x4000  }
0x48: {  	[sflag:s15] =	ssyncset.done $0x0  }
0x49: {  	[sflag:s15] =	ssyncadd.s32 $0xFFFFC000  }
0x4a: {  	_ =	sfence.sel $0x180000  }
0x4b: {  	[bflag:$0x0] =	sbarrier.arrive $0xFFFF  }
0x4c: {  	p0 =	sne.s32 s0, $0x0;
	_ =	strace $0x90000047  }
0x4d: {  	s0 =	sadd.s32 @!p0 $0x100000, s1;
	[bflag:$0x2] =	sbarrier.arrive $0xFFFF  }
0x4e: {  	[sflag:s0] =	ssyncadd.tile.s32 @!p0 $0x1;
	_ =	shalt  }
.Lfunc_end2:
_tile_overlayer_lowered:
.L_overlay_start_2:
0x4f: {  	(tag) =	ssettag $0x2  }
0x50: {  	s0 =	rddreg [dreg:$0x0];
	s2 =	stileid.u32  }
0x51: {  	s1 =	rddreg [dreg:$0x1];
	p0 =	sne.s32 s2, $0x0  }
0x52: {  	s3 =	rddreg [dreg:$0x2];
	[bflag:$0x3] =	sbarrier.arrive $0xFFFF;
	s2 =	simm.s32 @!p0 $0x1C05  }
0x53: {  	[timem:s3], [sflag:s2] =	dma.local @!p0 [hbm:s0], s1  }
0x54: {  	s0 =	simm.s32 @!p0 $0x5  }
0x55: {  	_ =	swait.ge @!p0 [sflag:s0], s1  }
0x56: {  	s1 =	ssub.s32 @!p0 $0x0, s1;
	[sflag:s0] =	ssyncset.done @!p0 $0x0  }
0x57: {  	[sflag:s0] =	ssyncadd.s32 @!p0 s1  }
0x58: {  	[bflag:$0x3] =	sbarrier.arrive $0xFFFF  }
0x59: {  	_ =	shalt  }

</sc_bundles>
